<compile_context>
chip_gen: v7x
topology: tpu7x:2x2x1
jax: 0.10.2.dev20260603
libtpu: 0.0.44.dev20260713+nightly
codegen_flags: <defaults>
</compile_context>

<pallas_src>
import functools

import jax
import jax.numpy as jnp
from jax import lax
from jax.experimental import pallas as pl
from jax.experimental.pallas import tpu as pltpu
from jax.experimental.pallas import tpu_sc as plsc

N = 10000
NP = 10240
E = 320000
D = 128
NC = 2
NS = 16
NW = NC * NS
CH = 104
NF = 96
CT = 16
EPW = E // NW
CHD = 80
NCHD = 125
RPW = NP // NS

_mesh = plsc.VectorSubcoreMesh(core_axis_name="c", subcore_axis_name="s")



@functools.partial(
    pl.kernel,
    mesh=_mesh,
    out_type=jax.ShapeDtypeStruct((NC, NS, RPW), jnp.float32),
    scratch_types=[
        pltpu.VMEM((NCHD, CHD), jnp.int32),
        pltpu.VMEM((CHD,), jnp.float32),
        pltpu.VMEM_SHARED((NP,), jnp.float32),
    ],
)
def _deg_kernel(dst_hbm, ones_hbm, zeros_hbm, out_hbm, idx_v, ones_v, acc_sh):
    cid = lax.axis_index("c")
    sid = lax.axis_index("s")
    wid = sid * NC + cid
    pltpu.sync_copy(dst_hbm.at[wid], idx_v)
    pltpu.sync_copy(ones_hbm, ones_v)
    pltpu.sync_copy(zeros_hbm, acc_sh.at[pl.ds(sid * RPW, RPW)])
    plsc.subcore_barrier()

    def body(j, carry):
        pltpu.sync_copy(ones_v, acc_sh.at[idx_v.at[j]], add=True)
        return carry

    lax.fori_loop(0, NCHD, body, 0)
    plsc.subcore_barrier()
    pltpu.sync_copy(acc_sh.at[pl.ds(sid * RPW, RPW)], out_hbm.at[cid, sid])


@functools.partial(
    pl.kernel,
    mesh=_mesh,
    out_type=jax.ShapeDtypeStruct((NC, NS, RPW, D), jnp.float32),
    scratch_types=[
        pltpu.VMEM((CH,), jnp.int32),
        pltpu.VMEM((CH,), jnp.int32),
        pltpu.VMEM((CH,), jnp.int32),
        pltpu.VMEM((CH,), jnp.int32),
        pltpu.VMEM((CH,), jnp.int32),
        pltpu.VMEM((CH,), jnp.int32),
        pltpu.VMEM((CT,), jnp.int32),
        pltpu.VMEM((CT,), jnp.int32),
        pltpu.VMEM((CH, D), jnp.float32),
        pltpu.VMEM((CH, D), jnp.float32),
        pltpu.VMEM_SHARED((NP, D), jnp.float32),
        pltpu.SemaphoreType.DMA,
        pltpu.SemaphoreType.DMA,
        pltpu.SemaphoreType.DMA,
        pltpu.SemaphoreType.DMA,
        pltpu.SemaphoreType.DMA,
        pltpu.SemaphoreType.DMA,
        pltpu.SemaphoreType.DMA,
        pltpu.SemaphoreType.DMA,
        pltpu.SemaphoreType.DMA,
        pltpu.SemaphoreType.DMA,
        pltpu.SemaphoreType.DMA,
        pltpu.SemaphoreType.DMA,
    ],
)
def _spmm_kernel(src_hbm, dst_hbm, y_hbm, zeros_hbm, out_hbm,
                 s0, s1, s2, d0, d1, d2, st, dt, ra, rb, acc_sh,
                 ps0, ps1, ps2, pd0, pd1, pd2, ga, gb, wa, wb, pst, pdt):
    cid = lax.axis_index("c")
    sid = lax.axis_index("s")
    wid = sid * NC + cid
    base = wid * EPW
    sv = [s0, s1, s2]
    dv = [d0, d1, d2]
    psem = [ps0, ps1, ps2]
    pdem = [pd0, pd1, pd2]
    rows = [ra, rb]
    gsem = [ga, gb]
    ssem = [wa, wb]

    pltpu.sync_copy(zeros_hbm, acc_sh.at[pl.ds(sid * RPW, RPW)])
    plsc.subcore_barrier()

    def fire_idx(j, k3):
        pltpu.async_copy(src_hbm.at[pl.ds(base + j * CH, CH)], sv[k3], psem[k3])
        pltpu.async_copy(dst_hbm.at[pl.ds(base + j * CH, CH)], dv[k3], pdem[k3])

    def wait_idx(buf, sem):
        pltpu.make_async_copy(src_hbm.at[pl.ds(0, CH)], buf, sem).wait()

    def wait_rows(buf, sem):
        pltpu.make_async_copy(y_hbm.at[s0], buf, sem).wait()

    def wait_scat(buf, sem):
        pltpu.make_async_copy(buf, acc_sh.at[d0], sem).wait()

    def step(t, m2, m3, s_wait, do_g, do_i):
        n2, n3 = (m2 + 1) % 2, (m3 + 1) % 3
        wait_idx(dv[m3], pdem[m3])
        wait_rows(rows[m2], gsem[m2])
        pltpu.async_copy(rows[m2], acc_sh.at[dv[m3]], ssem[m2], add=True)
        if s_wait:
            wait_scat(rows[n2], ssem[n2])
        if do_g:
            wait_idx(sv[n3], psem[n3])
            pltpu.async_copy(y_hbm.at[sv[n3]], rows[n2], gsem[n2])
        if do_i:
            fire_idx(t + 2, (m3 + 2) % 3)

    fire_idx(0, 0)
    fire_idx(1, 1)
    wait_idx(s0, ps0)
    pltpu.async_copy(y_hbm.at[s0], ra, ga)

    step(0, 0, 0, False, True, True)

    def body(u, carry):
        t = 6 * u + 1
        step(t, 1, 1, True, True, True)
        step(t + 1, 0, 2, True, True, True)
        step(t + 2, 1, 0, True, True, True)
        step(t + 3, 0, 1, True, True, True)
        step(t + 4, 1, 2, True, True, True)
        step(t + 5, 0, 0, True, True, True)
        return carry

    lax.fori_loop(0, 15, body, 0)
    for t in range(91, 94):
        step(t, t % 2, t % 3, True, True, True)
    step(94, 0, 1, True, True, False)
    pltpu.async_copy(src_hbm.at[pl.ds(base + NF * CH, CT)], st, pst)
    pltpu.async_copy(dst_hbm.at[pl.ds(base + NF * CH, CT)], dt, pdt)
    step(95, 1, 2, True, False, False)
    pltpu.make_async_copy(src_hbm.at[pl.ds(0, CT)], st, pst).wait()
    pltpu.async_copy(y_hbm.at[st], ra.at[pl.ds(0, CT)], ga)
    pltpu.make_async_copy(src_hbm.at[pl.ds(0, CT)], dt, pdt).wait()
    pltpu.make_async_copy(y_hbm.at[st], ra.at[pl.ds(0, CT)], ga).wait()
    pltpu.async_copy(ra.at[pl.ds(0, CT)], acc_sh.at[dt], wa, add=True)
    wait_scat(rows[1], ssem[1])
    pltpu.make_async_copy(ra.at[pl.ds(0, CT)], acc_sh.at[dt], wa).wait()
    plsc.subcore_barrier()
    pltpu.sync_copy(acc_sh.at[pl.ds(sid * RPW, RPW)], out_hbm.at[cid, sid])



_ROWS = 2048
_GRID = NP // _ROWS


def _dinv_block(deg_ref):
    d = deg_ref[0] + deg_ref[1]
    return jnp.broadcast_to(lax.rsqrt(1.0 + d), (_ROWS, D))


def _mm1_body(h_ref, w_ref, deg_ref, y1_ref):
    xw = jnp.dot(h_ref[...], w_ref[...], preferred_element_type=jnp.float32)
    y1_ref[...] = xw * _dinv_block(deg_ref)


def _mid_body(acc_ref, y_ref, deg_ref, b_ref, w_ref, y2_ref):
    dinv = _dinv_block(deg_ref)
    s = acc_ref[0] + acc_ref[1] + y_ref[...]
    x2 = jnp.sin(s * dinv + b_ref[...])
    xw = jnp.dot(x2, w_ref[...], preferred_element_type=jnp.float32)
    y2_ref[...] = xw * dinv


def _final_body(acc_ref, y_ref, deg_ref, b_ref, out_ref):
    s = acc_ref[0] + acc_ref[1] + y_ref[...]
    out_ref[...] = jnp.sin(s * _dinv_block(deg_ref) + b_ref[...])


def _row_spec():
    return pl.BlockSpec((_ROWS, D), lambda i: (i, 0))


def _acc_spec():
    return pl.BlockSpec((NC, _ROWS, D), lambda i: (0, i, 0))


def _deg_spec():
    return pl.BlockSpec((NC, _ROWS, 1), lambda i: (0, i, 0))


def _full_spec(shape):
    nd = len(shape)
    return pl.BlockSpec(shape, lambda i: (0,) * nd)


def _mm1(h2, W1, deg3):
    return pl.pallas_call(
        _mm1_body,
        grid=(_GRID,),
        in_specs=[_row_spec(), _full_spec((D, D)), _deg_spec()],
        out_specs=_row_spec(),
        out_shape=jax.ShapeDtypeStruct((NP, D), jnp.float32),
    )(h2, W1, deg3)


def _mid(acc, y1, deg3, b1, W2):
    return pl.pallas_call(
        _mid_body,
        grid=(_GRID,),
        in_specs=[_acc_spec(), _row_spec(), _deg_spec(),
                  _full_spec((1, D)), _full_spec((D, D))],
        out_specs=_row_spec(),
        out_shape=jax.ShapeDtypeStruct((NP, D), jnp.float32),
    )(acc, y1, deg3, b1, W2)


def _final(acc, y2, deg3, b2):
    return pl.pallas_call(
        _final_body,
        grid=(_GRID,),
        in_specs=[_acc_spec(), _row_spec(), _deg_spec(), _full_spec((1, D))],
        out_specs=_row_spec(),
        out_shape=jax.ShapeDtypeStruct((NP, D), jnp.float32),
    )(acc, y2, deg3, b2)



def kernel(t, h, edge_index, W1, b1, W2, b2):
    src1 = edge_index[0]
    dst1 = edge_index[1]
    dst3 = dst1.reshape(NW, NCHD, CHD)
    zeros_d = jnp.zeros((RPW, D), jnp.float32)
    zeros1 = jnp.zeros((RPW,), jnp.float32)
    ones1 = jnp.ones((CHD,), jnp.float32)
    h2 = h.reshape(N, D)
    b1r = b1.reshape(1, D)
    b2r = b2.reshape(1, D)

    deg = _deg_kernel(dst3, ones1, zeros1)
    deg3 = deg.reshape(NC, NP, 1)

    y1 = _mm1(h2, W1, deg3)
    acc1 = _spmm_kernel(src1, dst1, y1, zeros_d).reshape(NC, NP, D)
    y2 = _mid(acc1, y1, deg3, b1r, W2)
    acc2 = _spmm_kernel(src1, dst1, y2, zeros_d).reshape(NC, NP, D)
    out = _final(acc2, y2, deg3, b2r)
    return out[:N].reshape(1, N, D)

# --- scband reference (transcript-rebuilt; emitter-appended) ---
"""Pipeline reference for scband-graph-odefunc-7035156431297 (READ-ONLY COPY).

The authoritative reference and input builder live on the scoring server;
editing this copy changes nothing except your own understanding.
"""

import jax, jax.numpy as jnp
import numpy as np

N_NODES = 10000
N_EDGES = 320000
HIDDEN = 128
BATCH = 1


def setup_inputs(seed: int = 0) -> dict:
    key = jax.random.key(seed)
    k1, k2, k3, k4, k5, k6 = jax.random.split(key, 6)
    t = jnp.zeros((1,), dtype=jnp.float32)
    h = jax.random.normal(k1, (BATCH, N_NODES, HIDDEN), dtype=jnp.float32)
    edge_index = jax.random.randint(k2, (2, N_EDGES), 0, N_NODES, dtype=jnp.int32)
    scale = 1.0 / np.sqrt(HIDDEN)
    W1 = jax.random.normal(k3, (HIDDEN, HIDDEN), dtype=jnp.float32) * scale
    b1 = jax.random.normal(k4, (HIDDEN,), dtype=jnp.float32) * 0.01
    W2 = jax.random.normal(k5, (HIDDEN, HIDDEN), dtype=jnp.float32) * scale
    b2 = jax.random.normal(k6, (HIDDEN,), dtype=jnp.float32) * 0.01
    return {"t": t, "h": h, "edge_index": edge_index, "W1": W1, "b1": b1, "W2": W2, "b2": b2}


def _gcn_layer(x, src, dst, norm, W, b):
    # x: [N, B, D]; standard GCNConv: D^{-1/2} (A+I) D^{-1/2} X W + b
    x = x @ W  # linear transform on feature dim
    msgs = x[src] * norm[:, None, None]  # gather + edge normalization
    out = jax.ops.segment_sum(msgs, dst, num_segments=N_NODES)  # scatter-add
    return out + b


def reference(t, h, edge_index, W1, b1, W2, b2):
    # add self-loops (PyG GCNConv default)
    loops = jnp.arange(N_NODES, dtype=edge_index.dtype)
    src = jnp.concatenate([edge_index[0], loops])
    dst = jnp.concatenate([edge_index[1], loops])
    deg = jax.ops.segment_sum(jnp.ones(src.shape[0], dtype=jnp.float32), dst, num_segments=N_NODES)
    dinv = jnp.where(deg > 0, 1.0 / jnp.sqrt(deg), 0.0)
    norm = dinv[src] * dinv[dst]
    # h: [B, N, D] -> [N, B, D] so node axis leads for gather/segment ops
    x = jnp.transpose(h, (1, 0, 2))
    x = _gcn_layer(x, src, dst, norm, W1, b1)
    x = jnp.sin(x)  # PeriodicActivation (use_periodic_activation=True)
    x = _gcn_layer(x, src, dst, norm, W2, b2)
    x = jnp.sin(x)
    return jnp.transpose(x, (1, 0, 2))

if __name__ == "__main__":
    import jax
    _d = setup_inputs()
    print(jax.jit(kernel)(*tuple(_d.values())))

</pallas_src>

<mosaic_0001>
#map = affine_map<(d0, d1) -> (0)>
#map1 = affine_map<(d0, d1) -> (0, 0)>
#map2 = affine_map<(d0, d1) -> (0, 0, 0, 0)>
module attributes {stable_mosaic.version = 14 : i64} {
  func.func @_spmm_kernel(%arg0: i32, %arg1: i32, %arg2: memref<320000xi32, #tpu.memory_space<hbm>>, %arg3: memref<320000xi32, #tpu.memory_space<hbm>>, %arg4: memref<10240x128xf32, #tpu.memory_space<hbm>>, %arg5: memref<640x128xf32, #tpu.memory_space<hbm>>, %arg6: memref<2x16x640x128xf32, #tpu.memory_space<hbm>>, %arg7: memref<104xi32, #tpu.memory_space<vmem>>, %arg8: memref<104xi32, #tpu.memory_space<vmem>>, %arg9: memref<104xi32, #tpu.memory_space<vmem>>, %arg10: memref<104xi32, #tpu.memory_space<vmem>>, %arg11: memref<104xi32, #tpu.memory_space<vmem>>, %arg12: memref<104xi32, #tpu.memory_space<vmem>>, %arg13: memref<16xi32, #tpu.memory_space<vmem>>, %arg14: memref<16xi32, #tpu.memory_space<vmem>>, %arg15: memref<104x128xf32, #tpu.memory_space<vmem>>, %arg16: memref<104x128xf32, #tpu.memory_space<vmem>>, %arg17: memref<10240x128xf32, #tpu.memory_space<vmem_shared>>, %arg18: memref<!tpu.dma_semaphore, #tpu.memory_space<semaphore_mem>>, %arg19: memref<!tpu.dma_semaphore, #tpu.memory_space<semaphore_mem>>, %arg20: memref<!tpu.dma_semaphore, #tpu.memory_space<semaphore_mem>>, %arg21: memref<!tpu.dma_semaphore, #tpu.memory_space<semaphore_mem>>, %arg22: memref<!tpu.dma_semaphore, #tpu.memory_space<semaphore_mem>>, %arg23: memref<!tpu.dma_semaphore, #tpu.memory_space<semaphore_mem>>, %arg24: memref<!tpu.dma_semaphore, #tpu.memory_space<semaphore_mem>>, %arg25: memref<!tpu.dma_semaphore, #tpu.memory_space<semaphore_mem>>, %arg26: memref<!tpu.dma_semaphore, #tpu.memory_space<semaphore_mem>>, %arg27: memref<!tpu.dma_semaphore, #tpu.memory_space<semaphore_mem>>, %arg28: memref<!tpu.dma_semaphore, #tpu.memory_space<semaphore_mem>>, %arg29: memref<!tpu.dma_semaphore, #tpu.memory_space<semaphore_mem>>) attributes {dimension_semantics = [#tpu.dimension_semantics<core_parallel>, #tpu.dimension_semantics<subcore_parallel>], iteration_bounds = array<i64: 2, 16>, scalar_prefetch = 0 : i64, scratch_operands = 23 : i64, tpu.core_type = #tpu.core_type<sc_vector_subcore>, window_params = [{transform_indices = #map}, {transform_indices = #map}, {transform_indices = #map1}, {transform_indices = #map1}, {transform_indices = #map2}]} {
    %mul3A = arith.constant 2 : i32
    %mul3A_0 = arith.muli %arg1, %mul3A : i32
    %add3A = arith.addi %mul3A_0, %arg0 : i32
    %mul3A_1 = arith.constant 10000 : i32
    %mul3A_2 = arith.muli %add3A, %mul3A_1 : i32
    %mul3A_3 = arith.constant 640 : i32
    %mul3A_4 = arith.muli %arg1, %mul3A_3 : i32
    "tpu.region"() ({
      %run_scoped3A = tpu.sem_alloc : memref<!tpu.dma_semaphore, #tpu.memory_space<semaphore_mem>>
      %dma_start3A_219 = arith.constant 0 : i32
      %dma_start3A_220 = tpu.memref_slice %arg17[%mul3A_4, %dma_start3A_219] : memref<10240x128xf32, #tpu.memory_space<vmem_shared>> -> memref<640x128xf32, #tpu.memory_space<vmem_shared>>
      tpu.enqueue_dma source(%arg5 : memref<640x128xf32, #tpu.memory_space<hbm>>) target(%dma_start3A_220 : memref<640x128xf32, #tpu.memory_space<vmem_shared>>) target_semaphore(%run_scoped3A : memref<!tpu.dma_semaphore, #tpu.memory_space<semaphore_mem>>)
      %dma_wait3A_221 = arith.constant 0 : i32
      %dma_wait3A_222 = tpu.memref_slice %arg17[%mul3A_4, %dma_wait3A_221] : memref<10240x128xf32, #tpu.memory_space<vmem_shared>> -> memref<640x128xf32, #tpu.memory_space<vmem_shared>>
      tpu.wait_dma2 semaphore(%run_scoped3A : memref<!tpu.dma_semaphore, #tpu.memory_space<semaphore_mem>>) src(%arg5 : memref<640x128xf32, #tpu.memory_space<hbm>>) dst(%dma_wait3A_222 : memref<640x128xf32, #tpu.memory_space<vmem_shared>>)
      tpu.yield
    }) : () -> ()
    %barrier3A = arith.constant 0 : index
    tpu.barrier barrier_id(%barrier3A)
    %add3A_5 = arith.constant 0 : i32
    %add3A_6 = arith.addi %mul3A_2, %add3A_5 : i32
    %dma_start3A = tpu.memref_slice %arg2[%add3A_6] : memref<320000xi32, #tpu.memory_space<hbm>> -> memref<104xi32, #tpu.memory_space<hbm>>
    %dma_start3A_7 = tpu.memref_slice %arg2[%add3A_6] : memref<320000xi32, #tpu.memory_space<hbm>> -> memref<104xi32, #tpu.memory_space<hbm>>
    tpu.enqueue_dma source(%dma_start3A_7 : memref<104xi32, #tpu.memory_space<hbm>>) target(%arg7 : memref<104xi32, #tpu.memory_space<vmem>>) target_semaphore(%arg18 : memref<!tpu.dma_semaphore, #tpu.memory_space<semaphore_mem>>)
    %add3A_8 = arith.constant 0 : i32
    %add3A_9 = arith.addi %mul3A_2, %add3A_8 : i32
    %dma_start3A_10 = tpu.memref_slice %arg3[%add3A_9] : memref<320000xi32, #tpu.memory_space<hbm>> -> memref<104xi32, #tpu.memory_space<hbm>>
    %dma_start3A_11 = tpu.memref_slice %arg3[%add3A_9] : memref<320000xi32, #tpu.memory_space<hbm>> -> memref<104xi32, #tpu.memory_space<hbm>>
    tpu.enqueue_dma source(%dma_start3A_11 : memref<104xi32, #tpu.memory_space<hbm>>) target(%arg10 : memref<104xi32, #tpu.memory_space<vmem>>) target_semaphore(%arg21 : memref<!tpu.dma_semaphore, #tpu.memory_space<semaphore_mem>>)
    %add3A_12 = arith.constant 104 : i32
    %add3A_13 = arith.addi %mul3A_2, %add3A_12 : i32
    %dma_start3A_14 = tpu.memref_slice %arg2[%add3A_13] : memref<320000xi32, #tpu.memory_space<hbm>> -> memref<104xi32, #tpu.memory_space<hbm>>
    %dma_start3A_15 = tpu.memref_slice %arg2[%add3A_13] : memref<320000xi32, #tpu.memory_space<hbm>> -> memref<104xi32, #tpu.memory_space<hbm>>
    tpu.enqueue_dma source(%dma_start3A_15 : memref<104xi32, #tpu.memory_space<hbm>>) target(%arg8 : memref<104xi32, #tpu.memory_space<vmem>>) target_semaphore(%arg19 : memref<!tpu.dma_semaphore, #tpu.memory_space<semaphore_mem>>)
    %add3A_16 = arith.constant 104 : i32
    %add3A_17 = arith.addi %mul3A_2, %add3A_16 : i32
    %dma_start3A_18 = tpu.memref_slice %arg3[%add3A_17] : memref<320000xi32, #tpu.memory_space<hbm>> -> memref<104xi32, #tpu.memory_space<hbm>>
    %dma_start3A_19 = tpu.memref_slice %arg3[%add3A_17] : memref<320000xi32, #tpu.memory_space<hbm>> -> memref<104xi32, #tpu.memory_space<hbm>>
    tpu.enqueue_dma source(%dma_start3A_19 : memref<104xi32, #tpu.memory_space<hbm>>) target(%arg11 : memref<104xi32, #tpu.memory_space<vmem>>) target_semaphore(%arg22 : memref<!tpu.dma_semaphore, #tpu.memory_space<semaphore_mem>>)
    %dma_wait3A = arith.constant 0 : i32
    %dma_wait3A_20 = tpu.memref_slice %arg2[%dma_wait3A] : memref<320000xi32, #tpu.memory_space<hbm>> -> memref<104xi32, #tpu.memory_space<hbm>>
    %dma_wait3A_21 = arith.constant 0 : i32
    %dma_wait3A_22 = tpu.memref_slice %arg2[%dma_wait3A_21] : memref<320000xi32, #tpu.memory_space<hbm>> -> memref<104xi32, #tpu.memory_space<hbm>>
    tpu.wait_dma2 semaphore(%arg18 : memref<!tpu.dma_semaphore, #tpu.memory_space<semaphore_mem>>) src(%dma_wait3A_22 : memref<104xi32, #tpu.memory_space<hbm>>) dst(%arg7 : memref<104xi32, #tpu.memory_space<vmem>>)
    %dma_start3A_23 = arith.constant 0 : i32
    %dma_start3A_24 = arith.constant 0 : i32
    %dma_start3A_25 = tpu.memref_slice %arg4[%dma_start3A_23, %dma_start3A_24] : memref<10240x128xf32, #tpu.memory_space<hbm>> -> memref<10240x128xf32, #tpu.memory_space<hbm>>
    tpu.enqueue_indirect_dma source(%dma_start3A_25 : memref<10240x128xf32, #tpu.memory_space<hbm>>) target(%arg15 : memref<104x128xf32, #tpu.memory_space<vmem>>) offsets(%arg7 : memref<104xi32, #tpu.memory_space<vmem>>) semaphore(%arg24 : memref<!tpu.dma_semaphore, #tpu.memory_space<semaphore_mem>>)
    %dma_wait3A_26 = arith.constant 0 : i32
    %dma_wait3A_27 = tpu.memref_slice %arg2[%dma_wait3A_26] : memref<320000xi32, #tpu.memory_space<hbm>> -> memref<104xi32, #tpu.memory_space<hbm>>
    %dma_wait3A_28 = arith.constant 0 : i32
    %dma_wait3A_29 = tpu.memref_slice %arg2[%dma_wait3A_28] : memref<320000xi32, #tpu.memory_space<hbm>> -> memref<104xi32, #tpu.memory_space<hbm>>
    tpu.wait_dma2 semaphore(%arg21 : memref<!tpu.dma_semaphore, #tpu.memory_space<semaphore_mem>>) src(%dma_wait3A_29 : memref<104xi32, #tpu.memory_space<hbm>>) dst(%arg10 : memref<104xi32, #tpu.memory_space<vmem>>)
    %dma_wait3A_30 = arith.constant 0 : i32
    %dma_wait3A_31 = arith.constant 0 : i32
    %dma_wait3A_32 = tpu.memref_slice %arg4[%dma_wait3A_30, %dma_wait3A_31] : memref<10240x128xf32, #tpu.memory_space<hbm>> -> memref<10240x128xf32, #tpu.memory_space<hbm>>
    tpu.wait_indirect_dma semaphore(%arg24 : memref<!tpu.dma_semaphore, #tpu.memory_space<semaphore_mem>>) src(%dma_wait3A_32 : memref<10240x128xf32, #tpu.memory_space<hbm>>) dst(%arg15 : memref<104x128xf32, #tpu.memory_space<vmem>>)
    %dma_start3A_33 = arith.constant 0 : i32
    %dma_start3A_34 = arith.constant 0 : i32
    %dma_start3A_35 = tpu.memref_slice %arg17[%dma_start3A_33, %dma_start3A_34] : memref<10240x128xf32, #tpu.memory_space<vmem_shared>> -> memref<10240x128xf32, #tpu.memory_space<vmem_shared>>
    tpu.enqueue_indirect_dma source(%arg15 : memref<104x128xf32, #tpu.memory_space<vmem>>) target(%dma_start3A_35 : memref<10240x128xf32, #tpu.memory_space<vmem_shared>>) offsets(%arg10 : memref<104xi32, #tpu.memory_space<vmem>>) semaphore(%arg26 : memref<!tpu.dma_semaphore, #tpu.memory_space<semaphore_mem>>) {add = true}
    %dma_wait3A_36 = arith.constant 0 : i32
    %dma_wait3A_37 = tpu.memref_slice %arg2[%dma_wait3A_36] : memref<320000xi32, #tpu.memory_space<hbm>> -> memref<104xi32, #tpu.memory_space<hbm>>
    %dma_wait3A_38 = arith.constant 0 : i32
    %dma_wait3A_39 = tpu.memref_slice %arg2[%dma_wait3A_38] : memref<320000xi32, #tpu.memory_space<hbm>> -> memref<104xi32, #tpu.memory_space<hbm>>
    tpu.wait_dma2 semaphore(%arg19 : memref<!tpu.dma_semaphore, #tpu.memory_space<semaphore_mem>>) src(%dma_wait3A_39 : memref<104xi32, #tpu.memory_space<hbm>>) dst(%arg8 : memref<104xi32, #tpu.memory_space<vmem>>)
    %dma_start3A_40 = arith.constant 0 : i32
    %dma_start3A_41 = arith.constant 0 : i32
    %dma_start3A_42 = tpu.memref_slice %arg4[%dma_start3A_40, %dma_start3A_41] : memref<10240x128xf32, #tpu.memory_space<hbm>> -> memref<10240x128xf32, #tpu.memory_space<hbm>>
    tpu.enqueue_indirect_dma source(%dma_start3A_42 : memref<10240x128xf32, #tpu.memory_space<hbm>>) target(%arg16 : memref<104x128xf32, #tpu.memory_space<vmem>>) offsets(%arg8 : memref<104xi32, #tpu.memory_space<vmem>>) semaphore(%arg25 : memref<!tpu.dma_semaphore, #tpu.memory_space<semaphore_mem>>)
    %add3A_43 = arith.constant 208 : i32
    %add3A_44 = arith.addi %mul3A_2, %add3A_43 : i32
    %dma_start3A_45 = tpu.memref_slice %arg2[%add3A_44] : memref<320000xi32, #tpu.memory_space<hbm>> -> memref<104xi32, #tpu.memory_space<hbm>>
    %dma_start3A_46 = tpu.memref_slice %arg2[%add3A_44] : memref<320000xi32, #tpu.memory_space<hbm>> -> memref<104xi32, #tpu.memory_space<hbm>>
    tpu.enqueue_dma source(%dma_start3A_46 : memref<104xi32, #tpu.memory_space<hbm>>) target(%arg9 : memref<104xi32, #tpu.memory_space<vmem>>) target_semaphore(%arg20 : memref<!tpu.dma_semaphore, #tpu.memory_space<semaphore_mem>>)
    %add3A_47 = arith.constant 208 : i32
    %add3A_48 = arith.addi %mul3A_2, %add3A_47 : i32
    %dma_start3A_49 = tpu.memref_slice %arg3[%add3A_48] : memref<320000xi32, #tpu.memory_space<hbm>> -> memref<104xi32, #tpu.memory_space<hbm>>
    %dma_start3A_50 = tpu.memref_slice %arg3[%add3A_48] : memref<320000xi32, #tpu.memory_space<hbm>> -> memref<104xi32, #tpu.memory_space<hbm>>
    tpu.enqueue_dma source(%dma_start3A_50 : memref<104xi32, #tpu.memory_space<hbm>>) target(%arg12 : memref<104xi32, #tpu.memory_space<vmem>>) target_semaphore(%arg23 : memref<!tpu.dma_semaphore, #tpu.memory_space<semaphore_mem>>)
    %scan3A = arith.constant 0 : i32
    %scan3A_51 = arith.constant 0 : i32
    %scan3A_52 = arith.constant 15 : i32
    %scan3A_53 = arith.addi %scan3A_51, %scan3A_52 : i32
    %scan3A_54 = arith.constant 1 : i32
    scf.for %scan3A_219 = %scan3A_51 to %scan3A_53 step %scan3A_54  : i32 {
      %mul3A_220 = arith.constant 6 : i32
      %mul3A_221 = arith.muli %mul3A_220, %scan3A_219 : i32
      %add3A_222 = arith.constant 1 : i32
      %add3A_223 = arith.addi %mul3A_221, %add3A_222 : i32
      %dma_wait3A_224 = arith.constant 0 : i32
      %dma_wait3A_225 = tpu.memref_slice %arg2[%dma_wait3A_224] : memref<320000xi32, #tpu.memory_space<hbm>> -> memref<104xi32, #tpu.memory_space<hbm>>
      %dma_wait3A_226 = arith.constant 0 : i32
      %dma_wait3A_227 = tpu.memref_slice %arg2[%dma_wait3A_226] : memref<320000xi32, #tpu.memory_space<hbm>> -> memref<104xi32, #tpu.memory_space<hbm>>
      tpu.wait_dma2 semaphore(%arg22 : memref<!tpu.dma_semaphore, #tpu.memory_space<semaphore_mem>>) src(%dma_wait3A_227 : memref<104xi32, #tpu.memory_space<hbm>>) dst(%arg11 : memref<104xi32, #tpu.memory_space<vmem>>)
      %dma_wait3A_228 = arith.constant 0 : i32
      %dma_wait3A_229 = arith.constant 0 : i32
      %dma_wait3A_230 = tpu.memref_slice %arg4[%dma_wait3A_228, %dma_wait3A_229] : memref<10240x128xf32, #tpu.memory_space<hbm>> -> memref<10240x128xf32, #tpu.memory_space<hbm>>
      tpu.wait_indirect_dma semaphore(%arg25 : memref<!tpu.dma_semaphore, #tpu.memory_space<semaphore_mem>>) src(%dma_wait3A_230 : memref<10240x128xf32, #tpu.memory_space<hbm>>) dst(%arg16 : memref<104x128xf32, #tpu.memory_space<vmem>>)
      %dma_start3A_231 = arith.constant 0 : i32
      %dma_start3A_232 = arith.constant 0 : i32
      %dma_start3A_233 = tpu.memref_slice %arg17[%dma_start3A_231, %dma_start3A_232] : memref<10240x128xf32, #tpu.memory_space<vmem_shared>> -> memref<10240x128xf32, #tpu.memory_space<vmem_shared>>
      tpu.enqueue_indirect_dma source(%arg16 : memref<104x128xf32, #tpu.memory_space<vmem>>) target(%dma_start3A_233 : memref<10240x128xf32, #tpu.memory_space<vmem_shared>>) offsets(%arg11 : memref<104xi32, #tpu.memory_space<vmem>>) semaphore(%arg27 : memref<!tpu.dma_semaphore, #tpu.memory_space<semaphore_mem>>) {add = true}
      %dma_wait3A_234 = arith.constant 0 : i32
      %dma_wait3A_235 = arith.constant 0 : i32
      %dma_wait3A_236 = tpu.memref_slice %arg17[%dma_wait3A_234, %dma_wait3A_235] : memref<10240x128xf32, #tpu.memory_space<vmem_shared>> -> memref<10240x128xf32, #tpu.memory_space<vmem_shared>>
      tpu.wait_indirect_dma semaphore(%arg26 : memref<!tpu.dma_semaphore, #tpu.memory_space<semaphore_mem>>) src(%arg15 : memref<104x128xf32, #tpu.memory_space<vmem>>) dst(%dma_wait3A_236 : memref<10240x128xf32, #tpu.memory_space<vmem_shared>>)
      %dma_wait3A_237 = arith.constant 0 : i32
      %dma_wait3A_238 = tpu.memref_slice %arg2[%dma_wait3A_237] : memref<320000xi32, #tpu.memory_space<hbm>> -> memref<104xi32, #tpu.memory_space<hbm>>
      %dma_wait3A_239 = arith.constant 0 : i32
      %dma_wait3A_240 = tpu.memref_slice %arg2[%dma_wait3A_239] : memref<320000xi32, #tpu.memory_space<hbm>> -> memref<104xi32, #tpu.memory_space<hbm>>
      tpu.wait_dma2 semaphore(%arg20 : memref<!tpu.dma_semaphore, #tpu.memory_space<semaphore_mem>>) src(%dma_wait3A_240 : memref<104xi32, #tpu.memory_space<hbm>>) dst(%arg9 : memref<104xi32, #tpu.memory_space<vmem>>)
      %dma_start3A_241 = arith.constant 0 : i32
      %dma_start3A_242 = arith.constant 0 : i32
      %dma_start3A_243 = tpu.memref_slice %arg4[%dma_start3A_241, %dma_start3A_242] : memref<10240x128xf32, #tpu.memory_space<hbm>> -> memref<10240x128xf32, #tpu.memory_space<hbm>>
      tpu.enqueue_indirect_dma source(%dma_start3A_243 : memref<10240x128xf32, #tpu.memory_space<hbm>>) target(%arg15 : memref<104x128xf32, #tpu.memory_space<vmem>>) offsets(%arg9 : memref<104xi32, #tpu.memory_space<vmem>>) semaphore(%arg24 : memref<!tpu.dma_semaphore, #tpu.memory_space<semaphore_mem>>)
      %add3A_244 = arith.constant 2 : i32
      %add3A_245 = arith.addi %add3A_223, %add3A_244 : i32
      %mul3A_246 = arith.constant 104 : i32
      %mul3A_247 = arith.muli %add3A_245, %mul3A_246 : i32
      %add3A_248 = arith.addi %mul3A_2, %mul3A_247 : i32
      %dma_start3A_249 = tpu.memref_slice %arg2[%add3A_248] : memref<320000xi32, #tpu.memory_space<hbm>> -> memref<104xi32, #tpu.memory_space<hbm>>
      %dma_start3A_250 = tpu.memref_slice %arg2[%add3A_248] : memref<320000xi32, #tpu.memory_space<hbm>> -> memref<104xi32, #tpu.memory_space<hbm>>
      tpu.enqueue_dma source(%dma_start3A_250 : memref<104xi32, #tpu.memory_space<hbm>>) target(%arg7 : memref<104xi32, #tpu.memory_space<vmem>>) target_semaphore(%arg18 : memref<!tpu.dma_semaphore, #tpu.memory_space<semaphore_mem>>)
      %mul3A_251 = arith.constant 104 : i32
      %mul3A_252 = arith.muli %add3A_245, %mul3A_251 : i32
      %add3A_253 = arith.addi %mul3A_2, %mul3A_252 : i32
      %dma_start3A_254 = tpu.memref_slice %arg3[%add3A_253] : memref<320000xi32, #tpu.memory_space<hbm>> -> memref<104xi32, #tpu.memory_space<hbm>>
      %dma_start3A_255 = tpu.memref_slice %arg3[%add3A_253] : memref<320000xi32, #tpu.memory_space<hbm>> -> memref<104xi32, #tpu.memory_space<hbm>>
      tpu.enqueue_dma source(%dma_start3A_255 : memref<104xi32, #tpu.memory_space<hbm>>) target(%arg10 : memref<104xi32, #tpu.memory_space<vmem>>) target_semaphore(%arg21 : memref<!tpu.dma_semaphore, #tpu.memory_space<semaphore_mem>>)
      %add3A_256 = arith.constant 1 : i32
      %add3A_257 = arith.addi %add3A_223, %add3A_256 : i32
      %dma_wait3A_258 = arith.constant 0 : i32
      %dma_wait3A_259 = tpu.memref_slice %arg2[%dma_wait3A_258] : memref<320000xi32, #tpu.memory_space<hbm>> -> memref<104xi32, #tpu.memory_space<hbm>>
      %dma_wait3A_260 = arith.constant 0 : i32
      %dma_wait3A_261 = tpu.memref_slice %arg2[%dma_wait3A_260] : memref<320000xi32, #tpu.memory_space<hbm>> -> memref<104xi32, #tpu.memory_space<hbm>>
      tpu.wait_dma2 semaphore(%arg23 : memref<!tpu.dma_semaphore, #tpu.memory_space<semaphore_mem>>) src(%dma_wait3A_261 : memref<104xi32, #tpu.memory_space<hbm>>) dst(%arg12 : memref<104xi32, #tpu.memory_space<vmem>>)
      %dma_wait3A_262 = arith.constant 0 : i32
      %dma_wait3A_263 = arith.constant 0 : i32
      %dma_wait3A_264 = tpu.memref_slice %arg4[%dma_wait3A_262, %dma_wait3A_263] : memref<10240x128xf32, #tpu.memory_space<hbm>> -> memref<10240x128xf32, #tpu.memory_space<hbm>>
      tpu.wait_indirect_dma semaphore(%arg24 : memref<!tpu.dma_semaphore, #tpu.memory_space<semaphore_mem>>) src(%dma_wait3A_264 : memref<10240x128xf32, #tpu.memory_space<hbm>>) dst(%arg15 : memref<104x128xf32, #tpu.memory_space<vmem>>)
      %dma_start3A_265 = arith.constant 0 : i32
      %dma_start3A_266 = arith.constant 0 : i32
      %dma_start3A_267 = tpu.memref_slice %arg17[%dma_start3A_265, %dma_start3A_266] : memref<10240x128xf32, #tpu.memory_space<vmem_shared>> -> memref<10240x128xf32, #tpu.memory_space<vmem_shared>>
      tpu.enqueue_indirect_dma source(%arg15 : memref<104x128xf32, #tpu.memory_space<vmem>>) target(%dma_start3A_267 : memref<10240x128xf32, #tpu.memory_space<vmem_shared>>) offsets(%arg12 : memref<104xi32, #tpu.memory_space<vmem>>) semaphore(%arg26 : memref<!tpu.dma_semaphore, #tpu.memory_space<semaphore_mem>>) {add = true}
      %dma_wait3A_268 = arith.constant 0 : i32
      %dma_wait3A_269 = arith.constant 0 : i32
      %dma_wait3A_270 = tpu.memref_slice %arg17[%dma_wait3A_268, %dma_wait3A_269] : memref<10240x128xf32, #tpu.memory_space<vmem_shared>> -> memref<10240x128xf32, #tpu.memory_space<vmem_shared>>
      tpu.wait_indirect_dma semaphore(%arg27 : memref<!tpu.dma_semaphore, #tpu.memory_space<semaphore_mem>>) src(%arg16 : memref<104x128xf32, #tpu.memory_space<vmem>>) dst(%dma_wait3A_270 : memref<10240x128xf32, #tpu.memory_space<vmem_shared>>)
      %dma_wait3A_271 = arith.constant 0 : i32
      %dma_wait3A_272 = tpu.memref_slice %arg2[%dma_wait3A_271] : memref<320000xi32, #tpu.memory_space<hbm>> -> memref<104xi32, #tpu.memory_space<hbm>>
      %dma_wait3A_273 = arith.constant 0 : i32
      %dma_wait3A_274 = tpu.memref_slice %arg2[%dma_wait3A_273] : memref<320000xi32, #tpu.memory_space<hbm>> -> memref<104xi32, #tpu.memory_space<hbm>>
      tpu.wait_dma2 semaphore(%arg18 : memref<!tpu.dma_semaphore, #tpu.memory_space<semaphore_mem>>) src(%dma_wait3A_274 : memref<104xi32, #tpu.memory_space<hbm>>) dst(%arg7 : memref<104xi32, #tpu.memory_space<vmem>>)
      %dma_start3A_275 = arith.constant 0 : i32
      %dma_start3A_276 = arith.constant 0 : i32
      %dma_start3A_277 = tpu.memref_slice %arg4[%dma_start3A_275, %dma_start3A_276] : memref<10240x128xf32, #tpu.memory_space<hbm>> -> memref<10240x128xf32, #tpu.memory_space<hbm>>
      tpu.enqueue_indirect_dma source(%dma_start3A_277 : memref<10240x128xf32, #tpu.memory_space<hbm>>) target(%arg16 : memref<104x128xf32, #tpu.memory_space<vmem>>) offsets(%arg7 : memref<104xi32, #tpu.memory_space<vmem>>) semaphore(%arg25 : memref<!tpu.dma_semaphore, #tpu.memory_space<semaphore_mem>>)
      %add3A_278 = arith.constant 2 : i32
      %add3A_279 = arith.addi %add3A_257, %add3A_278 : i32
      %mul3A_280 = arith.constant 104 : i32
      %mul3A_281 = arith.muli %add3A_279, %mul3A_280 : i32
      %add3A_282 = arith.addi %mul3A_2, %mul3A_281 : i32
      %dma_start3A_283 = tpu.memref_slice %arg2[%add3A_282] : memref<320000xi32, #tpu.memory_space<hbm>> -> memref<104xi32, #tpu.memory_space<hbm>>
      %dma_start3A_284 = tpu.memref_slice %arg2[%add3A_282] : memref<320000xi32, #tpu.memory_space<hbm>> -> memref<104xi32, #tpu.memory_space<hbm>>
      tpu.enqueue_dma source(%dma_start3A_284 : memref<104xi32, #tpu.memory_space<hbm>>) target(%arg8 : memref<104xi32, #tpu.memory_space<vmem>>) target_semaphore(%arg19 : memref<!tpu.dma_semaphore, #tpu.memory_space<semaphore_mem>>)
      %mul3A_285 = arith.constant 104 : i32
      %mul3A_286 = arith.muli %add3A_279, %mul3A_285 : i32
      %add3A_287 = arith.addi %mul3A_2, %mul3A_286 : i32
      %dma_start3A_288 = tpu.memref_slice %arg3[%add3A_287] : memref<320000xi32, #tpu.memory_space<hbm>> -> memref<104xi32, #tpu.memory_space<hbm>>
      %dma_start3A_289 = tpu.memref_slice %arg3[%add3A_287] : memref<320000xi32, #tpu.memory_space<hbm>> -> memref<104xi32, #tpu.memory_space<hbm>>
      tpu.enqueue_dma source(%dma_start3A_289 : memref<104xi32, #tpu.memory_space<hbm>>) target(%arg11 : memref<104xi32, #tpu.memory_space<vmem>>) target_semaphore(%arg22 : memref<!tpu.dma_semaphore, #tpu.memory_space<semaphore_mem>>)
      %add3A_290 = arith.constant 2 : i32
      %add3A_291 = arith.addi %add3A_223, %add3A_290 : i32
      %dma_wait3A_292 = arith.constant 0 : i32
      %dma_wait3A_293 = tpu.memref_slice %arg2[%dma_wait3A_292] : memref<320000xi32, #tpu.memory_space<hbm>> -> memref<104xi32, #tpu.memory_space<hbm>>
      %dma_wait3A_294 = arith.constant 0 : i32
      %dma_wait3A_295 = tpu.memref_slice %arg2[%dma_wait3A_294] : memref<320000xi32, #tpu.memory_space<hbm>> -> memref<104xi32, #tpu.memory_space<hbm>>
      tpu.wait_dma2 semaphore(%arg21 : memref<!tpu.dma_semaphore, #tpu.memory_space<semaphore_mem>>) src(%dma_wait3A_295 : memref<104xi32, #tpu.memory_space<hbm>>) dst(%arg10 : memref<104xi32, #tpu.memory_space<vmem>>)
      %dma_wait3A_296 = arith.constant 0 : i32
      %dma_wait3A_297 = arith.constant 0 : i32
      %dma_wait3A_298 = tpu.memref_slice %arg4[%dma_wait3A_296, %dma_wait3A_297] : memref<10240x128xf32, #tpu.memory_space<hbm>> -> memref<10240x128xf32, #tpu.memory_space<hbm>>
      tpu.wait_indirect_dma semaphore(%arg25 : memref<!tpu.dma_semaphore, #tpu.memory_space<semaphore_mem>>) src(%dma_wait3A_298 : memref<10240x128xf32, #tpu.memory_space<hbm>>) dst(%arg16 : memref<104x128xf32, #tpu.memory_space<vmem>>)
      %dma_start3A_299 = arith.constant 0 : i32
      %dma_start3A_300 = arith.constant 0 : i32
      %dma_start3A_301 = tpu.memref_slice %arg17[%dma_start3A_299, %dma_start3A_300] : memref<10240x128xf32, #tpu.memory_space<vmem_shared>> -> memref<10240x128xf32, #tpu.memory_space<vmem_shared>>
      tpu.enqueue_indirect_dma source(%arg16 : memref<104x128xf32, #tpu.memory_space<vmem>>) target(%dma_start3A_301 : memref<10240x128xf32, #tpu.memory_space<vmem_shared>>) offsets(%arg10 : memref<104xi32, #tpu.memory_space<vmem>>) semaphore(%arg27 : memref<!tpu.dma_semaphore, #tpu.memory_space<semaphore_mem>>) {add = true}
      %dma_wait3A_302 = arith.constant 0 : i32
      %dma_wait3A_303 = arith.constant 0 : i32
      %dma_wait3A_304 = tpu.memref_slice %arg17[%dma_wait3A_302, %dma_wait3A_303] : memref<10240x128xf32, #tpu.memory_space<vmem_shared>> -> memref<10240x128xf32, #tpu.memory_space<vmem_shared>>
      tpu.wait_indirect_dma semaphore(%arg26 : memref<!tpu.dma_semaphore, #tpu.memory_space<semaphore_mem>>) src(%arg15 : memref<104x128xf32, #tpu.memory_space<vmem>>) dst(%dma_wait3A_304 : memref<10240x128xf32, #tpu.memory_space<vmem_shared>>)
      %dma_wait3A_305 = arith.constant 0 : i32
      %dma_wait3A_306 = tpu.memref_slice %arg2[%dma_wait3A_305] : memref<320000xi32, #tpu.memory_space<hbm>> -> memref<104xi32, #tpu.memory_space<hbm>>
      %dma_wait3A_307 = arith.constant 0 : i32
      %dma_wait3A_308 = tpu.memref_slice %arg2[%dma_wait3A_307] : memref<320000xi32, #tpu.memory_space<hbm>> -> memref<104xi32, #tpu.memory_space<hbm>>
      tpu.wait_dma2 semaphore(%arg19 : memref<!tpu.dma_semaphore, #tpu.memory_space<semaphore_mem>>) src(%dma_wait3A_308 : memref<104xi32, #tpu.memory_space<hbm>>) dst(%arg8 : memref<104xi32, #tpu.memory_space<vmem>>)
      %dma_start3A_309 = arith.constant 0 : i32
      %dma_start3A_310 = arith.constant 0 : i32
      %dma_start3A_311 = tpu.memref_slice %arg4[%dma_start3A_309, %dma_start3A_310] : memref<10240x128xf32, #tpu.memory_space<hbm>> -> memref<10240x128xf32, #tpu.memory_space<hbm>>
      tpu.enqueue_indirect_dma source(%dma_start3A_311 : memref<10240x128xf32, #tpu.memory_space<hbm>>) target(%arg15 : memref<104x128xf32, #tpu.memory_space<vmem>>) offsets(%arg8 : memref<104xi32, #tpu.memory_space<vmem>>) semaphore(%arg24 : memref<!tpu.dma_semaphore, #tpu.memory_space<semaphore_mem>>)
      %add3A_312 = arith.constant 2 : i32
      %add3A_313 = arith.addi %add3A_291, %add3A_312 : i32
      %mul3A_314 = arith.constant 104 : i32
      %mul3A_315 = arith.muli %add3A_313, %mul3A_314 : i32
      %add3A_316 = arith.addi %mul3A_2, %mul3A_315 : i32
      %dma_start3A_317 = tpu.memref_slice %arg2[%add3A_316] : memref<320000xi32, #tpu.memory_space<hbm>> -> memref<104xi32, #tpu.memory_space<hbm>>
      %dma_start3A_318 = tpu.memref_slice %arg2[%add3A_316] : memref<320000xi32, #tpu.memory_space<hbm>> -> memref<104xi32, #tpu.memory_space<hbm>>
      tpu.enqueue_dma source(%dma_start3A_318 : memref<104xi32, #tpu.memory_space<hbm>>) target(%arg9 : memref<104xi32, #tpu.memory_space<vmem>>) target_semaphore(%arg20 : memref<!tpu.dma_semaphore, #tpu.memory_space<semaphore_mem>>)
      %mul3A_319 = arith.constant 104 : i32
      %mul3A_320 = arith.muli %add3A_313, %mul3A_319 : i32
      %add3A_321 = arith.addi %mul3A_2, %mul3A_320 : i32
      %dma_start3A_322 = tpu.memref_slice %arg3[%add3A_321] : memref<320000xi32, #tpu.memory_space<hbm>> -> memref<104xi32, #tpu.memory_space<hbm>>
      %dma_start3A_323 = tpu.memref_slice %arg3[%add3A_321] : memref<320000xi32, #tpu.memory_space<hbm>> -> memref<104xi32, #tpu.memory_space<hbm>>
      tpu.enqueue_dma source(%dma_start3A_323 : memref<104xi32, #tpu.memory_space<hbm>>) target(%arg12 : memref<104xi32, #tpu.memory_space<vmem>>) target_semaphore(%arg23 : memref<!tpu.dma_semaphore, #tpu.memory_space<semaphore_mem>>)
      %add3A_324 = arith.constant 3 : i32
      %add3A_325 = arith.addi %add3A_223, %add3A_324 : i32
      %dma_wait3A_326 = arith.constant 0 : i32
      %dma_wait3A_327 = tpu.memref_slice %arg2[%dma_wait3A_326] : memref<320000xi32, #tpu.memory_space<hbm>> -> memref<104xi32, #tpu.memory_space<hbm>>
      %dma_wait3A_328 = arith.constant 0 : i32
      %dma_wait3A_329 = tpu.memref_slice %arg2[%dma_wait3A_328] : memref<320000xi32, #tpu.memory_space<hbm>> -> memref<104xi32, #tpu.memory_space<hbm>>
      tpu.wait_dma2 semaphore(%arg22 : memref<!tpu.dma_semaphore, #tpu.memory_space<semaphore_mem>>) src(%dma_wait3A_329 : memref<104xi32, #tpu.memory_space<hbm>>) dst(%arg11 : memref<104xi32, #tpu.memory_space<vmem>>)
      %dma_wait3A_330 = arith.constant 0 : i32
      %dma_wait3A_331 = arith.constant 0 : i32
      %dma_wait3A_332 = tpu.memref_slice %arg4[%dma_wait3A_330, %dma_wait3A_331] : memref<10240x128xf32, #tpu.memory_space<hbm>> -> memref<10240x128xf32, #tpu.memory_space<hbm>>
      tpu.wait_indirect_dma semaphore(%arg24 : memref<!tpu.dma_semaphore, #tpu.memory_space<semaphore_mem>>) src(%dma_wait3A_332 : memref<10240x128xf32, #tpu.memory_space<hbm>>) dst(%arg15 : memref<104x128xf32, #tpu.memory_space<vmem>>)
      %dma_start3A_333 = arith.constant 0 : i32
      %dma_start3A_334 = arith.constant 0 : i32
      %dma_start3A_335 = tpu.memref_slice %arg17[%dma_start3A_333, %dma_start3A_334] : memref<10240x128xf32, #tpu.memory_space<vmem_shared>> -> memref<10240x128xf32, #tpu.memory_space<vmem_shared>>
      tpu.enqueue_indirect_dma source(%arg15 : memref<104x128xf32, #tpu.memory_space<vmem>>) target(%dma_start3A_335 : memref<10240x128xf32, #tpu.memory_space<vmem_shared>>) offsets(%arg11 : memref<104xi32, #tpu.memory_space<vmem>>) semaphore(%arg26 : memref<!tpu.dma_semaphore, #tpu.memory_space<semaphore_mem>>) {add = true}
      %dma_wait3A_336 = arith.constant 0 : i32
      %dma_wait3A_337 = arith.constant 0 : i32
      %dma_wait3A_338 = tpu.memref_slice %arg17[%dma_wait3A_336, %dma_wait3A_337] : memref<10240x128xf32, #tpu.memory_space<vmem_shared>> -> memref<10240x128xf32, #tpu.memory_space<vmem_shared>>
      tpu.wait_indirect_dma semaphore(%arg27 : memref<!tpu.dma_semaphore, #tpu.memory_space<semaphore_mem>>) src(%arg16 : memref<104x128xf32, #tpu.memory_space<vmem>>) dst(%dma_wait3A_338 : memref<10240x128xf32, #tpu.memory_space<vmem_shared>>)
      %dma_wait3A_339 = arith.constant 0 : i32
      %dma_wait3A_340 = tpu.memref_slice %arg2[%dma_wait3A_339] : memref<320000xi32, #tpu.memory_space<hbm>> -> memref<104xi32, #tpu.memory_space<hbm>>
      %dma_wait3A_341 = arith.constant 0 : i32
      %dma_wait3A_342 = tpu.memref_slice %arg2[%dma_wait3A_341] : memref<320000xi32, #tpu.memory_space<hbm>> -> memref<104xi32, #tpu.memory_space<hbm>>
      tpu.wait_dma2 semaphore(%arg20 : memref<!tpu.dma_semaphore, #tpu.memory_space<semaphore_mem>>) src(%dma_wait3A_342 : memref<104xi32, #tpu.memory_space<hbm>>) dst(%arg9 : memref<104xi32, #tpu.memory_space<vmem>>)
      %dma_start3A_343 = arith.constant 0 : i32
      %dma_start3A_344 = arith.constant 0 : i32
      %dma_start3A_345 = tpu.memref_slice %arg4[%dma_start3A_343, %dma_start3A_344] : memref<10240x128xf32, #tpu.memory_space<hbm>> -> memref<10240x128xf32, #tpu.memory_space<hbm>>
      tpu.enqueue_indirect_dma source(%dma_start3A_345 : memref<10240x128xf32, #tpu.memory_space<hbm>>) target(%arg16 : memref<104x128xf32, #tpu.memory_space<vmem>>) offsets(%arg9 : memref<104xi32, #tpu.memory_space<vmem>>) semaphore(%arg25 : memref<!tpu.dma_semaphore, #tpu.memory_space<semaphore_mem>>)
      %add3A_346 = arith.constant 2 : i32
      %add3A_347 = arith.addi %add3A_325, %add3A_346 : i32
      %mul3A_348 = arith.constant 104 : i32
      %mul3A_349 = arith.muli %add3A_347, %mul3A_348 : i32
      %add3A_350 = arith.addi %mul3A_2, %mul3A_349 : i32
      %dma_start3A_351 = tpu.memref_slice %arg2[%add3A_350] : memref<320000xi32, #tpu.memory_space<hbm>> -> memref<104xi32, #tpu.memory_space<hbm>>
      %dma_start3A_352 = tpu.memref_slice %arg2[%add3A_350] : memref<320000xi32, #tpu.memory_space<hbm>> -> memref<104xi32, #tpu.memory_space<hbm>>
      tpu.enqueue_dma source(%dma_start3A_352 : memref<104xi32, #tpu.memory_space<hbm>>) target(%arg7 : memref<104xi32, #tpu.memory_space<vmem>>) target_semaphore(%arg18 : memref<!tpu.dma_semaphore, #tpu.memory_space<semaphore_mem>>)
      %mul3A_353 = arith.constant 104 : i32
      %mul3A_354 = arith.muli %add3A_347, %mul3A_353 : i32
      %add3A_355 = arith.addi %mul3A_2, %mul3A_354 : i32
      %dma_start3A_356 = tpu.memref_slice %arg3[%add3A_355] : memref<320000xi32, #tpu.memory_space<hbm>> -> memref<104xi32, #tpu.memory_space<hbm>>
      %dma_start3A_357 = tpu.memref_slice %arg3[%add3A_355] : memref<320000xi32, #tpu.memory_space<hbm>> -> memref<104xi32, #tpu.memory_space<hbm>>
      tpu.enqueue_dma source(%dma_start3A_357 : memref<104xi32, #tpu.memory_space<hbm>>) target(%arg10 : memref<104xi32, #tpu.memory_space<vmem>>) target_semaphore(%arg21 : memref<!tpu.dma_semaphore, #tpu.memory_space<semaphore_mem>>)
      %add3A_358 = arith.constant 4 : i32
      %add3A_359 = arith.addi %add3A_223, %add3A_358 : i32
      %dma_wait3A_360 = arith.constant 0 : i32
      %dma_wait3A_361 = tpu.memref_slice %arg2[%dma_wait3A_360] : memref<320000xi32, #tpu.memory_space<hbm>> -> memref<104xi32, #tpu.memory_space<hbm>>
      %dma_wait3A_362 = arith.constant 0 : i32
      %dma_wait3A_363 = tpu.memref_slice %arg2[%dma_wait3A_362] : memref<320000xi32, #tpu.memory_space<hbm>> -> memref<104xi32, #tpu.memory_space<hbm>>
      tpu.wait_dma2 semaphore(%arg23 : memref<!tpu.dma_semaphore, #tpu.memory_space<semaphore_mem>>) src(%dma_wait3A_363 : memref<104xi32, #tpu.memory_space<hbm>>) dst(%arg12 : memref<104xi32, #tpu.memory_space<vmem>>)
      %dma_wait3A_364 = arith.constant 0 : i32
      %dma_wait3A_365 = arith.constant 0 : i32
      %dma_wait3A_366 = tpu.memref_slice %arg4[%dma_wait3A_364, %dma_wait3A_365] : memref<10240x128xf32, #tpu.memory_space<hbm>> -> memref<10240x128xf32, #tpu.memory_space<hbm>>
      tpu.wait_indirect_dma semaphore(%arg25 : memref<!tpu.dma_semaphore, #tpu.memory_space<semaphore_mem>>) src(%dma_wait3A_366 : memref<10240x128xf32, #tpu.memory_space<hbm>>) dst(%arg16 : memref<104x128xf32, #tpu.memory_space<vmem>>)
      %dma_start3A_367 = arith.constant 0 : i32
      %dma_start3A_368 = arith.constant 0 : i32
      %dma_start3A_369 = tpu.memref_slice %arg17[%dma_start3A_367, %dma_start3A_368] : memref<10240x128xf32, #tpu.memory_space<vmem_shared>> -> memref<10240x128xf32, #tpu.memory_space<vmem_shared>>
      tpu.enqueue_indirect_dma source(%arg16 : memref<104x128xf32, #tpu.memory_space<vmem>>) target(%dma_start3A_369 : memref<10240x128xf32, #tpu.memory_space<vmem_shared>>) offsets(%arg12 : memref<104xi32, #tpu.memory_space<vmem>>) semaphore(%arg27 : memref<!tpu.dma_semaphore, #tpu.memory_space<semaphore_mem>>) {add = true}
      %dma_wait3A_370 = arith.constant 0 : i32
      %dma_wait3A_371 = arith.constant 0 : i32
      %dma_wait3A_372 = tpu.memref_slice %arg17[%dma_wait3A_370, %dma_wait3A_371] : memref<10240x128xf32, #tpu.memory_space<vmem_shared>> -> memref<10240x128xf32, #tpu.memory_space<vmem_shared>>
      tpu.wait_indirect_dma semaphore(%arg26 : memref<!tpu.dma_semaphore, #tpu.memory_space<semaphore_mem>>) src(%arg15 : memref<104x128xf32, #tpu.memory_space<vmem>>) dst(%dma_wait3A_372 : memref<10240x128xf32, #tpu.memory_space<vmem_shared>>)
      %dma_wait3A_373 = arith.constant 0 : i32
      %dma_wait3A_374 = tpu.memref_slice %arg2[%dma_wait3A_373] : memref<320000xi32, #tpu.memory_space<hbm>> -> memref<104xi32, #tpu.memory_space<hbm>>
      %dma_wait3A_375 = arith.constant 0 : i32
      %dma_wait3A_376 = tpu.memref_slice %arg2[%dma_wait3A_375] : memref<320000xi32, #tpu.memory_space<hbm>> -> memref<104xi32, #tpu.memory_space<hbm>>
      tpu.wait_dma2 semaphore(%arg18 : memref<!tpu.dma_semaphore, #tpu.memory_space<semaphore_mem>>) src(%dma_wait3A_376 : memref<104xi32, #tpu.memory_space<hbm>>) dst(%arg7 : memref<104xi32, #tpu.memory_space<vmem>>)
      %dma_start3A_377 = arith.constant 0 : i32
      %dma_start3A_378 = arith.constant 0 : i32
      %dma_start3A_379 = tpu.memref_slice %arg4[%dma_start3A_377, %dma_start3A_378] : memref<10240x128xf32, #tpu.memory_space<hbm>> -> memref<10240x128xf32, #tpu.memory_space<hbm>>
      tpu.enqueue_indirect_dma source(%dma_start3A_379 : memref<10240x128xf32, #tpu.memory_space<hbm>>) target(%arg15 : memref<104x128xf32, #tpu.memory_space<vmem>>) offsets(%arg7 : memref<104xi32, #tpu.memory_space<vmem>>) semaphore(%arg24 : memref<!tpu.dma_semaphore, #tpu.memory_space<semaphore_mem>>)
      %add3A_380 = arith.constant 2 : i32
      %add3A_381 = arith.addi %add3A_359, %add3A_380 : i32
      %mul3A_382 = arith.constant 104 : i32
      %mul3A_383 = arith.muli %add3A_381, %mul3A_382 : i32
      %add3A_384 = arith.addi %mul3A_2, %mul3A_383 : i32
      %dma_start3A_385 = tpu.memref_slice %arg2[%add3A_384] : memref<320000xi32, #tpu.memory_space<hbm>> -> memref<104xi32, #tpu.memory_space<hbm>>
      %dma_start3A_386 = tpu.memref_slice %arg2[%add3A_384] : memref<320000xi32, #tpu.memory_space<hbm>> -> memref<104xi32, #tpu.memory_space<hbm>>
      tpu.enqueue_dma source(%dma_start3A_386 : memref<104xi32, #tpu.memory_space<hbm>>) target(%arg8 : memref<104xi32, #tpu.memory_space<vmem>>) target_semaphore(%arg19 : memref<!tpu.dma_semaphore, #tpu.memory_space<semaphore_mem>>)
      %mul3A_387 = arith.constant 104 : i32
      %mul3A_388 = arith.muli %add3A_381, %mul3A_387 : i32
      %add3A_389 = arith.addi %mul3A_2, %mul3A_388 : i32
      %dma_start3A_390 = tpu.memref_slice %arg3[%add3A_389] : memref<320000xi32, #tpu.memory_space<hbm>> -> memref<104xi32, #tpu.memory_space<hbm>>
      %dma_start3A_391 = tpu.memref_slice %arg3[%add3A_389] : memref<320000xi32, #tpu.memory_space<hbm>> -> memref<104xi32, #tpu.memory_space<hbm>>
      tpu.enqueue_dma source(%dma_start3A_391 : memref<104xi32, #tpu.memory_space<hbm>>) target(%arg11 : memref<104xi32, #tpu.memory_space<vmem>>) target_semaphore(%arg22 : memref<!tpu.dma_semaphore, #tpu.memory_space<semaphore_mem>>)
      %add3A_392 = arith.constant 5 : i32
      %add3A_393 = arith.addi %add3A_223, %add3A_392 : i32
      %dma_wait3A_394 = arith.constant 0 : i32
      %dma_wait3A_395 = tpu.memref_slice %arg2[%dma_wait3A_394] : memref<320000xi32, #tpu.memory_space<hbm>> -> memref<104xi32, #tpu.memory_space<hbm>>
      %dma_wait3A_396 = arith.constant 0 : i32
      %dma_wait3A_397 = tpu.memref_slice %arg2[%dma_wait3A_396] : memref<320000xi32, #tpu.memory_space<hbm>> -> memref<104xi32, #tpu.memory_space<hbm>>
      tpu.wait_dma2 semaphore(%arg21 : memref<!tpu.dma_semaphore, #tpu.memory_space<semaphore_mem>>) src(%dma_wait3A_397 : memref<104xi32, #tpu.memory_space<hbm>>) dst(%arg10 : memref<104xi32, #tpu.memory_space<vmem>>)
      %dma_wait3A_398 = arith.constant 0 : i32
      %dma_wait3A_399 = arith.constant 0 : i32
      %dma_wait3A_400 = tpu.memref_slice %arg4[%dma_wait3A_398, %dma_wait3A_399] : memref<10240x128xf32, #tpu.memory_space<hbm>> -> memref<10240x128xf32, #tpu.memory_space<hbm>>
      tpu.wait_indirect_dma semaphore(%arg24 : memref<!tpu.dma_semaphore, #tpu.memory_space<semaphore_mem>>) src(%dma_wait3A_400 : memref<10240x128xf32, #tpu.memory_space<hbm>>) dst(%arg15 : memref<104x128xf32, #tpu.memory_space<vmem>>)
      %dma_start3A_401 = arith.constant 0 : i32
      %dma_start3A_402 = arith.constant 0 : i32
      %dma_start3A_403 = tpu.memref_slice %arg17[%dma_start3A_401, %dma_start3A_402] : memref<10240x128xf32, #tpu.memory_space<vmem_shared>> -> memref<10240x128xf32, #tpu.memory_space<vmem_shared>>
      tpu.enqueue_indirect_dma source(%arg15 : memref<104x128xf32, #tpu.memory_space<vmem>>) target(%dma_start3A_403 : memref<10240x128xf32, #tpu.memory_space<vmem_shared>>) offsets(%arg10 : memref<104xi32, #tpu.memory_space<vmem>>) semaphore(%arg26 : memref<!tpu.dma_semaphore, #tpu.memory_space<semaphore_mem>>) {add = true}
      %dma_wait3A_404 = arith.constant 0 : i32
      %dma_wait3A_405 = arith.constant 0 : i32
      %dma_wait3A_406 = tpu.memref_slice %arg17[%dma_wait3A_404, %dma_wait3A_405] : memref<10240x128xf32, #tpu.memory_space<vmem_shared>> -> memref<10240x128xf32, #tpu.memory_space<vmem_shared>>
      tpu.wait_indirect_dma semaphore(%arg27 : memref<!tpu.dma_semaphore, #tpu.memory_space<semaphore_mem>>) src(%arg16 : memref<104x128xf32, #tpu.memory_space<vmem>>) dst(%dma_wait3A_406 : memref<10240x128xf32, #tpu.memory_space<vmem_shared>>)
      %dma_wait3A_407 = arith.constant 0 : i32
      %dma_wait3A_408 = tpu.memref_slice %arg2[%dma_wait3A_407] : memref<320000xi32, #tpu.memory_space<hbm>> -> memref<104xi32, #tpu.memory_space<hbm>>
      %dma_wait3A_409 = arith.constant 0 : i32
      %dma_wait3A_410 = tpu.memref_slice %arg2[%dma_wait3A_409] : memref<320000xi32, #tpu.memory_space<hbm>> -> memref<104xi32, #tpu.memory_space<hbm>>
      tpu.wait_dma2 semaphore(%arg19 : memref<!tpu.dma_semaphore, #tpu.memory_space<semaphore_mem>>) src(%dma_wait3A_410 : memref<104xi32, #tpu.memory_space<hbm>>) dst(%arg8 : memref<104xi32, #tpu.memory_space<vmem>>)
      %dma_start3A_411 = arith.constant 0 : i32
      %dma_start3A_412 = arith.constant 0 : i32
      %dma_start3A_413 = tpu.memref_slice %arg4[%dma_start3A_411, %dma_start3A_412] : memref<10240x128xf32, #tpu.memory_space<hbm>> -> memref<10240x128xf32, #tpu.memory_space<hbm>>
      tpu.enqueue_indirect_dma source(%dma_start3A_413 : memref<10240x128xf32, #tpu.memory_space<hbm>>) target(%arg16 : memref<104x128xf32, #tpu.memory_space<vmem>>) offsets(%arg8 : memref<104xi32, #tpu.memory_space<vmem>>) semaphore(%arg25 : memref<!tpu.dma_semaphore, #tpu.memory_space<semaphore_mem>>)
      %add3A_414 = arith.constant 2 : i32
      %add3A_415 = arith.addi %add3A_393, %add3A_414 : i32
      %mul3A_416 = arith.constant 104 : i32
      %mul3A_417 = arith.muli %add3A_415, %mul3A_416 : i32
      %add3A_418 = arith.addi %mul3A_2, %mul3A_417 : i32
      %dma_start3A_419 = tpu.memref_slice %arg2[%add3A_418] : memref<320000xi32, #tpu.memory_space<hbm>> -> memref<104xi32, #tpu.memory_space<hbm>>
      %dma_start3A_420 = tpu.memref_slice %arg2[%add3A_418] : memref<320000xi32, #tpu.memory_space<hbm>> -> memref<104xi32, #tpu.memory_space<hbm>>
      tpu.enqueue_dma source(%dma_start3A_420 : memref<104xi32, #tpu.memory_space<hbm>>) target(%arg9 : memref<104xi32, #tpu.memory_space<vmem>>) target_semaphore(%arg20 : memref<!tpu.dma_semaphore, #tpu.memory_space<semaphore_mem>>)
      %mul3A_421 = arith.constant 104 : i32
      %mul3A_422 = arith.muli %add3A_415, %mul3A_421 : i32
      %add3A_423 = arith.addi %mul3A_2, %mul3A_422 : i32
      %dma_start3A_424 = tpu.memref_slice %arg3[%add3A_423] : memref<320000xi32, #tpu.memory_space<hbm>> -> memref<104xi32, #tpu.memory_space<hbm>>
      %dma_start3A_425 = tpu.memref_slice %arg3[%add3A_423] : memref<320000xi32, #tpu.memory_space<hbm>> -> memref<104xi32, #tpu.memory_space<hbm>>
      tpu.enqueue_dma source(%dma_start3A_425 : memref<104xi32, #tpu.memory_space<hbm>>) target(%arg12 : memref<104xi32, #tpu.memory_space<vmem>>) target_semaphore(%arg23 : memref<!tpu.dma_semaphore, #tpu.memory_space<semaphore_mem>>)
    }
    %scan3A_55 = arith.constant 15 : i32
    %dma_wait3A_56 = arith.constant 0 : i32
    %dma_wait3A_57 = tpu.memref_slice %arg2[%dma_wait3A_56] : memref<320000xi32, #tpu.memory_space<hbm>> -> memref<104xi32, #tpu.memory_space<hbm>>
    %dma_wait3A_58 = arith.constant 0 : i32
    %dma_wait3A_59 = tpu.memref_slice %arg2[%dma_wait3A_58] : memref<320000xi32, #tpu.memory_space<hbm>> -> memref<104xi32, #tpu.memory_space<hbm>>
    tpu.wait_dma2 semaphore(%arg22 : memref<!tpu.dma_semaphore, #tpu.memory_space<semaphore_mem>>) src(%dma_wait3A_59 : memref<104xi32, #tpu.memory_space<hbm>>) dst(%arg11 : memref<104xi32, #tpu.memory_space<vmem>>)
    %dma_wait3A_60 = arith.constant 0 : i32
    %dma_wait3A_61 = arith.constant 0 : i32
    %dma_wait3A_62 = tpu.memref_slice %arg4[%dma_wait3A_60, %dma_wait3A_61] : memref<10240x128xf32, #tpu.memory_space<hbm>> -> memref<10240x128xf32, #tpu.memory_space<hbm>>
    tpu.wait_indirect_dma semaphore(%arg25 : memref<!tpu.dma_semaphore, #tpu.memory_space<semaphore_mem>>) src(%dma_wait3A_62 : memref<10240x128xf32, #tpu.memory_space<hbm>>) dst(%arg16 : memref<104x128xf32, #tpu.memory_space<vmem>>)
    %dma_start3A_63 = arith.constant 0 : i32
    %dma_start3A_64 = arith.constant 0 : i32
    %dma_start3A_65 = tpu.memref_slice %arg17[%dma_start3A_63, %dma_start3A_64] : memref<10240x128xf32, #tpu.memory_space<vmem_shared>> -> memref<10240x128xf32, #tpu.memory_space<vmem_shared>>
    tpu.enqueue_indirect_dma source(%arg16 : memref<104x128xf32, #tpu.memory_space<vmem>>) target(%dma_start3A_65 : memref<10240x128xf32, #tpu.memory_space<vmem_shared>>) offsets(%arg11 : memref<104xi32, #tpu.memory_space<vmem>>) semaphore(%arg27 : memref<!tpu.dma_semaphore, #tpu.memory_space<semaphore_mem>>) {add = true}
    %dma_wait3A_66 = arith.constant 0 : i32
    %dma_wait3A_67 = arith.constant 0 : i32
    %dma_wait3A_68 = tpu.memref_slice %arg17[%dma_wait3A_66, %dma_wait3A_67] : memref<10240x128xf32, #tpu.memory_space<vmem_shared>> -> memref<10240x128xf32, #tpu.memory_space<vmem_shared>>
    tpu.wait_indirect_dma semaphore(%arg26 : memref<!tpu.dma_semaphore, #tpu.memory_space<semaphore_mem>>) src(%arg15 : memref<104x128xf32, #tpu.memory_space<vmem>>) dst(%dma_wait3A_68 : memref<10240x128xf32, #tpu.memory_space<vmem_shared>>)
    %dma_wait3A_69 = arith.constant 0 : i32
    %dma_wait3A_70 = tpu.memref_slice %arg2[%dma_wait3A_69] : memref<320000xi32, #tpu.memory_space<hbm>> -> memref<104xi32, #tpu.memory_space<hbm>>
    %dma_wait3A_71 = arith.constant 0 : i32
    %dma_wait3A_72 = tpu.memref_slice %arg2[%dma_wait3A_71] : memref<320000xi32, #tpu.memory_space<hbm>> -> memref<104xi32, #tpu.memory_space<hbm>>
    tpu.wait_dma2 semaphore(%arg20 : memref<!tpu.dma_semaphore, #tpu.memory_space<semaphore_mem>>) src(%dma_wait3A_72 : memref<104xi32, #tpu.memory_space<hbm>>) dst(%arg9 : memref<104xi32, #tpu.memory_space<vmem>>)
    %dma_start3A_73 = arith.constant 0 : i32
    %dma_start3A_74 = arith.constant 0 : i32
    %dma_start3A_75 = tpu.memref_slice %arg4[%dma_start3A_73, %dma_start3A_74] : memref<10240x128xf32, #tpu.memory_space<hbm>> -> memref<10240x128xf32, #tpu.memory_space<hbm>>
    tpu.enqueue_indirect_dma source(%dma_start3A_75 : memref<10240x128xf32, #tpu.memory_space<hbm>>) target(%arg15 : memref<104x128xf32, #tpu.memory_space<vmem>>) offsets(%arg9 : memref<104xi32, #tpu.memory_space<vmem>>) semaphore(%arg24 : memref<!tpu.dma_semaphore, #tpu.memory_space<semaphore_mem>>)
    %add3A_76 = arith.constant 9672 : i32
    %add3A_77 = arith.addi %mul3A_2, %add3A_76 : i32
    %dma_start3A_78 = tpu.memref_slice %arg2[%add3A_77] : memref<320000xi32, #tpu.memory_space<hbm>> -> memref<104xi32, #tpu.memory_space<hbm>>
    %dma_start3A_79 = tpu.memref_slice %arg2[%add3A_77] : memref<320000xi32, #tpu.memory_space<hbm>> -> memref<104xi32, #tpu.memory_space<hbm>>
    tpu.enqueue_dma source(%dma_start3A_79 : memref<104xi32, #tpu.memory_space<hbm>>) target(%arg7 : memref<104xi32, #tpu.memory_space<vmem>>) target_semaphore(%arg18 : memref<!tpu.dma_semaphore, #tpu.memory_space<semaphore_mem>>)
    %add3A_80 = arith.constant 9672 : i32
    %add3A_81 = arith.addi %mul3A_2, %add3A_80 : i32
    %dma_start3A_82 = tpu.memref_slice %arg3[%add3A_81] : memref<320000xi32, #tpu.memory_space<hbm>> -> memref<104xi32, #tpu.memory_space<hbm>>
    %dma_start3A_83 = tpu.memref_slice %arg3[%add3A_81] : memref<320000xi32, #tpu.memory_space<hbm>> -> memref<104xi32, #tpu.memory_space<hbm>>
    tpu.enqueue_dma source(%dma_start3A_83 : memref<104xi32, #tpu.memory_space<hbm>>) target(%arg10 : memref<104xi32, #tpu.memory_space<vmem>>) target_semaphore(%arg21 : memref<!tpu.dma_semaphore, #tpu.memory_space<semaphore_mem>>)
    %dma_wait3A_84 = arith.constant 0 : i32
    %dma_wait3A_85 = tpu.memref_slice %arg2[%dma_wait3A_84] : memref<320000xi32, #tpu.memory_space<hbm>> -> memref<104xi32, #tpu.memory_space<hbm>>
    %dma_wait3A_86 = arith.constant 0 : i32
    %dma_wait3A_87 = tpu.memref_slice %arg2[%dma_wait3A_86] : memref<320000xi32, #tpu.memory_space<hbm>> -> memref<104xi32, #tpu.memory_space<hbm>>
    tpu.wait_dma2 semaphore(%arg23 : memref<!tpu.dma_semaphore, #tpu.memory_space<semaphore_mem>>) src(%dma_wait3A_87 : memref<104xi32, #tpu.memory_space<hbm>>) dst(%arg12 : memref<104xi32, #tpu.memory_space<vmem>>)
    %dma_wait3A_88 = arith.constant 0 : i32
    %dma_wait3A_89 = arith.constant 0 : i32
    %dma_wait3A_90 = tpu.memref_slice %arg4[%dma_wait3A_88, %dma_wait3A_89] : memref<10240x128xf32, #tpu.memory_space<hbm>> -> memref<10240x128xf32, #tpu.memory_space<hbm>>
    tpu.wait_indirect_dma semaphore(%arg24 : memref<!tpu.dma_semaphore, #tpu.memory_space<semaphore_mem>>) src(%dma_wait3A_90 : memref<10240x128xf32, #tpu.memory_space<hbm>>) dst(%arg15 : memref<104x128xf32, #tpu.memory_space<vmem>>)
    %dma_start3A_91 = arith.constant 0 : i32
    %dma_start3A_92 = arith.constant 0 : i32
    %dma_start3A_93 = tpu.memref_slice %arg17[%dma_start3A_91, %dma_start3A_92] : memref<10240x128xf32, #tpu.memory_space<vmem_shared>> -> memref<10240x128xf32, #tpu.memory_space<vmem_shared>>
    tpu.enqueue_indirect_dma source(%arg15 : memref<104x128xf32, #tpu.memory_space<vmem>>) target(%dma_start3A_93 : memref<10240x128xf32, #tpu.memory_space<vmem_shared>>) offsets(%arg12 : memref<104xi32, #tpu.memory_space<vmem>>) semaphore(%arg26 : memref<!tpu.dma_semaphore, #tpu.memory_space<semaphore_mem>>) {add = true}
    %dma_wait3A_94 = arith.constant 0 : i32
    %dma_wait3A_95 = arith.constant 0 : i32
    %dma_wait3A_96 = tpu.memref_slice %arg17[%dma_wait3A_94, %dma_wait3A_95] : memref<10240x128xf32, #tpu.memory_space<vmem_shared>> -> memref<10240x128xf32, #tpu.memory_space<vmem_shared>>
    tpu.wait_indirect_dma semaphore(%arg27 : memref<!tpu.dma_semaphore, #tpu.memory_space<semaphore_mem>>) src(%arg16 : memref<104x128xf32, #tpu.memory_space<vmem>>) dst(%dma_wait3A_96 : memref<10240x128xf32, #tpu.memory_space<vmem_shared>>)
    %dma_wait3A_97 = arith.constant 0 : i32
    %dma_wait3A_98 = tpu.memref_slice %arg2[%dma_wait3A_97] : memref<320000xi32, #tpu.memory_space<hbm>> -> memref<104xi32, #tpu.memory_space<hbm>>
    %dma_wait3A_99 = arith.constant 0 : i32
    %dma_wait3A_100 = tpu.memref_slice %arg2[%dma_wait3A_99] : memref<320000xi32, #tpu.memory_space<hbm>> -> memref<104xi32, #tpu.memory_space<hbm>>
    tpu.wait_dma2 semaphore(%arg18 : memref<!tpu.dma_semaphore, #tpu.memory_space<semaphore_mem>>) src(%dma_wait3A_100 : memref<104xi32, #tpu.memory_space<hbm>>) dst(%arg7 : memref<104xi32, #tpu.memory_space<vmem>>)
    %dma_start3A_101 = arith.constant 0 : i32
    %dma_start3A_102 = arith.constant 0 : i32
    %dma_start3A_103 = tpu.memref_slice %arg4[%dma_start3A_101, %dma_start3A_102] : memref<10240x128xf32, #tpu.memory_space<hbm>> -> memref<10240x128xf32, #tpu.memory_space<hbm>>
    tpu.enqueue_indirect_dma source(%dma_start3A_103 : memref<10240x128xf32, #tpu.memory_space<hbm>>) target(%arg16 : memref<104x128xf32, #tpu.memory_space<vmem>>) offsets(%arg7 : memref<104xi32, #tpu.memory_space<vmem>>) semaphore(%arg25 : memref<!tpu.dma_semaphore, #tpu.memory_space<semaphore_mem>>)
    %add3A_104 = arith.constant 9776 : i32
    %add3A_105 = arith.addi %mul3A_2, %add3A_104 : i32
    %dma_start3A_106 = tpu.memref_slice %arg2[%add3A_105] : memref<320000xi32, #tpu.memory_space<hbm>> -> memref<104xi32, #tpu.memory_space<hbm>>
    %dma_start3A_107 = tpu.memref_slice %arg2[%add3A_105] : memref<320000xi32, #tpu.memory_space<hbm>> -> memref<104xi32, #tpu.memory_space<hbm>>
    tpu.enqueue_dma source(%dma_start3A_107 : memref<104xi32, #tpu.memory_space<hbm>>) target(%arg8 : memref<104xi32, #tpu.memory_space<vmem>>) target_semaphore(%arg19 : memref<!tpu.dma_semaphore, #tpu.memory_space<semaphore_mem>>)
    %add3A_108 = arith.constant 9776 : i32
    %add3A_109 = arith.addi %mul3A_2, %add3A_108 : i32
    %dma_start3A_110 = tpu.memref_slice %arg3[%add3A_109] : memref<320000xi32, #tpu.memory_space<hbm>> -> memref<104xi32, #tpu.memory_space<hbm>>
    %dma_start3A_111 = tpu.memref_slice %arg3[%add3A_109] : memref<320000xi32, #tpu.memory_space<hbm>> -> memref<104xi32, #tpu.memory_space<hbm>>
    tpu.enqueue_dma source(%dma_start3A_111 : memref<104xi32, #tpu.memory_space<hbm>>) target(%arg11 : memref<104xi32, #tpu.memory_space<vmem>>) target_semaphore(%arg22 : memref<!tpu.dma_semaphore, #tpu.memory_space<semaphore_mem>>)
    %dma_wait3A_112 = arith.constant 0 : i32
    %dma_wait3A_113 = tpu.memref_slice %arg2[%dma_wait3A_112] : memref<320000xi32, #tpu.memory_space<hbm>> -> memref<104xi32, #tpu.memory_space<hbm>>
    %dma_wait3A_114 = arith.constant 0 : i32
    %dma_wait3A_115 = tpu.memref_slice %arg2[%dma_wait3A_114] : memref<320000xi32, #tpu.memory_space<hbm>> -> memref<104xi32, #tpu.memory_space<hbm>>
    tpu.wait_dma2 semaphore(%arg21 : memref<!tpu.dma_semaphore, #tpu.memory_space<semaphore_mem>>) src(%dma_wait3A_115 : memref<104xi32, #tpu.memory_space<hbm>>) dst(%arg10 : memref<104xi32, #tpu.memory_space<vmem>>)
    %dma_wait3A_116 = arith.constant 0 : i32
    %dma_wait3A_117 = arith.constant 0 : i32
    %dma_wait3A_118 = tpu.memref_slice %arg4[%dma_wait3A_116, %dma_wait3A_117] : memref<10240x128xf32, #tpu.memory_space<hbm>> -> memref<10240x128xf32, #tpu.memory_space<hbm>>
    tpu.wait_indirect_dma semaphore(%arg25 : memref<!tpu.dma_semaphore, #tpu.memory_space<semaphore_mem>>) src(%dma_wait3A_118 : memref<10240x128xf32, #tpu.memory_space<hbm>>) dst(%arg16 : memref<104x128xf32, #tpu.memory_space<vmem>>)
    %dma_start3A_119 = arith.constant 0 : i32
    %dma_start3A_120 = arith.constant 0 : i32
    %dma_start3A_121 = tpu.memref_slice %arg17[%dma_start3A_119, %dma_start3A_120] : memref<10240x128xf32, #tpu.memory_space<vmem_shared>> -> memref<10240x128xf32, #tpu.memory_space<vmem_shared>>
    tpu.enqueue_indirect_dma source(%arg16 : memref<104x128xf32, #tpu.memory_space<vmem>>) target(%dma_start3A_121 : memref<10240x128xf32, #tpu.memory_space<vmem_shared>>) offsets(%arg10 : memref<104xi32, #tpu.memory_space<vmem>>) semaphore(%arg27 : memref<!tpu.dma_semaphore, #tpu.memory_space<semaphore_mem>>) {add = true}
    %dma_wait3A_122 = arith.constant 0 : i32
    %dma_wait3A_123 = arith.constant 0 : i32
    %dma_wait3A_124 = tpu.memref_slice %arg17[%dma_wait3A_122, %dma_wait3A_123] : memref<10240x128xf32, #tpu.memory_space<vmem_shared>> -> memref<10240x128xf32, #tpu.memory_space<vmem_shared>>
    tpu.wait_indirect_dma semaphore(%arg26 : memref<!tpu.dma_semaphore, #tpu.memory_space<semaphore_mem>>) src(%arg15 : memref<104x128xf32, #tpu.memory_space<vmem>>) dst(%dma_wait3A_124 : memref<10240x128xf32, #tpu.memory_space<vmem_shared>>)
    %dma_wait3A_125 = arith.constant 0 : i32
    %dma_wait3A_126 = tpu.memref_slice %arg2[%dma_wait3A_125] : memref<320000xi32, #tpu.memory_space<hbm>> -> memref<104xi32, #tpu.memory_space<hbm>>
    %dma_wait3A_127 = arith.constant 0 : i32
    %dma_wait3A_128 = tpu.memref_slice %arg2[%dma_wait3A_127] : memref<320000xi32, #tpu.memory_space<hbm>> -> memref<104xi32, #tpu.memory_space<hbm>>
    tpu.wait_dma2 semaphore(%arg19 : memref<!tpu.dma_semaphore, #tpu.memory_space<semaphore_mem>>) src(%dma_wait3A_128 : memref<104xi32, #tpu.memory_space<hbm>>) dst(%arg8 : memref<104xi32, #tpu.memory_space<vmem>>)
    %dma_start3A_129 = arith.constant 0 : i32
    %dma_start3A_130 = arith.constant 0 : i32
    %dma_start3A_131 = tpu.memref_slice %arg4[%dma_start3A_129, %dma_start3A_130] : memref<10240x128xf32, #tpu.memory_space<hbm>> -> memref<10240x128xf32, #tpu.memory_space<hbm>>
    tpu.enqueue_indirect_dma source(%dma_start3A_131 : memref<10240x128xf32, #tpu.memory_space<hbm>>) target(%arg15 : memref<104x128xf32, #tpu.memory_space<vmem>>) offsets(%arg8 : memref<104xi32, #tpu.memory_space<vmem>>) semaphore(%arg24 : memref<!tpu.dma_semaphore, #tpu.memory_space<semaphore_mem>>)
    %add3A_132 = arith.constant 9880 : i32
    %add3A_133 = arith.addi %mul3A_2, %add3A_132 : i32
    %dma_start3A_134 = tpu.memref_slice %arg2[%add3A_133] : memref<320000xi32, #tpu.memory_space<hbm>> -> memref<104xi32, #tpu.memory_space<hbm>>
    %dma_start3A_135 = tpu.memref_slice %arg2[%add3A_133] : memref<320000xi32, #tpu.memory_space<hbm>> -> memref<104xi32, #tpu.memory_space<hbm>>
    tpu.enqueue_dma source(%dma_start3A_135 : memref<104xi32, #tpu.memory_space<hbm>>) target(%arg9 : memref<104xi32, #tpu.memory_space<vmem>>) target_semaphore(%arg20 : memref<!tpu.dma_semaphore, #tpu.memory_space<semaphore_mem>>)
    %add3A_136 = arith.constant 9880 : i32
    %add3A_137 = arith.addi %mul3A_2, %add3A_136 : i32
    %dma_start3A_138 = tpu.memref_slice %arg3[%add3A_137] : memref<320000xi32, #tpu.memory_space<hbm>> -> memref<104xi32, #tpu.memory_space<hbm>>
    %dma_start3A_139 = tpu.memref_slice %arg3[%add3A_137] : memref<320000xi32, #tpu.memory_space<hbm>> -> memref<104xi32, #tpu.memory_space<hbm>>
    tpu.enqueue_dma source(%dma_start3A_139 : memref<104xi32, #tpu.memory_space<hbm>>) target(%arg12 : memref<104xi32, #tpu.memory_space<vmem>>) target_semaphore(%arg23 : memref<!tpu.dma_semaphore, #tpu.memory_space<semaphore_mem>>)
    %dma_wait3A_140 = arith.constant 0 : i32
    %dma_wait3A_141 = tpu.memref_slice %arg2[%dma_wait3A_140] : memref<320000xi32, #tpu.memory_space<hbm>> -> memref<104xi32, #tpu.memory_space<hbm>>
    %dma_wait3A_142 = arith.constant 0 : i32
    %dma_wait3A_143 = tpu.memref_slice %arg2[%dma_wait3A_142] : memref<320000xi32, #tpu.memory_space<hbm>> -> memref<104xi32, #tpu.memory_space<hbm>>
    tpu.wait_dma2 semaphore(%arg22 : memref<!tpu.dma_semaphore, #tpu.memory_space<semaphore_mem>>) src(%dma_wait3A_143 : memref<104xi32, #tpu.memory_space<hbm>>) dst(%arg11 : memref<104xi32, #tpu.memory_space<vmem>>)
    %dma_wait3A_144 = arith.constant 0 : i32
    %dma_wait3A_145 = arith.constant 0 : i32
    %dma_wait3A_146 = tpu.memref_slice %arg4[%dma_wait3A_144, %dma_wait3A_145] : memref<10240x128xf32, #tpu.memory_space<hbm>> -> memref<10240x128xf32, #tpu.memory_space<hbm>>
    tpu.wait_indirect_dma semaphore(%arg24 : memref<!tpu.dma_semaphore, #tpu.memory_space<semaphore_mem>>) src(%dma_wait3A_146 : memref<10240x128xf32, #tpu.memory_space<hbm>>) dst(%arg15 : memref<104x128xf32, #tpu.memory_space<vmem>>)
    %dma_start3A_147 = arith.constant 0 : i32
    %dma_start3A_148 = arith.constant 0 : i32
    %dma_start3A_149 = tpu.memref_slice %arg17[%dma_start3A_147, %dma_start3A_148] : memref<10240x128xf32, #tpu.memory_space<vmem_shared>> -> memref<10240x128xf32, #tpu.memory_space<vmem_shared>>
    tpu.enqueue_indirect_dma source(%arg15 : memref<104x128xf32, #tpu.memory_space<vmem>>) target(%dma_start3A_149 : memref<10240x128xf32, #tpu.memory_space<vmem_shared>>) offsets(%arg11 : memref<104xi32, #tpu.memory_space<vmem>>) semaphore(%arg26 : memref<!tpu.dma_semaphore, #tpu.memory_space<semaphore_mem>>) {add = true}
    %dma_wait3A_150 = arith.constant 0 : i32
    %dma_wait3A_151 = arith.constant 0 : i32
    %dma_wait3A_152 = tpu.memref_slice %arg17[%dma_wait3A_150, %dma_wait3A_151] : memref<10240x128xf32, #tpu.memory_space<vmem_shared>> -> memref<10240x128xf32, #tpu.memory_space<vmem_shared>>
    tpu.wait_indirect_dma semaphore(%arg27 : memref<!tpu.dma_semaphore, #tpu.memory_space<semaphore_mem>>) src(%arg16 : memref<104x128xf32, #tpu.memory_space<vmem>>) dst(%dma_wait3A_152 : memref<10240x128xf32, #tpu.memory_space<vmem_shared>>)
    %dma_wait3A_153 = arith.constant 0 : i32
    %dma_wait3A_154 = tpu.memref_slice %arg2[%dma_wait3A_153] : memref<320000xi32, #tpu.memory_space<hbm>> -> memref<104xi32, #tpu.memory_space<hbm>>
    %dma_wait3A_155 = arith.constant 0 : i32
    %dma_wait3A_156 = tpu.memref_slice %arg2[%dma_wait3A_155] : memref<320000xi32, #tpu.memory_space<hbm>> -> memref<104xi32, #tpu.memory_space<hbm>>
    tpu.wait_dma2 semaphore(%arg20 : memref<!tpu.dma_semaphore, #tpu.memory_space<semaphore_mem>>) src(%dma_wait3A_156 : memref<104xi32, #tpu.memory_space<hbm>>) dst(%arg9 : memref<104xi32, #tpu.memory_space<vmem>>)
    %dma_start3A_157 = arith.constant 0 : i32
    %dma_start3A_158 = arith.constant 0 : i32
    %dma_start3A_159 = tpu.memref_slice %arg4[%dma_start3A_157, %dma_start3A_158] : memref<10240x128xf32, #tpu.memory_space<hbm>> -> memref<10240x128xf32, #tpu.memory_space<hbm>>
    tpu.enqueue_indirect_dma source(%dma_start3A_159 : memref<10240x128xf32, #tpu.memory_space<hbm>>) target(%arg16 : memref<104x128xf32, #tpu.memory_space<vmem>>) offsets(%arg9 : memref<104xi32, #tpu.memory_space<vmem>>) semaphore(%arg25 : memref<!tpu.dma_semaphore, #tpu.memory_space<semaphore_mem>>)
    %add3A_160 = arith.constant 9984 : i32
    %add3A_161 = arith.addi %mul3A_2, %add3A_160 : i32
    %dma_start3A_162 = tpu.memref_slice %arg2[%add3A_161] : memref<320000xi32, #tpu.memory_space<hbm>> -> memref<16xi32, #tpu.memory_space<hbm>>
    %dma_start3A_163 = tpu.memref_slice %arg2[%add3A_161] : memref<320000xi32, #tpu.memory_space<hbm>> -> memref<16xi32, #tpu.memory_space<hbm>>
    tpu.enqueue_dma source(%dma_start3A_163 : memref<16xi32, #tpu.memory_space<hbm>>) target(%arg13 : memref<16xi32, #tpu.memory_space<vmem>>) target_semaphore(%arg28 : memref<!tpu.dma_semaphore, #tpu.memory_space<semaphore_mem>>)
    %add3A_164 = arith.constant 9984 : i32
    %add3A_165 = arith.addi %mul3A_2, %add3A_164 : i32
    %dma_start3A_166 = tpu.memref_slice %arg3[%add3A_165] : memref<320000xi32, #tpu.memory_space<hbm>> -> memref<16xi32, #tpu.memory_space<hbm>>
    %dma_start3A_167 = tpu.memref_slice %arg3[%add3A_165] : memref<320000xi32, #tpu.memory_space<hbm>> -> memref<16xi32, #tpu.memory_space<hbm>>
    tpu.enqueue_dma source(%dma_start3A_167 : memref<16xi32, #tpu.memory_space<hbm>>) target(%arg14 : memref<16xi32, #tpu.memory_space<vmem>>) target_semaphore(%arg29 : memref<!tpu.dma_semaphore, #tpu.memory_space<semaphore_mem>>)
    %dma_wait3A_168 = arith.constant 0 : i32
    %dma_wait3A_169 = tpu.memref_slice %arg2[%dma_wait3A_168] : memref<320000xi32, #tpu.memory_space<hbm>> -> memref<104xi32, #tpu.memory_space<hbm>>
    %dma_wait3A_170 = arith.constant 0 : i32
    %dma_wait3A_171 = tpu.memref_slice %arg2[%dma_wait3A_170] : memref<320000xi32, #tpu.memory_space<hbm>> -> memref<104xi32, #tpu.memory_space<hbm>>
    tpu.wait_dma2 semaphore(%arg23 : memref<!tpu.dma_semaphore, #tpu.memory_space<semaphore_mem>>) src(%dma_wait3A_171 : memref<104xi32, #tpu.memory_space<hbm>>) dst(%arg12 : memref<104xi32, #tpu.memory_space<vmem>>)
    %dma_wait3A_172 = arith.constant 0 : i32
    %dma_wait3A_173 = arith.constant 0 : i32
    %dma_wait3A_174 = tpu.memref_slice %arg4[%dma_wait3A_172, %dma_wait3A_173] : memref<10240x128xf32, #tpu.memory_space<hbm>> -> memref<10240x128xf32, #tpu.memory_space<hbm>>
    tpu.wait_indirect_dma semaphore(%arg25 : memref<!tpu.dma_semaphore, #tpu.memory_space<semaphore_mem>>) src(%dma_wait3A_174 : memref<10240x128xf32, #tpu.memory_space<hbm>>) dst(%arg16 : memref<104x128xf32, #tpu.memory_space<vmem>>)
    %dma_start3A_175 = arith.constant 0 : i32
    %dma_start3A_176 = arith.constant 0 : i32
    %dma_start3A_177 = tpu.memref_slice %arg17[%dma_start3A_175, %dma_start3A_176] : memref<10240x128xf32, #tpu.memory_space<vmem_shared>> -> memref<10240x128xf32, #tpu.memory_space<vmem_shared>>
    tpu.enqueue_indirect_dma source(%arg16 : memref<104x128xf32, #tpu.memory_space<vmem>>) target(%dma_start3A_177 : memref<10240x128xf32, #tpu.memory_space<vmem_shared>>) offsets(%arg12 : memref<104xi32, #tpu.memory_space<vmem>>) semaphore(%arg27 : memref<!tpu.dma_semaphore, #tpu.memory_space<semaphore_mem>>) {add = true}
    %dma_wait3A_178 = arith.constant 0 : i32
    %dma_wait3A_179 = arith.constant 0 : i32
    %dma_wait3A_180 = tpu.memref_slice %arg17[%dma_wait3A_178, %dma_wait3A_179] : memref<10240x128xf32, #tpu.memory_space<vmem_shared>> -> memref<10240x128xf32, #tpu.memory_space<vmem_shared>>
    tpu.wait_indirect_dma semaphore(%arg26 : memref<!tpu.dma_semaphore, #tpu.memory_space<semaphore_mem>>) src(%arg15 : memref<104x128xf32, #tpu.memory_space<vmem>>) dst(%dma_wait3A_180 : memref<10240x128xf32, #tpu.memory_space<vmem_shared>>)
    %dma_wait3A_181 = arith.constant 0 : i32
    %dma_wait3A_182 = tpu.memref_slice %arg2[%dma_wait3A_181] : memref<320000xi32, #tpu.memory_space<hbm>> -> memref<16xi32, #tpu.memory_space<hbm>>
    %dma_wait3A_183 = arith.constant 0 : i32
    %dma_wait3A_184 = tpu.memref_slice %arg2[%dma_wait3A_183] : memref<320000xi32, #tpu.memory_space<hbm>> -> memref<16xi32, #tpu.memory_space<hbm>>
    tpu.wait_dma2 semaphore(%arg28 : memref<!tpu.dma_semaphore, #tpu.memory_space<semaphore_mem>>) src(%dma_wait3A_184 : memref<16xi32, #tpu.memory_space<hbm>>) dst(%arg13 : memref<16xi32, #tpu.memory_space<vmem>>)
    %dma_start3A_185 = arith.constant 0 : i32
    %dma_start3A_186 = arith.constant 0 : i32
    %dma_start3A_187 = tpu.memref_slice %arg15[%dma_start3A_185, %dma_start3A_186] : memref<104x128xf32, #tpu.memory_space<vmem>> -> memref<16x128xf32, #tpu.memory_space<vmem>>
    %dma_start3A_188 = arith.constant 0 : i32
    %dma_start3A_189 = arith.constant 0 : i32
    %dma_start3A_190 = tpu.memref_slice %arg4[%dma_start3A_188, %dma_start3A_189] : memref<10240x128xf32, #tpu.memory_space<hbm>> -> memref<10240x128xf32, #tpu.memory_space<hbm>>
    tpu.enqueue_indirect_dma source(%dma_start3A_190 : memref<10240x128xf32, #tpu.memory_space<hbm>>) target(%dma_start3A_187 : memref<16x128xf32, #tpu.memory_space<vmem>>) offsets(%arg13 : memref<16xi32, #tpu.memory_space<vmem>>) semaphore(%arg24 : memref<!tpu.dma_semaphore, #tpu.memory_space<semaphore_mem>>)
    %dma_wait3A_191 = arith.constant 0 : i32
    %dma_wait3A_192 = tpu.memref_slice %arg2[%dma_wait3A_191] : memref<320000xi32, #tpu.memory_space<hbm>> -> memref<16xi32, #tpu.memory_space<hbm>>
    %dma_wait3A_193 = arith.constant 0 : i32
    %dma_wait3A_194 = tpu.memref_slice %arg2[%dma_wait3A_193] : memref<320000xi32, #tpu.memory_space<hbm>> -> memref<16xi32, #tpu.memory_space<hbm>>
    tpu.wait_dma2 semaphore(%arg29 : memref<!tpu.dma_semaphore, #tpu.memory_space<semaphore_mem>>) src(%dma_wait3A_194 : memref<16xi32, #tpu.memory_space<hbm>>) dst(%arg14 : memref<16xi32, #tpu.memory_space<vmem>>)
    %dma_wait3A_195 = arith.constant 0 : i32
    %dma_wait3A_196 = arith.constant 0 : i32
    %dma_wait3A_197 = tpu.memref_slice %arg15[%dma_wait3A_195, %dma_wait3A_196] : memref<104x128xf32, #tpu.memory_space<vmem>> -> memref<16x128xf32, #tpu.memory_space<vmem>>
    %dma_wait3A_198 = arith.constant 0 : i32
    %dma_wait3A_199 = arith.constant 0 : i32
    %dma_wait3A_200 = tpu.memref_slice %arg4[%dma_wait3A_198, %dma_wait3A_199] : memref<10240x128xf32, #tpu.memory_space<hbm>> -> memref<10240x128xf32, #tpu.memory_space<hbm>>
    tpu.wait_indirect_dma semaphore(%arg24 : memref<!tpu.dma_semaphore, #tpu.memory_space<semaphore_mem>>) src(%dma_wait3A_200 : memref<10240x128xf32, #tpu.memory_space<hbm>>) dst(%dma_wait3A_197 : memref<16x128xf32, #tpu.memory_space<vmem>>)
    %dma_start3A_201 = arith.constant 0 : i32
    %dma_start3A_202 = arith.constant 0 : i32
    %dma_start3A_203 = tpu.memref_slice %arg15[%dma_start3A_201, %dma_start3A_202] : memref<104x128xf32, #tpu.memory_space<vmem>> -> memref<16x128xf32, #tpu.memory_space<vmem>>
    %dma_start3A_204 = arith.constant 0 : i32
    %dma_start3A_205 = arith.constant 0 : i32
    %dma_start3A_206 = tpu.memref_slice %arg17[%dma_start3A_204, %dma_start3A_205] : memref<10240x128xf32, #tpu.memory_space<vmem_shared>> -> memref<10240x128xf32, #tpu.memory_space<vmem_shared>>
    tpu.enqueue_indirect_dma source(%dma_start3A_203 : memref<16x128xf32, #tpu.memory_space<vmem>>) target(%dma_start3A_206 : memref<10240x128xf32, #tpu.memory_space<vmem_shared>>) offsets(%arg14 : memref<16xi32, #tpu.memory_space<vmem>>) semaphore(%arg26 : memref<!tpu.dma_semaphore, #tpu.memory_space<semaphore_mem>>) {add = true}
    %dma_wait3A_207 = arith.constant 0 : i32
    %dma_wait3A_208 = arith.constant 0 : i32
    %dma_wait3A_209 = tpu.memref_slice %arg17[%dma_wait3A_207, %dma_wait3A_208] : memref<10240x128xf32, #tpu.memory_space<vmem_shared>> -> memref<10240x128xf32, #tpu.memory_space<vmem_shared>>
    tpu.wait_indirect_dma semaphore(%arg27 : memref<!tpu.dma_semaphore, #tpu.memory_space<semaphore_mem>>) src(%arg16 : memref<104x128xf32, #tpu.memory_space<vmem>>) dst(%dma_wait3A_209 : memref<10240x128xf32, #tpu.memory_space<vmem_shared>>)
    %dma_wait3A_210 = arith.constant 0 : i32
    %dma_wait3A_211 = arith.constant 0 : i32
    %dma_wait3A_212 = tpu.memref_slice %arg15[%dma_wait3A_210, %dma_wait3A_211] : memref<104x128xf32, #tpu.memory_space<vmem>> -> memref<16x128xf32, #tpu.memory_space<vmem>>
    %dma_wait3A_213 = arith.constant 0 : i32
    %dma_wait3A_214 = arith.constant 0 : i32
    %dma_wait3A_215 = tpu.memref_slice %arg17[%dma_wait3A_213, %dma_wait3A_214] : memref<10240x128xf32, #tpu.memory_space<vmem_shared>> -> memref<10240x128xf32, #tpu.memory_space<vmem_shared>>
    tpu.wait_indirect_dma semaphore(%arg26 : memref<!tpu.dma_semaphore, #tpu.memory_space<semaphore_mem>>) src(%dma_wait3A_212 : memref<16x128xf32, #tpu.memory_space<vmem>>) dst(%dma_wait3A_215 : memref<10240x128xf32, #tpu.memory_space<vmem_shared>>)
    %barrier3A_216 = arith.constant 0 : index
    tpu.barrier barrier_id(%barrier3A_216)
    %mul3A_217 = arith.constant 640 : i32
    %mul3A_218 = arith.muli %arg1, %mul3A_217 : i32
    "tpu.region"() ({
      %run_scoped3A = tpu.sem_alloc : memref<!tpu.dma_semaphore, #tpu.memory_space<semaphore_mem>>
      %dma_start3A_219 = arith.constant 0 : i32
      %dma_start3A_220 = arith.constant 0 : i32
      %dma_start3A_221 = tpu.memref_slice %arg6[%arg0, %arg1, %dma_start3A_219, %dma_start3A_220] : memref<2x16x640x128xf32, #tpu.memory_space<hbm>> -> memref<1x1x640x128xf32, #tpu.memory_space<hbm>>
      %dma_start3A_222 = tpu.memref_squeeze %dma_start3A_221 : memref<1x1x640x128xf32, #tpu.memory_space<hbm>> -> memref<640x128xf32, #tpu.memory_space<hbm>>
      %dma_start3A_223 = arith.constant 0 : i32
      %dma_start3A_224 = tpu.memref_slice %arg17[%mul3A_218, %dma_start3A_223] : memref<10240x128xf32, #tpu.memory_space<vmem_shared>> -> memref<640x128xf32, #tpu.memory_space<vmem_shared>>
      tpu.enqueue_dma source(%dma_start3A_224 : memref<640x128xf32, #tpu.memory_space<vmem_shared>>) target(%dma_start3A_222 : memref<640x128xf32, #tpu.memory_space<hbm>>) target_semaphore(%run_scoped3A : memref<!tpu.dma_semaphore, #tpu.memory_space<semaphore_mem>>)
      %dma_wait3A_225 = arith.constant 0 : i32
      %dma_wait3A_226 = arith.constant 0 : i32
      %dma_wait3A_227 = tpu.memref_slice %arg6[%arg0, %arg1, %dma_wait3A_225, %dma_wait3A_226] : memref<2x16x640x128xf32, #tpu.memory_space<hbm>> -> memref<1x1x640x128xf32, #tpu.memory_space<hbm>>
      %dma_wait3A_228 = tpu.memref_squeeze %dma_wait3A_227 : memref<1x1x640x128xf32, #tpu.memory_space<hbm>> -> memref<640x128xf32, #tpu.memory_space<hbm>>
      %dma_wait3A_229 = arith.constant 0 : i32
      %dma_wait3A_230 = tpu.memref_slice %arg17[%mul3A_218, %dma_wait3A_229] : memref<10240x128xf32, #tpu.memory_space<vmem_shared>> -> memref<640x128xf32, #tpu.memory_space<vmem_shared>>
      tpu.wait_dma2 semaphore(%run_scoped3A : memref<!tpu.dma_semaphore, #tpu.memory_space<semaphore_mem>>) src(%dma_wait3A_230 : memref<640x128xf32, #tpu.memory_space<vmem_shared>>) dst(%dma_wait3A_228 : memref<640x128xf32, #tpu.memory_space<hbm>>)
      tpu.yield
    }) : () -> ()
    return
  }
}

#map = affine_map<(d0, d1) -> (0, 0, 0)>
#map1 = affine_map<(d0, d1) -> (0)>
module attributes {stable_mosaic.version = 14 : i64} {
  func.func @_deg_kernel(%arg0: i32, %arg1: i32, %arg2: memref<32x125x80xi32, #tpu.memory_space<hbm>>, %arg3: memref<80xf32, #tpu.memory_space<hbm>>, %arg4: memref<640xf32, #tpu.memory_space<hbm>>, %arg5: memref<2x16x640xf32, #tpu.memory_space<hbm>>, %arg6: memref<125x80xi32, #tpu.memory_space<vmem>>, %arg7: memref<80xf32, #tpu.memory_space<vmem>>, %arg8: memref<10240xf32, #tpu.memory_space<vmem_shared>>) attributes {dimension_semantics = [#tpu.dimension_semantics<core_parallel>, #tpu.dimension_semantics<subcore_parallel>], iteration_bounds = array<i64: 2, 16>, scalar_prefetch = 0 : i64, scratch_operands = 3 : i64, tpu.core_type = #tpu.core_type<sc_vector_subcore>, window_params = [{transform_indices = #map}, {transform_indices = #map1}, {transform_indices = #map1}, {transform_indices = #map}]} {
    %mul3A = arith.constant 2 : i32
    %mul3A_0 = arith.muli %arg1, %mul3A : i32
    %add3A = arith.addi %mul3A_0, %arg0 : i32
    "tpu.region"() ({
      %run_scoped3A = tpu.sem_alloc : memref<!tpu.dma_semaphore, #tpu.memory_space<semaphore_mem>>
      %dma_start3A = arith.constant 0 : i32
      %dma_start3A_11 = arith.constant 0 : i32
      %dma_start3A_12 = tpu.memref_slice %arg2[%add3A, %dma_start3A, %dma_start3A_11] : memref<32x125x80xi32, #tpu.memory_space<hbm>> -> memref<1x125x80xi32, #tpu.memory_space<hbm>>
      %dma_start3A_13 = tpu.memref_squeeze %dma_start3A_12 : memref<1x125x80xi32, #tpu.memory_space<hbm>> -> memref<125x80xi32, #tpu.memory_space<hbm>>
      %dma_start3A_14 = arith.constant 0 : i32
      %dma_start3A_15 = arith.constant 0 : i32
      %dma_start3A_16 = tpu.memref_slice %arg2[%add3A, %dma_start3A_14, %dma_start3A_15] : memref<32x125x80xi32, #tpu.memory_space<hbm>> -> memref<1x125x80xi32, #tpu.memory_space<hbm>>
      %dma_start3A_17 = tpu.memref_squeeze %dma_start3A_16 : memref<1x125x80xi32, #tpu.memory_space<hbm>> -> memref<125x80xi32, #tpu.memory_space<hbm>>
      tpu.enqueue_dma source(%dma_start3A_17 : memref<125x80xi32, #tpu.memory_space<hbm>>) target(%arg6 : memref<125x80xi32, #tpu.memory_space<vmem>>) target_semaphore(%run_scoped3A : memref<!tpu.dma_semaphore, #tpu.memory_space<semaphore_mem>>)
      %dma_wait3A = arith.constant 0 : i32
      %dma_wait3A_18 = arith.constant 0 : i32
      %dma_wait3A_19 = tpu.memref_slice %arg2[%add3A, %dma_wait3A, %dma_wait3A_18] : memref<32x125x80xi32, #tpu.memory_space<hbm>> -> memref<1x125x80xi32, #tpu.memory_space<hbm>>
      %dma_wait3A_20 = tpu.memref_squeeze %dma_wait3A_19 : memref<1x125x80xi32, #tpu.memory_space<hbm>> -> memref<125x80xi32, #tpu.memory_space<hbm>>
      %dma_wait3A_21 = arith.constant 0 : i32
      %dma_wait3A_22 = arith.constant 0 : i32
      %dma_wait3A_23 = tpu.memref_slice %arg2[%add3A, %dma_wait3A_21, %dma_wait3A_22] : memref<32x125x80xi32, #tpu.memory_space<hbm>> -> memref<1x125x80xi32, #tpu.memory_space<hbm>>
      %dma_wait3A_24 = tpu.memref_squeeze %dma_wait3A_23 : memref<1x125x80xi32, #tpu.memory_space<hbm>> -> memref<125x80xi32, #tpu.memory_space<hbm>>
      tpu.wait_dma2 semaphore(%run_scoped3A : memref<!tpu.dma_semaphore, #tpu.memory_space<semaphore_mem>>) src(%dma_wait3A_24 : memref<125x80xi32, #tpu.memory_space<hbm>>) dst(%arg6 : memref<125x80xi32, #tpu.memory_space<vmem>>)
      tpu.yield
    }) : () -> ()
    "tpu.region"() ({
      %run_scoped3A = tpu.sem_alloc : memref<!tpu.dma_semaphore, #tpu.memory_space<semaphore_mem>>
      tpu.enqueue_dma source(%arg3 : memref<80xf32, #tpu.memory_space<hbm>>) target(%arg7 : memref<80xf32, #tpu.memory_space<vmem>>) target_semaphore(%run_scoped3A : memref<!tpu.dma_semaphore, #tpu.memory_space<semaphore_mem>>)
      tpu.wait_dma2 semaphore(%run_scoped3A : memref<!tpu.dma_semaphore, #tpu.memory_space<semaphore_mem>>) src(%arg3 : memref<80xf32, #tpu.memory_space<hbm>>) dst(%arg7 : memref<80xf32, #tpu.memory_space<vmem>>)
      tpu.yield
    }) : () -> ()
    %mul3A_1 = arith.constant 640 : i32
    %mul3A_2 = arith.muli %arg1, %mul3A_1 : i32
    "tpu.region"() ({
      %run_scoped3A = tpu.sem_alloc : memref<!tpu.dma_semaphore, #tpu.memory_space<semaphore_mem>>
      %dma_start3A = tpu.memref_slice %arg8[%mul3A_2] : memref<10240xf32, #tpu.memory_space<vmem_shared>> -> memref<640xf32, #tpu.memory_space<vmem_shared>>
      tpu.enqueue_dma source(%arg4 : memref<640xf32, #tpu.memory_space<hbm>>) target(%dma_start3A : memref<640xf32, #tpu.memory_space<vmem_shared>>) target_semaphore(%run_scoped3A : memref<!tpu.dma_semaphore, #tpu.memory_space<semaphore_mem>>)
      %dma_wait3A = tpu.memref_slice %arg8[%mul3A_2] : memref<10240xf32, #tpu.memory_space<vmem_shared>> -> memref<640xf32, #tpu.memory_space<vmem_shared>>
      tpu.wait_dma2 semaphore(%run_scoped3A : memref<!tpu.dma_semaphore, #tpu.memory_space<semaphore_mem>>) src(%arg4 : memref<640xf32, #tpu.memory_space<hbm>>) dst(%dma_wait3A : memref<640xf32, #tpu.memory_space<vmem_shared>>)
      tpu.yield
    }) : () -> ()
    %barrier3A = arith.constant 0 : index
    tpu.barrier barrier_id(%barrier3A)
    %scan3A = arith.constant 0 : i32
    %scan3A_3 = arith.constant 0 : i32
    %scan3A_4 = arith.constant 125 : i32
    %scan3A_5 = arith.addi %scan3A_3, %scan3A_4 : i32
    %scan3A_6 = arith.constant 1 : i32
    scf.for %scan3A_11 = %scan3A_3 to %scan3A_5 step %scan3A_6  : i32 {
      "tpu.region"() ({
        %run_scoped3A = tpu.sem_alloc : memref<!tpu.dma_semaphore, #tpu.memory_space<semaphore_mem>>
        %dma_start3A = arith.constant 0 : i32
        %dma_start3A_12 = tpu.memref_slice %arg6[%scan3A_11, %dma_start3A] : memref<125x80xi32, #tpu.memory_space<vmem>> -> memref<1x80xi32, #tpu.memory_space<vmem>>
        %dma_start3A_13 = tpu.memref_squeeze %dma_start3A_12 : memref<1x80xi32, #tpu.memory_space<vmem>> -> memref<80xi32, #tpu.memory_space<vmem>>
        %dma_start3A_14 = arith.constant 0 : i32
        %dma_start3A_15 = tpu.memref_slice %arg8[%dma_start3A_14] : memref<10240xf32, #tpu.memory_space<vmem_shared>> -> memref<10240xf32, #tpu.memory_space<vmem_shared>>
        tpu.enqueue_indirect_dma source(%arg7 : memref<80xf32, #tpu.memory_space<vmem>>) target(%dma_start3A_15 : memref<10240xf32, #tpu.memory_space<vmem_shared>>) offsets(%dma_start3A_13 : memref<80xi32, #tpu.memory_space<vmem>>) semaphore(%run_scoped3A : memref<!tpu.dma_semaphore, #tpu.memory_space<semaphore_mem>>) {add = true}
        %dma_wait3A = arith.constant 0 : i32
        %dma_wait3A_16 = tpu.memref_slice %arg6[%scan3A_11, %dma_wait3A] : memref<125x80xi32, #tpu.memory_space<vmem>> -> memref<1x80xi32, #tpu.memory_space<vmem>>
        %dma_wait3A_17 = tpu.memref_squeeze %dma_wait3A_16 : memref<1x80xi32, #tpu.memory_space<vmem>> -> memref<80xi32, #tpu.memory_space<vmem>>
        %dma_wait3A_18 = arith.constant 0 : i32
        %dma_wait3A_19 = tpu.memref_slice %arg8[%dma_wait3A_18] : memref<10240xf32, #tpu.memory_space<vmem_shared>> -> memref<10240xf32, #tpu.memory_space<vmem_shared>>
        tpu.wait_indirect_dma semaphore(%run_scoped3A : memref<!tpu.dma_semaphore, #tpu.memory_space<semaphore_mem>>) src(%arg7 : memref<80xf32, #tpu.memory_space<vmem>>) dst(%dma_wait3A_19 : memref<10240xf32, #tpu.memory_space<vmem_shared>>)
        tpu.yield
      }) : () -> ()
    }
    %scan3A_7 = arith.constant 125 : i32
    %barrier3A_8 = arith.constant 0 : index
    tpu.barrier barrier_id(%barrier3A_8)
    %mul3A_9 = arith.constant 640 : i32
    %mul3A_10 = arith.muli %arg1, %mul3A_9 : i32
    "tpu.region"() ({
      %run_scoped3A = tpu.sem_alloc : memref<!tpu.dma_semaphore, #tpu.memory_space<semaphore_mem>>
      %dma_start3A = arith.constant 0 : i32
      %dma_start3A_11 = tpu.memref_slice %arg5[%arg0, %arg1, %dma_start3A] : memref<2x16x640xf32, #tpu.memory_space<hbm>> -> memref<1x1x640xf32, #tpu.memory_space<hbm>>
      %dma_start3A_12 = tpu.memref_squeeze %dma_start3A_11 : memref<1x1x640xf32, #tpu.memory_space<hbm>> -> memref<640xf32, #tpu.memory_space<hbm>>
      %dma_start3A_13 = tpu.memref_slice %arg8[%mul3A_10] : memref<10240xf32, #tpu.memory_space<vmem_shared>> -> memref<640xf32, #tpu.memory_space<vmem_shared>>
      tpu.enqueue_dma source(%dma_start3A_13 : memref<640xf32, #tpu.memory_space<vmem_shared>>) target(%dma_start3A_12 : memref<640xf32, #tpu.memory_space<hbm>>) target_semaphore(%run_scoped3A : memref<!tpu.dma_semaphore, #tpu.memory_space<semaphore_mem>>)
      %dma_wait3A = arith.constant 0 : i32
      %dma_wait3A_14 = tpu.memref_slice %arg5[%arg0, %arg1, %dma_wait3A] : memref<2x16x640xf32, #tpu.memory_space<hbm>> -> memref<1x1x640xf32, #tpu.memory_space<hbm>>
      %dma_wait3A_15 = tpu.memref_squeeze %dma_wait3A_14 : memref<1x1x640xf32, #tpu.memory_space<hbm>> -> memref<640xf32, #tpu.memory_space<hbm>>
      %dma_wait3A_16 = tpu.memref_slice %arg8[%mul3A_10] : memref<10240xf32, #tpu.memory_space<vmem_shared>> -> memref<640xf32, #tpu.memory_space<vmem_shared>>
      tpu.wait_dma2 semaphore(%run_scoped3A : memref<!tpu.dma_semaphore, #tpu.memory_space<semaphore_mem>>) src(%dma_wait3A_16 : memref<640xf32, #tpu.memory_space<vmem_shared>>) dst(%dma_wait3A_15 : memref<640xf32, #tpu.memory_space<hbm>>)
      tpu.yield
    }) : () -> ()
    return
  }
}

#map = affine_map<(d0, d1) -> (0)>
#map1 = affine_map<(d0, d1) -> (0, 0)>
#map2 = affine_map<(d0, d1) -> (0, 0, 0, 0)>
module attributes {stable_mosaic.version = 14 : i64} {
  func.func @_spmm_kernel(%arg0: i32, %arg1: i32, %arg2: memref<320000xi32, #tpu.memory_space<hbm>>, %arg3: memref<320000xi32, #tpu.memory_space<hbm>>, %arg4: memref<10240x128xf32, #tpu.memory_space<hbm>>, %arg5: memref<640x128xf32, #tpu.memory_space<hbm>>, %arg6: memref<2x16x640x128xf32, #tpu.memory_space<hbm>>, %arg7: memref<104xi32, #tpu.memory_space<vmem>>, %arg8: memref<104xi32, #tpu.memory_space<vmem>>, %arg9: memref<104xi32, #tpu.memory_space<vmem>>, %arg10: memref<104xi32, #tpu.memory_space<vmem>>, %arg11: memref<104xi32, #tpu.memory_space<vmem>>, %arg12: memref<104xi32, #tpu.memory_space<vmem>>, %arg13: memref<16xi32, #tpu.memory_space<vmem>>, %arg14: memref<16xi32, #tpu.memory_space<vmem>>, %arg15: memref<104x128xf32, #tpu.memory_space<vmem>>, %arg16: memref<104x128xf32, #tpu.memory_space<vmem>>, %arg17: memref<10240x128xf32, #tpu.memory_space<vmem_shared>>, %arg18: memref<!tpu.dma_semaphore, #tpu.memory_space<semaphore_mem>>, %arg19: memref<!tpu.dma_semaphore, #tpu.memory_space<semaphore_mem>>, %arg20: memref<!tpu.dma_semaphore, #tpu.memory_space<semaphore_mem>>, %arg21: memref<!tpu.dma_semaphore, #tpu.memory_space<semaphore_mem>>, %arg22: memref<!tpu.dma_semaphore, #tpu.memory_space<semaphore_mem>>, %arg23: memref<!tpu.dma_semaphore, #tpu.memory_space<semaphore_mem>>, %arg24: memref<!tpu.dma_semaphore, #tpu.memory_space<semaphore_mem>>, %arg25: memref<!tpu.dma_semaphore, #tpu.memory_space<semaphore_mem>>, %arg26: memref<!tpu.dma_semaphore, #tpu.memory_space<semaphore_mem>>, %arg27: memref<!tpu.dma_semaphore, #tpu.memory_space<semaphore_mem>>, %arg28: memref<!tpu.dma_semaphore, #tpu.memory_space<semaphore_mem>>, %arg29: memref<!tpu.dma_semaphore, #tpu.memory_space<semaphore_mem>>) attributes {dimension_semantics = [#tpu.dimension_semantics<core_parallel>, #tpu.dimension_semantics<subcore_parallel>], iteration_bounds = array<i64: 2, 16>, scalar_prefetch = 0 : i64, scratch_operands = 23 : i64, tpu.core_type = #tpu.core_type<sc_vector_subcore>, window_params = [{transform_indices = #map}, {transform_indices = #map}, {transform_indices = #map1}, {transform_indices = #map1}, {transform_indices = #map2}]} {
    %mul3A = arith.constant 2 : i32
    %mul3A_0 = arith.muli %arg1, %mul3A : i32
    %add3A = arith.addi %mul3A_0, %arg0 : i32
    %mul3A_1 = arith.constant 10000 : i32
    %mul3A_2 = arith.muli %add3A, %mul3A_1 : i32
    %mul3A_3 = arith.constant 640 : i32
    %mul3A_4 = arith.muli %arg1, %mul3A_3 : i32
    "tpu.region"() ({
      %run_scoped3A = tpu.sem_alloc : memref<!tpu.dma_semaphore, #tpu.memory_space<semaphore_mem>>
      %dma_start3A_219 = arith.constant 0 : i32
      %dma_start3A_220 = tpu.memref_slice %arg17[%mul3A_4, %dma_start3A_219] : memref<10240x128xf32, #tpu.memory_space<vmem_shared>> -> memref<640x128xf32, #tpu.memory_space<vmem_shared>>
      tpu.enqueue_dma source(%arg5 : memref<640x128xf32, #tpu.memory_space<hbm>>) target(%dma_start3A_220 : memref<640x128xf32, #tpu.memory_space<vmem_shared>>) target_semaphore(%run_scoped3A : memref<!tpu.dma_semaphore, #tpu.memory_space<semaphore_mem>>)
      %dma_wait3A_221 = arith.constant 0 : i32
      %dma_wait3A_222 = tpu.memref_slice %arg17[%mul3A_4, %dma_wait3A_221] : memref<10240x128xf32, #tpu.memory_space<vmem_shared>> -> memref<640x128xf32, #tpu.memory_space<vmem_shared>>
      tpu.wait_dma2 semaphore(%run_scoped3A : memref<!tpu.dma_semaphore, #tpu.memory_space<semaphore_mem>>) src(%arg5 : memref<640x128xf32, #tpu.memory_space<hbm>>) dst(%dma_wait3A_222 : memref<640x128xf32, #tpu.memory_space<vmem_shared>>)
      tpu.yield
    }) : () -> ()
    %barrier3A = arith.constant 0 : index
    tpu.barrier barrier_id(%barrier3A)
    %add3A_5 = arith.constant 0 : i32
    %add3A_6 = arith.addi %mul3A_2, %add3A_5 : i32
    %dma_start3A = tpu.memref_slice %arg2[%add3A_6] : memref<320000xi32, #tpu.memory_space<hbm>> -> memref<104xi32, #tpu.memory_space<hbm>>
    %dma_start3A_7 = tpu.memref_slice %arg2[%add3A_6] : memref<320000xi32, #tpu.memory_space<hbm>> -> memref<104xi32, #tpu.memory_space<hbm>>
    tpu.enqueue_dma source(%dma_start3A_7 : memref<104xi32, #tpu.memory_space<hbm>>) target(%arg7 : memref<104xi32, #tpu.memory_space<vmem>>) target_semaphore(%arg18 : memref<!tpu.dma_semaphore, #tpu.memory_space<semaphore_mem>>)
    %add3A_8 = arith.constant 0 : i32
    %add3A_9 = arith.addi %mul3A_2, %add3A_8 : i32
    %dma_start3A_10 = tpu.memref_slice %arg3[%add3A_9] : memref<320000xi32, #tpu.memory_space<hbm>> -> memref<104xi32, #tpu.memory_space<hbm>>
    %dma_start3A_11 = tpu.memref_slice %arg3[%add3A_9] : memref<320000xi32, #tpu.memory_space<hbm>> -> memref<104xi32, #tpu.memory_space<hbm>>
    tpu.enqueue_dma source(%dma_start3A_11 : memref<104xi32, #tpu.memory_space<hbm>>) target(%arg10 : memref<104xi32, #tpu.memory_space<vmem>>) target_semaphore(%arg21 : memref<!tpu.dma_semaphore, #tpu.memory_space<semaphore_mem>>)
    %add3A_12 = arith.constant 104 : i32
    %add3A_13 = arith.addi %mul3A_2, %add3A_12 : i32
    %dma_start3A_14 = tpu.memref_slice %arg2[%add3A_13] : memref<320000xi32, #tpu.memory_space<hbm>> -> memref<104xi32, #tpu.memory_space<hbm>>
    %dma_start3A_15 = tpu.memref_slice %arg2[%add3A_13] : memref<320000xi32, #tpu.memory_space<hbm>> -> memref<104xi32, #tpu.memory_space<hbm>>
    tpu.enqueue_dma source(%dma_start3A_15 : memref<104xi32, #tpu.memory_space<hbm>>) target(%arg8 : memref<104xi32, #tpu.memory_space<vmem>>) target_semaphore(%arg19 : memref<!tpu.dma_semaphore, #tpu.memory_space<semaphore_mem>>)
    %add3A_16 = arith.constant 104 : i32
    %add3A_17 = arith.addi %mul3A_2, %add3A_16 : i32
    %dma_start3A_18 = tpu.memref_slice %arg3[%add3A_17] : memref<320000xi32, #tpu.memory_space<hbm>> -> memref<104xi32, #tpu.memory_space<hbm>>
    %dma_start3A_19 = tpu.memref_slice %arg3[%add3A_17] : memref<320000xi32, #tpu.memory_space<hbm>> -> memref<104xi32, #tpu.memory_space<hbm>>
    tpu.enqueue_dma source(%dma_start3A_19 : memref<104xi32, #tpu.memory_space<hbm>>) target(%arg11 : memref<104xi32, #tpu.memory_space<vmem>>) target_semaphore(%arg22 : memref<!tpu.dma_semaphore, #tpu.memory_space<semaphore_mem>>)
    %dma_wait3A = arith.constant 0 : i32
    %dma_wait3A_20 = tpu.memref_slice %arg2[%dma_wait3A] : memref<320000xi32, #tpu.memory_space<hbm>> -> memref<104xi32, #tpu.memory_space<hbm>>
    %dma_wait3A_21 = arith.constant 0 : i32
    %dma_wait3A_22 = tpu.memref_slice %arg2[%dma_wait3A_21] : memref<320000xi32, #tpu.memory_space<hbm>> -> memref<104xi32, #tpu.memory_space<hbm>>
    tpu.wait_dma2 semaphore(%arg18 : memref<!tpu.dma_semaphore, #tpu.memory_space<semaphore_mem>>) src(%dma_wait3A_22 : memref<104xi32, #tpu.memory_space<hbm>>) dst(%arg7 : memref<104xi32, #tpu.memory_space<vmem>>)
    %dma_start3A_23 = arith.constant 0 : i32
    %dma_start3A_24 = arith.constant 0 : i32
    %dma_start3A_25 = tpu.memref_slice %arg4[%dma_start3A_23, %dma_start3A_24] : memref<10240x128xf32, #tpu.memory_space<hbm>> -> memref<10240x128xf32, #tpu.memory_space<hbm>>
    tpu.enqueue_indirect_dma source(%dma_start3A_25 : memref<10240x128xf32, #tpu.memory_space<hbm>>) target(%arg15 : memref<104x128xf32, #tpu.memory_space<vmem>>) offsets(%arg7 : memref<104xi32, #tpu.memory_space<vmem>>) semaphore(%arg24 : memref<!tpu.dma_semaphore, #tpu.memory_space<semaphore_mem>>)
    %dma_wait3A_26 = arith.constant 0 : i32
    %dma_wait3A_27 = tpu.memref_slice %arg2[%dma_wait3A_26] : memref<320000xi32, #tpu.memory_space<hbm>> -> memref<104xi32, #tpu.memory_space<hbm>>
    %dma_wait3A_28 = arith.constant 0 : i32
    %dma_wait3A_29 = tpu.memref_slice %arg2[%dma_wait3A_28] : memref<320000xi32, #tpu.memory_space<hbm>> -> memref<104xi32, #tpu.memory_space<hbm>>
    tpu.wait_dma2 semaphore(%arg21 : memref<!tpu.dma_semaphore, #tpu.memory_space<semaphore_mem>>) src(%dma_wait3A_29 : memref<104xi32, #tpu.memory_space<hbm>>) dst(%arg10 : memref<104xi32, #tpu.memory_space<vmem>>)
    %dma_wait3A_30 = arith.constant 0 : i32
    %dma_wait3A_31 = arith.constant 0 : i32
    %dma_wait3A_32 = tpu.memref_slice %arg4[%dma_wait3A_30, %dma_wait3A_31] : memref<10240x128xf32, #tpu.memory_space<hbm>> -> memref<10240x128xf32, #tpu.memory_space<hbm>>
    tpu.wait_indirect_dma semaphore(%arg24 : memref<!tpu.dma_semaphore, #tpu.memory_space<semaphore_mem>>) src(%dma_wait3A_32 : memref<10240x128xf32, #tpu.memory_space<hbm>>) dst(%arg15 : memref<104x128xf32, #tpu.memory_space<vmem>>)
    %dma_start3A_33 = arith.constant 0 : i32
    %dma_start3A_34 = arith.constant 0 : i32
    %dma_start3A_35 = tpu.memref_slice %arg17[%dma_start3A_33, %dma_start3A_34] : memref<10240x128xf32, #tpu.memory_space<vmem_shared>> -> memref<10240x128xf32, #tpu.memory_space<vmem_shared>>
    tpu.enqueue_indirect_dma source(%arg15 : memref<104x128xf32, #tpu.memory_space<vmem>>) target(%dma_start3A_35 : memref<10240x128xf32, #tpu.memory_space<vmem_shared>>) offsets(%arg10 : memref<104xi32, #tpu.memory_space<vmem>>) semaphore(%arg26 : memref<!tpu.dma_semaphore, #tpu.memory_space<semaphore_mem>>) {add = true}
    %dma_wait3A_36 = arith.constant 0 : i32
    %dma_wait3A_37 = tpu.memref_slice %arg2[%dma_wait3A_36] : memref<320000xi32, #tpu.memory_space<hbm>> -> memref<104xi32, #tpu.memory_space<hbm>>
    %dma_wait3A_38 = arith.constant 0 : i32
    %dma_wait3A_39 = tpu.memref_slice %arg2[%dma_wait3A_38] : memref<320000xi32, #tpu.memory_space<hbm>> -> memref<104xi32, #tpu.memory_space<hbm>>
    tpu.wait_dma2 semaphore(%arg19 : memref<!tpu.dma_semaphore, #tpu.memory_space<semaphore_mem>>) src(%dma_wait3A_39 : memref<104xi32, #tpu.memory_space<hbm>>) dst(%arg8 : memref<104xi32, #tpu.memory_space<vmem>>)
    %dma_start3A_40 = arith.constant 0 : i32
    %dma_start3A_41 = arith.constant 0 : i32
    %dma_start3A_42 = tpu.memref_slice %arg4[%dma_start3A_40, %dma_start3A_41] : memref<10240x128xf32, #tpu.memory_space<hbm>> -> memref<10240x128xf32, #tpu.memory_space<hbm>>
    tpu.enqueue_indirect_dma source(%dma_start3A_42 : memref<10240x128xf32, #tpu.memory_space<hbm>>) target(%arg16 : memref<104x128xf32, #tpu.memory_space<vmem>>) offsets(%arg8 : memref<104xi32, #tpu.memory_space<vmem>>) semaphore(%arg25 : memref<!tpu.dma_semaphore, #tpu.memory_space<semaphore_mem>>)
    %add3A_43 = arith.constant 208 : i32
    %add3A_44 = arith.addi %mul3A_2, %add3A_43 : i32
    %dma_start3A_45 = tpu.memref_slice %arg2[%add3A_44] : memref<320000xi32, #tpu.memory_space<hbm>> -> memref<104xi32, #tpu.memory_space<hbm>>
    %dma_start3A_46 = tpu.memref_slice %arg2[%add3A_44] : memref<320000xi32, #tpu.memory_space<hbm>> -> memref<104xi32, #tpu.memory_space<hbm>>
    tpu.enqueue_dma source(%dma_start3A_46 : memref<104xi32, #tpu.memory_space<hbm>>) target(%arg9 : memref<104xi32, #tpu.memory_space<vmem>>) target_semaphore(%arg20 : memref<!tpu.dma_semaphore, #tpu.memory_space<semaphore_mem>>)
    %add3A_47 = arith.constant 208 : i32
    %add3A_48 = arith.addi %mul3A_2, %add3A_47 : i32
    %dma_start3A_49 = tpu.memref_slice %arg3[%add3A_48] : memref<320000xi32, #tpu.memory_space<hbm>> -> memref<104xi32, #tpu.memory_space<hbm>>
    %dma_start3A_50 = tpu.memref_slice %arg3[%add3A_48] : memref<320000xi32, #tpu.memory_space<hbm>> -> memref<104xi32, #tpu.memory_space<hbm>>
    tpu.enqueue_dma source(%dma_start3A_50 : memref<104xi32, #tpu.memory_space<hbm>>) target(%arg12 : memref<104xi32, #tpu.memory_space<vmem>>) target_semaphore(%arg23 : memref<!tpu.dma_semaphore, #tpu.memory_space<semaphore_mem>>)
    %scan3A = arith.constant 0 : i32
    %scan3A_51 = arith.constant 0 : i32
    %scan3A_52 = arith.constant 15 : i32
    %scan3A_53 = arith.addi %scan3A_51, %scan3A_52 : i32
    %scan3A_54 = arith.constant 1 : i32
    scf.for %scan3A_219 = %scan3A_51 to %scan3A_53 step %scan3A_54  : i32 {
      %mul3A_220 = arith.constant 6 : i32
      %mul3A_221 = arith.muli %mul3A_220, %scan3A_219 : i32
      %add3A_222 = arith.constant 1 : i32
      %add3A_223 = arith.addi %mul3A_221, %add3A_222 : i32
      %dma_wait3A_224 = arith.constant 0 : i32
      %dma_wait3A_225 = tpu.memref_slice %arg2[%dma_wait3A_224] : memref<320000xi32, #tpu.memory_space<hbm>> -> memref<104xi32, #tpu.memory_space<hbm>>
      %dma_wait3A_226 = arith.constant 0 : i32
      %dma_wait3A_227 = tpu.memref_slice %arg2[%dma_wait3A_226] : memref<320000xi32, #tpu.memory_space<hbm>> -> memref<104xi32, #tpu.memory_space<hbm>>
      tpu.wait_dma2 semaphore(%arg22 : memref<!tpu.dma_semaphore, #tpu.memory_space<semaphore_mem>>) src(%dma_wait3A_227 : memref<104xi32, #tpu.memory_space<hbm>>) dst(%arg11 : memref<104xi32, #tpu.memory_space<vmem>>)
      %dma_wait3A_228 = arith.constant 0 : i32
      %dma_wait3A_229 = arith.constant 0 : i32
      %dma_wait3A_230 = tpu.memref_slice %arg4[%dma_wait3A_228, %dma_wait3A_229] : memref<10240x128xf32, #tpu.memory_space<hbm>> -> memref<10240x128xf32, #tpu.memory_space<hbm>>
      tpu.wait_indirect_dma semaphore(%arg25 : memref<!tpu.dma_semaphore, #tpu.memory_space<semaphore_mem>>) src(%dma_wait3A_230 : memref<10240x128xf32, #tpu.memory_space<hbm>>) dst(%arg16 : memref<104x128xf32, #tpu.memory_space<vmem>>)
      %dma_start3A_231 = arith.constant 0 : i32
      %dma_start3A_232 = arith.constant 0 : i32
      %dma_start3A_233 = tpu.memref_slice %arg17[%dma_start3A_231, %dma_start3A_232] : memref<10240x128xf32, #tpu.memory_space<vmem_shared>> -> memref<10240x128xf32, #tpu.memory_space<vmem_shared>>
      tpu.enqueue_indirect_dma source(%arg16 : memref<104x128xf32, #tpu.memory_space<vmem>>) target(%dma_start3A_233 : memref<10240x128xf32, #tpu.memory_space<vmem_shared>>) offsets(%arg11 : memref<104xi32, #tpu.memory_space<vmem>>) semaphore(%arg27 : memref<!tpu.dma_semaphore, #tpu.memory_space<semaphore_mem>>) {add = true}
      %dma_wait3A_234 = arith.constant 0 : i32
      %dma_wait3A_235 = arith.constant 0 : i32
      %dma_wait3A_236 = tpu.memref_slice %arg17[%dma_wait3A_234, %dma_wait3A_235] : memref<10240x128xf32, #tpu.memory_space<vmem_shared>> -> memref<10240x128xf32, #tpu.memory_space<vmem_shared>>
      tpu.wait_indirect_dma semaphore(%arg26 : memref<!tpu.dma_semaphore, #tpu.memory_space<semaphore_mem>>) src(%arg15 : memref<104x128xf32, #tpu.memory_space<vmem>>) dst(%dma_wait3A_236 : memref<10240x128xf32, #tpu.memory_space<vmem_shared>>)
      %dma_wait3A_237 = arith.constant 0 : i32
      %dma_wait3A_238 = tpu.memref_slice %arg2[%dma_wait3A_237] : memref<320000xi32, #tpu.memory_space<hbm>> -> memref<104xi32, #tpu.memory_space<hbm>>
      %dma_wait3A_239 = arith.constant 0 : i32
      %dma_wait3A_240 = tpu.memref_slice %arg2[%dma_wait3A_239] : memref<320000xi32, #tpu.memory_space<hbm>> -> memref<104xi32, #tpu.memory_space<hbm>>
      tpu.wait_dma2 semaphore(%arg20 : memref<!tpu.dma_semaphore, #tpu.memory_space<semaphore_mem>>) src(%dma_wait3A_240 : memref<104xi32, #tpu.memory_space<hbm>>) dst(%arg9 : memref<104xi32, #tpu.memory_space<vmem>>)
      %dma_start3A_241 = arith.constant 0 : i32
      %dma_start3A_242 = arith.constant 0 : i32
      %dma_start3A_243 = tpu.memref_slice %arg4[%dma_start3A_241, %dma_start3A_242] : memref<10240x128xf32, #tpu.memory_space<hbm>> -> memref<10240x128xf32, #tpu.memory_space<hbm>>
      tpu.enqueue_indirect_dma source(%dma_start3A_243 : memref<10240x128xf32, #tpu.memory_space<hbm>>) target(%arg15 : memref<104x128xf32, #tpu.memory_space<vmem>>) offsets(%arg9 : memref<104xi32, #tpu.memory_space<vmem>>) semaphore(%arg24 : memref<!tpu.dma_semaphore, #tpu.memory_space<semaphore_mem>>)
      %add3A_244 = arith.constant 2 : i32
      %add3A_245 = arith.addi %add3A_223, %add3A_244 : i32
      %mul3A_246 = arith.constant 104 : i32
      %mul3A_247 = arith.muli %add3A_245, %mul3A_246 : i32
      %add3A_248 = arith.addi %mul3A_2, %mul3A_247 : i32
      %dma_start3A_249 = tpu.memref_slice %arg2[%add3A_248] : memref<320000xi32, #tpu.memory_space<hbm>> -> memref<104xi32, #tpu.memory_space<hbm>>
      %dma_start3A_250 = tpu.memref_slice %arg2[%add3A_248] : memref<320000xi32, #tpu.memory_space<hbm>> -> memref<104xi32, #tpu.memory_space<hbm>>
      tpu.enqueue_dma source(%dma_start3A_250 : memref<104xi32, #tpu.memory_space<hbm>>) target(%arg7 : memref<104xi32, #tpu.memory_space<vmem>>) target_semaphore(%arg18 : memref<!tpu.dma_semaphore, #tpu.memory_space<semaphore_mem>>)
      %mul3A_251 = arith.constant 104 : i32
      %mul3A_252 = arith.muli %add3A_245, %mul3A_251 : i32
      %add3A_253 = arith.addi %mul3A_2, %mul3A_252 : i32
      %dma_start3A_254 = tpu.memref_slice %arg3[%add3A_253] : memref<320000xi32, #tpu.memory_space<hbm>> -> memref<104xi32, #tpu.memory_space<hbm>>
      %dma_start3A_255 = tpu.memref_slice %arg3[%add3A_253] : memref<320000xi32, #tpu.memory_space<hbm>> -> memref<104xi32, #tpu.memory_space<hbm>>
      tpu.enqueue_dma source(%dma_start3A_255 : memref<104xi32, #tpu.memory_space<hbm>>) target(%arg10 : memref<104xi32, #tpu.memory_space<vmem>>) target_semaphore(%arg21 : memref<!tpu.dma_semaphore, #tpu.memory_space<semaphore_mem>>)
      %add3A_256 = arith.constant 1 : i32
      %add3A_257 = arith.addi %add3A_223, %add3A_256 : i32
      %dma_wait3A_258 = arith.constant 0 : i32
      %dma_wait3A_259 = tpu.memref_slice %arg2[%dma_wait3A_258] : memref<320000xi32, #tpu.memory_space<hbm>> -> memref<104xi32, #tpu.memory_space<hbm>>
      %dma_wait3A_260 = arith.constant 0 : i32
      %dma_wait3A_261 = tpu.memref_slice %arg2[%dma_wait3A_260] : memref<320000xi32, #tpu.memory_space<hbm>> -> memref<104xi32, #tpu.memory_space<hbm>>
      tpu.wait_dma2 semaphore(%arg23 : memref<!tpu.dma_semaphore, #tpu.memory_space<semaphore_mem>>) src(%dma_wait3A_261 : memref<104xi32, #tpu.memory_space<hbm>>) dst(%arg12 : memref<104xi32, #tpu.memory_space<vmem>>)
      %dma_wait3A_262 = arith.constant 0 : i32
      %dma_wait3A_263 = arith.constant 0 : i32
      %dma_wait3A_264 = tpu.memref_slice %arg4[%dma_wait3A_262, %dma_wait3A_263] : memref<10240x128xf32, #tpu.memory_space<hbm>> -> memref<10240x128xf32, #tpu.memory_space<hbm>>
      tpu.wait_indirect_dma semaphore(%arg24 : memref<!tpu.dma_semaphore, #tpu.memory_space<semaphore_mem>>) src(%dma_wait3A_264 : memref<10240x128xf32, #tpu.memory_space<hbm>>) dst(%arg15 : memref<104x128xf32, #tpu.memory_space<vmem>>)
      %dma_start3A_265 = arith.constant 0 : i32
      %dma_start3A_266 = arith.constant 0 : i32
      %dma_start3A_267 = tpu.memref_slice %arg17[%dma_start3A_265, %dma_start3A_266] : memref<10240x128xf32, #tpu.memory_space<vmem_shared>> -> memref<10240x128xf32, #tpu.memory_space<vmem_shared>>
      tpu.enqueue_indirect_dma source(%arg15 : memref<104x128xf32, #tpu.memory_space<vmem>>) target(%dma_start3A_267 : memref<10240x128xf32, #tpu.memory_space<vmem_shared>>) offsets(%arg12 : memref<104xi32, #tpu.memory_space<vmem>>) semaphore(%arg26 : memref<!tpu.dma_semaphore, #tpu.memory_space<semaphore_mem>>) {add = true}
      %dma_wait3A_268 = arith.constant 0 : i32
      %dma_wait3A_269 = arith.constant 0 : i32
      %dma_wait3A_270 = tpu.memref_slice %arg17[%dma_wait3A_268, %dma_wait3A_269] : memref<10240x128xf32, #tpu.memory_space<vmem_shared>> -> memref<10240x128xf32, #tpu.memory_space<vmem_shared>>
      tpu.wait_indirect_dma semaphore(%arg27 : memref<!tpu.dma_semaphore, #tpu.memory_space<semaphore_mem>>) src(%arg16 : memref<104x128xf32, #tpu.memory_space<vmem>>) dst(%dma_wait3A_270 : memref<10240x128xf32, #tpu.memory_space<vmem_shared>>)
      %dma_wait3A_271 = arith.constant 0 : i32
      %dma_wait3A_272 = tpu.memref_slice %arg2[%dma_wait3A_271] : memref<320000xi32, #tpu.memory_space<hbm>> -> memref<104xi32, #tpu.memory_space<hbm>>
      %dma_wait3A_273 = arith.constant 0 : i32
      %dma_wait3A_274 = tpu.memref_slice %arg2[%dma_wait3A_273] : memref<320000xi32, #tpu.memory_space<hbm>> -> memref<104xi32, #tpu.memory_space<hbm>>
      tpu.wait_dma2 semaphore(%arg18 : memref<!tpu.dma_semaphore, #tpu.memory_space<semaphore_mem>>) src(%dma_wait3A_274 : memref<104xi32, #tpu.memory_space<hbm>>) dst(%arg7 : memref<104xi32, #tpu.memory_space<vmem>>)
      %dma_start3A_275 = arith.constant 0 : i32
      %dma_start3A_276 = arith.constant 0 : i32
      %dma_start3A_277 = tpu.memref_slice %arg4[%dma_start3A_275, %dma_start3A_276] : memref<10240x128xf32, #tpu.memory_space<hbm>> -> memref<10240x128xf32, #tpu.memory_space<hbm>>
      tpu.enqueue_indirect_dma source(%dma_start3A_277 : memref<10240x128xf32, #tpu.memory_space<hbm>>) target(%arg16 : memref<104x128xf32, #tpu.memory_space<vmem>>) offsets(%arg7 : memref<104xi32, #tpu.memory_space<vmem>>) semaphore(%arg25 : memref<!tpu.dma_semaphore, #tpu.memory_space<semaphore_mem>>)
      %add3A_278 = arith.constant 2 : i32
      %add3A_279 = arith.addi %add3A_257, %add3A_278 : i32
      %mul3A_280 = arith.constant 104 : i32
      %mul3A_281 = arith.muli %add3A_279, %mul3A_280 : i32
      %add3A_282 = arith.addi %mul3A_2, %mul3A_281 : i32
      %dma_start3A_283 = tpu.memref_slice %arg2[%add3A_282] : memref<320000xi32, #tpu.memory_space<hbm>> -> memref<104xi32, #tpu.memory_space<hbm>>
      %dma_start3A_284 = tpu.memref_slice %arg2[%add3A_282] : memref<320000xi32, #tpu.memory_space<hbm>> -> memref<104xi32, #tpu.memory_space<hbm>>
      tpu.enqueue_dma source(%dma_start3A_284 : memref<104xi32, #tpu.memory_space<hbm>>) target(%arg8 : memref<104xi32, #tpu.memory_space<vmem>>) target_semaphore(%arg19 : memref<!tpu.dma_semaphore, #tpu.memory_space<semaphore_mem>>)
      %mul3A_285 = arith.constant 104 : i32
      %mul3A_286 = arith.muli %add3A_279, %mul3A_285 : i32
      %add3A_287 = arith.addi %mul3A_2, %mul3A_286 : i32
      %dma_start3A_288 = tpu.memref_slice %arg3[%add3A_287] : memref<320000xi32, #tpu.memory_space<hbm>> -> memref<104xi32, #tpu.memory_space<hbm>>
      %dma_start3A_289 = tpu.memref_slice %arg3[%add3A_287] : memref<320000xi32, #tpu.memory_space<hbm>> -> memref<104xi32, #tpu.memory_space<hbm>>
      tpu.enqueue_dma source(%dma_start3A_289 : memref<104xi32, #tpu.memory_space<hbm>>) target(%arg11 : memref<104xi32, #tpu.memory_space<vmem>>) target_semaphore(%arg22 : memref<!tpu.dma_semaphore, #tpu.memory_space<semaphore_mem>>)
      %add3A_290 = arith.constant 2 : i32
      %add3A_291 = arith.addi %add3A_223, %add3A_290 : i32
      %dma_wait3A_292 = arith.constant 0 : i32
      %dma_wait3A_293 = tpu.memref_slice %arg2[%dma_wait3A_292] : memref<320000xi32, #tpu.memory_space<hbm>> -> memref<104xi32, #tpu.memory_space<hbm>>
      %dma_wait3A_294 = arith.constant 0 : i32
      %dma_wait3A_295 = tpu.memref_slice %arg2[%dma_wait3A_294] : memref<320000xi32, #tpu.memory_space<hbm>> -> memref<104xi32, #tpu.memory_space<hbm>>
      tpu.wait_dma2 semaphore(%arg21 : memref<!tpu.dma_semaphore, #tpu.memory_space<semaphore_mem>>) src(%dma_wait3A_295 : memref<104xi32, #tpu.memory_space<hbm>>) dst(%arg10 : memref<104xi32, #tpu.memory_space<vmem>>)
      %dma_wait3A_296 = arith.constant 0 : i32
      %dma_wait3A_297 = arith.constant 0 : i32
      %dma_wait3A_298 = tpu.memref_slice %arg4[%dma_wait3A_296, %dma_wait3A_297] : memref<10240x128xf32, #tpu.memory_space<hbm>> -> memref<10240x128xf32, #tpu.memory_space<hbm>>
      tpu.wait_indirect_dma semaphore(%arg25 : memref<!tpu.dma_semaphore, #tpu.memory_space<semaphore_mem>>) src(%dma_wait3A_298 : memref<10240x128xf32, #tpu.memory_space<hbm>>) dst(%arg16 : memref<104x128xf32, #tpu.memory_space<vmem>>)
      %dma_start3A_299 = arith.constant 0 : i32
      %dma_start3A_300 = arith.constant 0 : i32
      %dma_start3A_301 = tpu.memref_slice %arg17[%dma_start3A_299, %dma_start3A_300] : memref<10240x128xf32, #tpu.memory_space<vmem_shared>> -> memref<10240x128xf32, #tpu.memory_space<vmem_shared>>
      tpu.enqueue_indirect_dma source(%arg16 : memref<104x128xf32, #tpu.memory_space<vmem>>) target(%dma_start3A_301 : memref<10240x128xf32, #tpu.memory_space<vmem_shared>>) offsets(%arg10 : memref<104xi32, #tpu.memory_space<vmem>>) semaphore(%arg27 : memref<!tpu.dma_semaphore, #tpu.memory_space<semaphore_mem>>) {add = true}
      %dma_wait3A_302 = arith.constant 0 : i32
      %dma_wait3A_303 = arith.constant 0 : i32
      %dma_wait3A_304 = tpu.memref_slice %arg17[%dma_wait3A_302, %dma_wait3A_303] : memref<10240x128xf32, #tpu.memory_space<vmem_shared>> -> memref<10240x128xf32, #tpu.memory_space<vmem_shared>>
      tpu.wait_indirect_dma semaphore(%arg26 : memref<!tpu.dma_semaphore, #tpu.memory_space<semaphore_mem>>) src(%arg15 : memref<104x128xf32, #tpu.memory_space<vmem>>) dst(%dma_wait3A_304 : memref<10240x128xf32, #tpu.memory_space<vmem_shared>>)
      %dma_wait3A_305 = arith.constant 0 : i32
      %dma_wait3A_306 = tpu.memref_slice %arg2[%dma_wait3A_305] : memref<320000xi32, #tpu.memory_space<hbm>> -> memref<104xi32, #tpu.memory_space<hbm>>
      %dma_wait3A_307 = arith.constant 0 : i32
      %dma_wait3A_308 = tpu.memref_slice %arg2[%dma_wait3A_307] : memref<320000xi32, #tpu.memory_space<hbm>> -> memref<104xi32, #tpu.memory_space<hbm>>
      tpu.wait_dma2 semaphore(%arg19 : memref<!tpu.dma_semaphore, #tpu.memory_space<semaphore_mem>>) src(%dma_wait3A_308 : memref<104xi32, #tpu.memory_space<hbm>>) dst(%arg8 : memref<104xi32, #tpu.memory_space<vmem>>)
      %dma_start3A_309 = arith.constant 0 : i32
      %dma_start3A_310 = arith.constant 0 : i32
      %dma_start3A_311 = tpu.memref_slice %arg4[%dma_start3A_309, %dma_start3A_310] : memref<10240x128xf32, #tpu.memory_space<hbm>> -> memref<10240x128xf32, #tpu.memory_space<hbm>>
      tpu.enqueue_indirect_dma source(%dma_start3A_311 : memref<10240x128xf32, #tpu.memory_space<hbm>>) target(%arg15 : memref<104x128xf32, #tpu.memory_space<vmem>>) offsets(%arg8 : memref<104xi32, #tpu.memory_space<vmem>>) semaphore(%arg24 : memref<!tpu.dma_semaphore, #tpu.memory_space<semaphore_mem>>)
      %add3A_312 = arith.constant 2 : i32
      %add3A_313 = arith.addi %add3A_291, %add3A_312 : i32
      %mul3A_314 = arith.constant 104 : i32
      %mul3A_315 = arith.muli %add3A_313, %mul3A_314 : i32
      %add3A_316 = arith.addi %mul3A_2, %mul3A_315 : i32
      %dma_start3A_317 = tpu.memref_slice %arg2[%add3A_316] : memref<320000xi32, #tpu.memory_space<hbm>> -> memref<104xi32, #tpu.memory_space<hbm>>
      %dma_start3A_318 = tpu.memref_slice %arg2[%add3A_316] : memref<320000xi32, #tpu.memory_space<hbm>> -> memref<104xi32, #tpu.memory_space<hbm>>
      tpu.enqueue_dma source(%dma_start3A_318 : memref<104xi32, #tpu.memory_space<hbm>>) target(%arg9 : memref<104xi32, #tpu.memory_space<vmem>>) target_semaphore(%arg20 : memref<!tpu.dma_semaphore, #tpu.memory_space<semaphore_mem>>)
      %mul3A_319 = arith.constant 104 : i32
      %mul3A_320 = arith.muli %add3A_313, %mul3A_319 : i32
      %add3A_321 = arith.addi %mul3A_2, %mul3A_320 : i32
      %dma_start3A_322 = tpu.memref_slice %arg3[%add3A_321] : memref<320000xi32, #tpu.memory_space<hbm>> -> memref<104xi32, #tpu.memory_space<hbm>>
      %dma_start3A_323 = tpu.memref_slice %arg3[%add3A_321] : memref<320000xi32, #tpu.memory_space<hbm>> -> memref<104xi32, #tpu.memory_space<hbm>>
      tpu.enqueue_dma source(%dma_start3A_323 : memref<104xi32, #tpu.memory_space<hbm>>) target(%arg12 : memref<104xi32, #tpu.memory_space<vmem>>) target_semaphore(%arg23 : memref<!tpu.dma_semaphore, #tpu.memory_space<semaphore_mem>>)
      %add3A_324 = arith.constant 3 : i32
      %add3A_325 = arith.addi %add3A_223, %add3A_324 : i32
      %dma_wait3A_326 = arith.constant 0 : i32
      %dma_wait3A_327 = tpu.memref_slice %arg2[%dma_wait3A_326] : memref<320000xi32, #tpu.memory_space<hbm>> -> memref<104xi32, #tpu.memory_space<hbm>>
      %dma_wait3A_328 = arith.constant 0 : i32
      %dma_wait3A_329 = tpu.memref_slice %arg2[%dma_wait3A_328] : memref<320000xi32, #tpu.memory_space<hbm>> -> memref<104xi32, #tpu.memory_space<hbm>>
      tpu.wait_dma2 semaphore(%arg22 : memref<!tpu.dma_semaphore, #tpu.memory_space<semaphore_mem>>) src(%dma_wait3A_329 : memref<104xi32, #tpu.memory_space<hbm>>) dst(%arg11 : memref<104xi32, #tpu.memory_space<vmem>>)
      %dma_wait3A_330 = arith.constant 0 : i32
      %dma_wait3A_331 = arith.constant 0 : i32
      %dma_wait3A_332 = tpu.memref_slice %arg4[%dma_wait3A_330, %dma_wait3A_331] : memref<10240x128xf32, #tpu.memory_space<hbm>> -> memref<10240x128xf32, #tpu.memory_space<hbm>>
      tpu.wait_indirect_dma semaphore(%arg24 : memref<!tpu.dma_semaphore, #tpu.memory_space<semaphore_mem>>) src(%dma_wait3A_332 : memref<10240x128xf32, #tpu.memory_space<hbm>>) dst(%arg15 : memref<104x128xf32, #tpu.memory_space<vmem>>)
      %dma_start3A_333 = arith.constant 0 : i32
      %dma_start3A_334 = arith.constant 0 : i32
      %dma_start3A_335 = tpu.memref_slice %arg17[%dma_start3A_333, %dma_start3A_334] : memref<10240x128xf32, #tpu.memory_space<vmem_shared>> -> memref<10240x128xf32, #tpu.memory_space<vmem_shared>>
      tpu.enqueue_indirect_dma source(%arg15 : memref<104x128xf32, #tpu.memory_space<vmem>>) target(%dma_start3A_335 : memref<10240x128xf32, #tpu.memory_space<vmem_shared>>) offsets(%arg11 : memref<104xi32, #tpu.memory_space<vmem>>) semaphore(%arg26 : memref<!tpu.dma_semaphore, #tpu.memory_space<semaphore_mem>>) {add = true}
      %dma_wait3A_336 = arith.constant 0 : i32
      %dma_wait3A_337 = arith.constant 0 : i32
      %dma_wait3A_338 = tpu.memref_slice %arg17[%dma_wait3A_336, %dma_wait3A_337] : memref<10240x128xf32, #tpu.memory_space<vmem_shared>> -> memref<10240x128xf32, #tpu.memory_space<vmem_shared>>
      tpu.wait_indirect_dma semaphore(%arg27 : memref<!tpu.dma_semaphore, #tpu.memory_space<semaphore_mem>>) src(%arg16 : memref<104x128xf32, #tpu.memory_space<vmem>>) dst(%dma_wait3A_338 : memref<10240x128xf32, #tpu.memory_space<vmem_shared>>)
      %dma_wait3A_339 = arith.constant 0 : i32
      %dma_wait3A_340 = tpu.memref_slice %arg2[%dma_wait3A_339] : memref<320000xi32, #tpu.memory_space<hbm>> -> memref<104xi32, #tpu.memory_space<hbm>>
      %dma_wait3A_341 = arith.constant 0 : i32
      %dma_wait3A_342 = tpu.memref_slice %arg2[%dma_wait3A_341] : memref<320000xi32, #tpu.memory_space<hbm>> -> memref<104xi32, #tpu.memory_space<hbm>>
      tpu.wait_dma2 semaphore(%arg20 : memref<!tpu.dma_semaphore, #tpu.memory_space<semaphore_mem>>) src(%dma_wait3A_342 : memref<104xi32, #tpu.memory_space<hbm>>) dst(%arg9 : memref<104xi32, #tpu.memory_space<vmem>>)
      %dma_start3A_343 = arith.constant 0 : i32
      %dma_start3A_344 = arith.constant 0 : i32
      %dma_start3A_345 = tpu.memref_slice %arg4[%dma_start3A_343, %dma_start3A_344] : memref<10240x128xf32, #tpu.memory_space<hbm>> -> memref<10240x128xf32, #tpu.memory_space<hbm>>
      tpu.enqueue_indirect_dma source(%dma_start3A_345 : memref<10240x128xf32, #tpu.memory_space<hbm>>) target(%arg16 : memref<104x128xf32, #tpu.memory_space<vmem>>) offsets(%arg9 : memref<104xi32, #tpu.memory_space<vmem>>) semaphore(%arg25 : memref<!tpu.dma_semaphore, #tpu.memory_space<semaphore_mem>>)
      %add3A_346 = arith.constant 2 : i32
      %add3A_347 = arith.addi %add3A_325, %add3A_346 : i32
      %mul3A_348 = arith.constant 104 : i32
      %mul3A_349 = arith.muli %add3A_347, %mul3A_348 : i32
      %add3A_350 = arith.addi %mul3A_2, %mul3A_349 : i32
      %dma_start3A_351 = tpu.memref_slice %arg2[%add3A_350] : memref<320000xi32, #tpu.memory_space<hbm>> -> memref<104xi32, #tpu.memory_space<hbm>>
      %dma_start3A_352 = tpu.memref_slice %arg2[%add3A_350] : memref<320000xi32, #tpu.memory_space<hbm>> -> memref<104xi32, #tpu.memory_space<hbm>>
      tpu.enqueue_dma source(%dma_start3A_352 : memref<104xi32, #tpu.memory_space<hbm>>) target(%arg7 : memref<104xi32, #tpu.memory_space<vmem>>) target_semaphore(%arg18 : memref<!tpu.dma_semaphore, #tpu.memory_space<semaphore_mem>>)
      %mul3A_353 = arith.constant 104 : i32
      %mul3A_354 = arith.muli %add3A_347, %mul3A_353 : i32
      %add3A_355 = arith.addi %mul3A_2, %mul3A_354 : i32
      %dma_start3A_356 = tpu.memref_slice %arg3[%add3A_355] : memref<320000xi32, #tpu.memory_space<hbm>> -> memref<104xi32, #tpu.memory_space<hbm>>
      %dma_start3A_357 = tpu.memref_slice %arg3[%add3A_355] : memref<320000xi32, #tpu.memory_space<hbm>> -> memref<104xi32, #tpu.memory_space<hbm>>
      tpu.enqueue_dma source(%dma_start3A_357 : memref<104xi32, #tpu.memory_space<hbm>>) target(%arg10 : memref<104xi32, #tpu.memory_space<vmem>>) target_semaphore(%arg21 : memref<!tpu.dma_semaphore, #tpu.memory_space<semaphore_mem>>)
      %add3A_358 = arith.constant 4 : i32
      %add3A_359 = arith.addi %add3A_223, %add3A_358 : i32
      %dma_wait3A_360 = arith.constant 0 : i32
      %dma_wait3A_361 = tpu.memref_slice %arg2[%dma_wait3A_360] : memref<320000xi32, #tpu.memory_space<hbm>> -> memref<104xi32, #tpu.memory_space<hbm>>
      %dma_wait3A_362 = arith.constant 0 : i32
      %dma_wait3A_363 = tpu.memref_slice %arg2[%dma_wait3A_362] : memref<320000xi32, #tpu.memory_space<hbm>> -> memref<104xi32, #tpu.memory_space<hbm>>
      tpu.wait_dma2 semaphore(%arg23 : memref<!tpu.dma_semaphore, #tpu.memory_space<semaphore_mem>>) src(%dma_wait3A_363 : memref<104xi32, #tpu.memory_space<hbm>>) dst(%arg12 : memref<104xi32, #tpu.memory_space<vmem>>)
      %dma_wait3A_364 = arith.constant 0 : i32
      %dma_wait3A_365 = arith.constant 0 : i32
      %dma_wait3A_366 = tpu.memref_slice %arg4[%dma_wait3A_364, %dma_wait3A_365] : memref<10240x128xf32, #tpu.memory_space<hbm>> -> memref<10240x128xf32, #tpu.memory_space<hbm>>
      tpu.wait_indirect_dma semaphore(%arg25 : memref<!tpu.dma_semaphore, #tpu.memory_space<semaphore_mem>>) src(%dma_wait3A_366 : memref<10240x128xf32, #tpu.memory_space<hbm>>) dst(%arg16 : memref<104x128xf32, #tpu.memory_space<vmem>>)
      %dma_start3A_367 = arith.constant 0 : i32
      %dma_start3A_368 = arith.constant 0 : i32
      %dma_start3A_369 = tpu.memref_slice %arg17[%dma_start3A_367, %dma_start3A_368] : memref<10240x128xf32, #tpu.memory_space<vmem_shared>> -> memref<10240x128xf32, #tpu.memory_space<vmem_shared>>
      tpu.enqueue_indirect_dma source(%arg16 : memref<104x128xf32, #tpu.memory_space<vmem>>) target(%dma_start3A_369 : memref<10240x128xf32, #tpu.memory_space<vmem_shared>>) offsets(%arg12 : memref<104xi32, #tpu.memory_space<vmem>>) semaphore(%arg27 : memref<!tpu.dma_semaphore, #tpu.memory_space<semaphore_mem>>) {add = true}
      %dma_wait3A_370 = arith.constant 0 : i32
      %dma_wait3A_371 = arith.constant 0 : i32
      %dma_wait3A_372 = tpu.memref_slice %arg17[%dma_wait3A_370, %dma_wait3A_371] : memref<10240x128xf32, #tpu.memory_space<vmem_shared>> -> memref<10240x128xf32, #tpu.memory_space<vmem_shared>>
      tpu.wait_indirect_dma semaphore(%arg26 : memref<!tpu.dma_semaphore, #tpu.memory_space<semaphore_mem>>) src(%arg15 : memref<104x128xf32, #tpu.memory_space<vmem>>) dst(%dma_wait3A_372 : memref<10240x128xf32, #tpu.memory_space<vmem_shared>>)
      %dma_wait3A_373 = arith.constant 0 : i32
      %dma_wait3A_374 = tpu.memref_slice %arg2[%dma_wait3A_373] : memref<320000xi32, #tpu.memory_space<hbm>> -> memref<104xi32, #tpu.memory_space<hbm>>
      %dma_wait3A_375 = arith.constant 0 : i32
      %dma_wait3A_376 = tpu.memref_slice %arg2[%dma_wait3A_375] : memref<320000xi32, #tpu.memory_space<hbm>> -> memref<104xi32, #tpu.memory_space<hbm>>
      tpu.wait_dma2 semaphore(%arg18 : memref<!tpu.dma_semaphore, #tpu.memory_space<semaphore_mem>>) src(%dma_wait3A_376 : memref<104xi32, #tpu.memory_space<hbm>>) dst(%arg7 : memref<104xi32, #tpu.memory_space<vmem>>)
      %dma_start3A_377 = arith.constant 0 : i32
      %dma_start3A_378 = arith.constant 0 : i32
      %dma_start3A_379 = tpu.memref_slice %arg4[%dma_start3A_377, %dma_start3A_378] : memref<10240x128xf32, #tpu.memory_space<hbm>> -> memref<10240x128xf32, #tpu.memory_space<hbm>>
      tpu.enqueue_indirect_dma source(%dma_start3A_379 : memref<10240x128xf32, #tpu.memory_space<hbm>>) target(%arg15 : memref<104x128xf32, #tpu.memory_space<vmem>>) offsets(%arg7 : memref<104xi32, #tpu.memory_space<vmem>>) semaphore(%arg24 : memref<!tpu.dma_semaphore, #tpu.memory_space<semaphore_mem>>)
      %add3A_380 = arith.constant 2 : i32
      %add3A_381 = arith.addi %add3A_359, %add3A_380 : i32
      %mul3A_382 = arith.constant 104 : i32
      %mul3A_383 = arith.muli %add3A_381, %mul3A_382 : i32
      %add3A_384 = arith.addi %mul3A_2, %mul3A_383 : i32
      %dma_start3A_385 = tpu.memref_slice %arg2[%add3A_384] : memref<320000xi32, #tpu.memory_space<hbm>> -> memref<104xi32, #tpu.memory_space<hbm>>
      %dma_start3A_386 = tpu.memref_slice %arg2[%add3A_384] : memref<320000xi32, #tpu.memory_space<hbm>> -> memref<104xi32, #tpu.memory_space<hbm>>
      tpu.enqueue_dma source(%dma_start3A_386 : memref<104xi32, #tpu.memory_space<hbm>>) target(%arg8 : memref<104xi32, #tpu.memory_space<vmem>>) target_semaphore(%arg19 : memref<!tpu.dma_semaphore, #tpu.memory_space<semaphore_mem>>)
      %mul3A_387 = arith.constant 104 : i32
      %mul3A_388 = arith.muli %add3A_381, %mul3A_387 : i32
      %add3A_389 = arith.addi %mul3A_2, %mul3A_388 : i32
      %dma_start3A_390 = tpu.memref_slice %arg3[%add3A_389] : memref<320000xi32, #tpu.memory_space<hbm>> -> memref<104xi32, #tpu.memory_space<hbm>>
      %dma_start3A_391 = tpu.memref_slice %arg3[%add3A_389] : memref<320000xi32, #tpu.memory_space<hbm>> -> memref<104xi32, #tpu.memory_space<hbm>>
      tpu.enqueue_dma source(%dma_start3A_391 : memref<104xi32, #tpu.memory_space<hbm>>) target(%arg11 : memref<104xi32, #tpu.memory_space<vmem>>) target_semaphore(%arg22 : memref<!tpu.dma_semaphore, #tpu.memory_space<semaphore_mem>>)
      %add3A_392 = arith.constant 5 : i32
      %add3A_393 = arith.addi %add3A_223, %add3A_392 : i32
      %dma_wait3A_394 = arith.constant 0 : i32
      %dma_wait3A_395 = tpu.memref_slice %arg2[%dma_wait3A_394] : memref<320000xi32, #tpu.memory_space<hbm>> -> memref<104xi32, #tpu.memory_space<hbm>>
      %dma_wait3A_396 = arith.constant 0 : i32
      %dma_wait3A_397 = tpu.memref_slice %arg2[%dma_wait3A_396] : memref<320000xi32, #tpu.memory_space<hbm>> -> memref<104xi32, #tpu.memory_space<hbm>>
      tpu.wait_dma2 semaphore(%arg21 : memref<!tpu.dma_semaphore, #tpu.memory_space<semaphore_mem>>) src(%dma_wait3A_397 : memref<104xi32, #tpu.memory_space<hbm>>) dst(%arg10 : memref<104xi32, #tpu.memory_space<vmem>>)
      %dma_wait3A_398 = arith.constant 0 : i32
      %dma_wait3A_399 = arith.constant 0 : i32
      %dma_wait3A_400 = tpu.memref_slice %arg4[%dma_wait3A_398, %dma_wait3A_399] : memref<10240x128xf32, #tpu.memory_space<hbm>> -> memref<10240x128xf32, #tpu.memory_space<hbm>>
      tpu.wait_indirect_dma semaphore(%arg24 : memref<!tpu.dma_semaphore, #tpu.memory_space<semaphore_mem>>) src(%dma_wait3A_400 : memref<10240x128xf32, #tpu.memory_space<hbm>>) dst(%arg15 : memref<104x128xf32, #tpu.memory_space<vmem>>)
      %dma_start3A_401 = arith.constant 0 : i32
      %dma_start3A_402 = arith.constant 0 : i32
      %dma_start3A_403 = tpu.memref_slice %arg17[%dma_start3A_401, %dma_start3A_402] : memref<10240x128xf32, #tpu.memory_space<vmem_shared>> -> memref<10240x128xf32, #tpu.memory_space<vmem_shared>>
      tpu.enqueue_indirect_dma source(%arg15 : memref<104x128xf32, #tpu.memory_space<vmem>>) target(%dma_start3A_403 : memref<10240x128xf32, #tpu.memory_space<vmem_shared>>) offsets(%arg10 : memref<104xi32, #tpu.memory_space<vmem>>) semaphore(%arg26 : memref<!tpu.dma_semaphore, #tpu.memory_space<semaphore_mem>>) {add = true}
      %dma_wait3A_404 = arith.constant 0 : i32
      %dma_wait3A_405 = arith.constant 0 : i32
      %dma_wait3A_406 = tpu.memref_slice %arg17[%dma_wait3A_404, %dma_wait3A_405] : memref<10240x128xf32, #tpu.memory_space<vmem_shared>> -> memref<10240x128xf32, #tpu.memory_space<vmem_shared>>
      tpu.wait_indirect_dma semaphore(%arg27 : memref<!tpu.dma_semaphore, #tpu.memory_space<semaphore_mem>>) src(%arg16 : memref<104x128xf32, #tpu.memory_space<vmem>>) dst(%dma_wait3A_406 : memref<10240x128xf32, #tpu.memory_space<vmem_shared>>)
      %dma_wait3A_407 = arith.constant 0 : i32
      %dma_wait3A_408 = tpu.memref_slice %arg2[%dma_wait3A_407] : memref<320000xi32, #tpu.memory_space<hbm>> -> memref<104xi32, #tpu.memory_space<hbm>>
      %dma_wait3A_409 = arith.constant 0 : i32
      %dma_wait3A_410 = tpu.memref_slice %arg2[%dma_wait3A_409] : memref<320000xi32, #tpu.memory_space<hbm>> -> memref<104xi32, #tpu.memory_space<hbm>>
      tpu.wait_dma2 semaphore(%arg19 : memref<!tpu.dma_semaphore, #tpu.memory_space<semaphore_mem>>) src(%dma_wait3A_410 : memref<104xi32, #tpu.memory_space<hbm>>) dst(%arg8 : memref<104xi32, #tpu.memory_space<vmem>>)
      %dma_start3A_411 = arith.constant 0 : i32
      %dma_start3A_412 = arith.constant 0 : i32
      %dma_start3A_413 = tpu.memref_slice %arg4[%dma_start3A_411, %dma_start3A_412] : memref<10240x128xf32, #tpu.memory_space<hbm>> -> memref<10240x128xf32, #tpu.memory_space<hbm>>
      tpu.enqueue_indirect_dma source(%dma_start3A_413 : memref<10240x128xf32, #tpu.memory_space<hbm>>) target(%arg16 : memref<104x128xf32, #tpu.memory_space<vmem>>) offsets(%arg8 : memref<104xi32, #tpu.memory_space<vmem>>) semaphore(%arg25 : memref<!tpu.dma_semaphore, #tpu.memory_space<semaphore_mem>>)
      %add3A_414 = arith.constant 2 : i32
      %add3A_415 = arith.addi %add3A_393, %add3A_414 : i32
      %mul3A_416 = arith.constant 104 : i32
      %mul3A_417 = arith.muli %add3A_415, %mul3A_416 : i32
      %add3A_418 = arith.addi %mul3A_2, %mul3A_417 : i32
      %dma_start3A_419 = tpu.memref_slice %arg2[%add3A_418] : memref<320000xi32, #tpu.memory_space<hbm>> -> memref<104xi32, #tpu.memory_space<hbm>>
      %dma_start3A_420 = tpu.memref_slice %arg2[%add3A_418] : memref<320000xi32, #tpu.memory_space<hbm>> -> memref<104xi32, #tpu.memory_space<hbm>>
      tpu.enqueue_dma source(%dma_start3A_420 : memref<104xi32, #tpu.memory_space<hbm>>) target(%arg9 : memref<104xi32, #tpu.memory_space<vmem>>) target_semaphore(%arg20 : memref<!tpu.dma_semaphore, #tpu.memory_space<semaphore_mem>>)
      %mul3A_421 = arith.constant 104 : i32
      %mul3A_422 = arith.muli %add3A_415, %mul3A_421 : i32
      %add3A_423 = arith.addi %mul3A_2, %mul3A_422 : i32
      %dma_start3A_424 = tpu.memref_slice %arg3[%add3A_423] : memref<320000xi32, #tpu.memory_space<hbm>> -> memref<104xi32, #tpu.memory_space<hbm>>
      %dma_start3A_425 = tpu.memref_slice %arg3[%add3A_423] : memref<320000xi32, #tpu.memory_space<hbm>> -> memref<104xi32, #tpu.memory_space<hbm>>
      tpu.enqueue_dma source(%dma_start3A_425 : memref<104xi32, #tpu.memory_space<hbm>>) target(%arg12 : memref<104xi32, #tpu.memory_space<vmem>>) target_semaphore(%arg23 : memref<!tpu.dma_semaphore, #tpu.memory_space<semaphore_mem>>)
    }
    %scan3A_55 = arith.constant 15 : i32
    %dma_wait3A_56 = arith.constant 0 : i32
    %dma_wait3A_57 = tpu.memref_slice %arg2[%dma_wait3A_56] : memref<320000xi32, #tpu.memory_space<hbm>> -> memref<104xi32, #tpu.memory_space<hbm>>
    %dma_wait3A_58 = arith.constant 0 : i32
    %dma_wait3A_59 = tpu.memref_slice %arg2[%dma_wait3A_58] : memref<320000xi32, #tpu.memory_space<hbm>> -> memref<104xi32, #tpu.memory_space<hbm>>
    tpu.wait_dma2 semaphore(%arg22 : memref<!tpu.dma_semaphore, #tpu.memory_space<semaphore_mem>>) src(%dma_wait3A_59 : memref<104xi32, #tpu.memory_space<hbm>>) dst(%arg11 : memref<104xi32, #tpu.memory_space<vmem>>)
    %dma_wait3A_60 = arith.constant 0 : i32
    %dma_wait3A_61 = arith.constant 0 : i32
    %dma_wait3A_62 = tpu.memref_slice %arg4[%dma_wait3A_60, %dma_wait3A_61] : memref<10240x128xf32, #tpu.memory_space<hbm>> -> memref<10240x128xf32, #tpu.memory_space<hbm>>
    tpu.wait_indirect_dma semaphore(%arg25 : memref<!tpu.dma_semaphore, #tpu.memory_space<semaphore_mem>>) src(%dma_wait3A_62 : memref<10240x128xf32, #tpu.memory_space<hbm>>) dst(%arg16 : memref<104x128xf32, #tpu.memory_space<vmem>>)
    %dma_start3A_63 = arith.constant 0 : i32
    %dma_start3A_64 = arith.constant 0 : i32
    %dma_start3A_65 = tpu.memref_slice %arg17[%dma_start3A_63, %dma_start3A_64] : memref<10240x128xf32, #tpu.memory_space<vmem_shared>> -> memref<10240x128xf32, #tpu.memory_space<vmem_shared>>
    tpu.enqueue_indirect_dma source(%arg16 : memref<104x128xf32, #tpu.memory_space<vmem>>) target(%dma_start3A_65 : memref<10240x128xf32, #tpu.memory_space<vmem_shared>>) offsets(%arg11 : memref<104xi32, #tpu.memory_space<vmem>>) semaphore(%arg27 : memref<!tpu.dma_semaphore, #tpu.memory_space<semaphore_mem>>) {add = true}
    %dma_wait3A_66 = arith.constant 0 : i32
    %dma_wait3A_67 = arith.constant 0 : i32
    %dma_wait3A_68 = tpu.memref_slice %arg17[%dma_wait3A_66, %dma_wait3A_67] : memref<10240x128xf32, #tpu.memory_space<vmem_shared>> -> memref<10240x128xf32, #tpu.memory_space<vmem_shared>>
    tpu.wait_indirect_dma semaphore(%arg26 : memref<!tpu.dma_semaphore, #tpu.memory_space<semaphore_mem>>) src(%arg15 : memref<104x128xf32, #tpu.memory_space<vmem>>) dst(%dma_wait3A_68 : memref<10240x128xf32, #tpu.memory_space<vmem_shared>>)
    %dma_wait3A_69 = arith.constant 0 : i32
    %dma_wait3A_70 = tpu.memref_slice %arg2[%dma_wait3A_69] : memref<320000xi32, #tpu.memory_space<hbm>> -> memref<104xi32, #tpu.memory_space<hbm>>
    %dma_wait3A_71 = arith.constant 0 : i32
    %dma_wait3A_72 = tpu.memref_slice %arg2[%dma_wait3A_71] : memref<320000xi32, #tpu.memory_space<hbm>> -> memref<104xi32, #tpu.memory_space<hbm>>
    tpu.wait_dma2 semaphore(%arg20 : memref<!tpu.dma_semaphore, #tpu.memory_space<semaphore_mem>>) src(%dma_wait3A_72 : memref<104xi32, #tpu.memory_space<hbm>>) dst(%arg9 : memref<104xi32, #tpu.memory_space<vmem>>)
    %dma_start3A_73 = arith.constant 0 : i32
    %dma_start3A_74 = arith.constant 0 : i32
    %dma_start3A_75 = tpu.memref_slice %arg4[%dma_start3A_73, %dma_start3A_74] : memref<10240x128xf32, #tpu.memory_space<hbm>> -> memref<10240x128xf32, #tpu.memory_space<hbm>>
    tpu.enqueue_indirect_dma source(%dma_start3A_75 : memref<10240x128xf32, #tpu.memory_space<hbm>>) target(%arg15 : memref<104x128xf32, #tpu.memory_space<vmem>>) offsets(%arg9 : memref<104xi32, #tpu.memory_space<vmem>>) semaphore(%arg24 : memref<!tpu.dma_semaphore, #tpu.memory_space<semaphore_mem>>)
    %add3A_76 = arith.constant 9672 : i32
    %add3A_77 = arith.addi %mul3A_2, %add3A_76 : i32
    %dma_start3A_78 = tpu.memref_slice %arg2[%add3A_77] : memref<320000xi32, #tpu.memory_space<hbm>> -> memref<104xi32, #tpu.memory_space<hbm>>
    %dma_start3A_79 = tpu.memref_slice %arg2[%add3A_77] : memref<320000xi32, #tpu.memory_space<hbm>> -> memref<104xi32, #tpu.memory_space<hbm>>
    tpu.enqueue_dma source(%dma_start3A_79 : memref<104xi32, #tpu.memory_space<hbm>>) target(%arg7 : memref<104xi32, #tpu.memory_space<vmem>>) target_semaphore(%arg18 : memref<!tpu.dma_semaphore, #tpu.memory_space<semaphore_mem>>)
    %add3A_80 = arith.constant 9672 : i32
    %add3A_81 = arith.addi %mul3A_2, %add3A_80 : i32
    %dma_start3A_82 = tpu.memref_slice %arg3[%add3A_81] : memref<320000xi32, #tpu.memory_space<hbm>> -> memref<104xi32, #tpu.memory_space<hbm>>
    %dma_start3A_83 = tpu.memref_slice %arg3[%add3A_81] : memref<320000xi32, #tpu.memory_space<hbm>> -> memref<104xi32, #tpu.memory_space<hbm>>
    tpu.enqueue_dma source(%dma_start3A_83 : memref<104xi32, #tpu.memory_space<hbm>>) target(%arg10 : memref<104xi32, #tpu.memory_space<vmem>>) target_semaphore(%arg21 : memref<!tpu.dma_semaphore, #tpu.memory_space<semaphore_mem>>)
    %dma_wait3A_84 = arith.constant 0 : i32
    %dma_wait3A_85 = tpu.memref_slice %arg2[%dma_wait3A_84] : memref<320000xi32, #tpu.memory_space<hbm>> -> memref<104xi32, #tpu.memory_space<hbm>>
    %dma_wait3A_86 = arith.constant 0 : i32
    %dma_wait3A_87 = tpu.memref_slice %arg2[%dma_wait3A_86] : memref<320000xi32, #tpu.memory_space<hbm>> -> memref<104xi32, #tpu.memory_space<hbm>>
    tpu.wait_dma2 semaphore(%arg23 : memref<!tpu.dma_semaphore, #tpu.memory_space<semaphore_mem>>) src(%dma_wait3A_87 : memref<104xi32, #tpu.memory_space<hbm>>) dst(%arg12 : memref<104xi32, #tpu.memory_space<vmem>>)
    %dma_wait3A_88 = arith.constant 0 : i32
    %dma_wait3A_89 = arith.constant 0 : i32
    %dma_wait3A_90 = tpu.memref_slice %arg4[%dma_wait3A_88, %dma_wait3A_89] : memref<10240x128xf32, #tpu.memory_space<hbm>> -> memref<10240x128xf32, #tpu.memory_space<hbm>>
    tpu.wait_indirect_dma semaphore(%arg24 : memref<!tpu.dma_semaphore, #tpu.memory_space<semaphore_mem>>) src(%dma_wait3A_90 : memref<10240x128xf32, #tpu.memory_space<hbm>>) dst(%arg15 : memref<104x128xf32, #tpu.memory_space<vmem>>)
    %dma_start3A_91 = arith.constant 0 : i32
    %dma_start3A_92 = arith.constant 0 : i32
    %dma_start3A_93 = tpu.memref_slice %arg17[%dma_start3A_91, %dma_start3A_92] : memref<10240x128xf32, #tpu.memory_space<vmem_shared>> -> memref<10240x128xf32, #tpu.memory_space<vmem_shared>>
    tpu.enqueue_indirect_dma source(%arg15 : memref<104x128xf32, #tpu.memory_space<vmem>>) target(%dma_start3A_93 : memref<10240x128xf32, #tpu.memory_space<vmem_shared>>) offsets(%arg12 : memref<104xi32, #tpu.memory_space<vmem>>) semaphore(%arg26 : memref<!tpu.dma_semaphore, #tpu.memory_space<semaphore_mem>>) {add = true}
    %dma_wait3A_94 = arith.constant 0 : i32
    %dma_wait3A_95 = arith.constant 0 : i32
    %dma_wait3A_96 = tpu.memref_slice %arg17[%dma_wait3A_94, %dma_wait3A_95] : memref<10240x128xf32, #tpu.memory_space<vmem_shared>> -> memref<10240x128xf32, #tpu.memory_space<vmem_shared>>
    tpu.wait_indirect_dma semaphore(%arg27 : memref<!tpu.dma_semaphore, #tpu.memory_space<semaphore_mem>>) src(%arg16 : memref<104x128xf32, #tpu.memory_space<vmem>>) dst(%dma_wait3A_96 : memref<10240x128xf32, #tpu.memory_space<vmem_shared>>)
    %dma_wait3A_97 = arith.constant 0 : i32
    %dma_wait3A_98 = tpu.memref_slice %arg2[%dma_wait3A_97] : memref<320000xi32, #tpu.memory_space<hbm>> -> memref<104xi32, #tpu.memory_space<hbm>>
    %dma_wait3A_99 = arith.constant 0 : i32
    %dma_wait3A_100 = tpu.memref_slice %arg2[%dma_wait3A_99] : memref<320000xi32, #tpu.memory_space<hbm>> -> memref<104xi32, #tpu.memory_space<hbm>>
    tpu.wait_dma2 semaphore(%arg18 : memref<!tpu.dma_semaphore, #tpu.memory_space<semaphore_mem>>) src(%dma_wait3A_100 : memref<104xi32, #tpu.memory_space<hbm>>) dst(%arg7 : memref<104xi32, #tpu.memory_space<vmem>>)
    %dma_start3A_101 = arith.constant 0 : i32
    %dma_start3A_102 = arith.constant 0 : i32
    %dma_start3A_103 = tpu.memref_slice %arg4[%dma_start3A_101, %dma_start3A_102] : memref<10240x128xf32, #tpu.memory_space<hbm>> -> memref<10240x128xf32, #tpu.memory_space<hbm>>
    tpu.enqueue_indirect_dma source(%dma_start3A_103 : memref<10240x128xf32, #tpu.memory_space<hbm>>) target(%arg16 : memref<104x128xf32, #tpu.memory_space<vmem>>) offsets(%arg7 : memref<104xi32, #tpu.memory_space<vmem>>) semaphore(%arg25 : memref<!tpu.dma_semaphore, #tpu.memory_space<semaphore_mem>>)
    %add3A_104 = arith.constant 9776 : i32
    %add3A_105 = arith.addi %mul3A_2, %add3A_104 : i32
    %dma_start3A_106 = tpu.memref_slice %arg2[%add3A_105] : memref<320000xi32, #tpu.memory_space<hbm>> -> memref<104xi32, #tpu.memory_space<hbm>>
    %dma_start3A_107 = tpu.memref_slice %arg2[%add3A_105] : memref<320000xi32, #tpu.memory_space<hbm>> -> memref<104xi32, #tpu.memory_space<hbm>>
    tpu.enqueue_dma source(%dma_start3A_107 : memref<104xi32, #tpu.memory_space<hbm>>) target(%arg8 : memref<104xi32, #tpu.memory_space<vmem>>) target_semaphore(%arg19 : memref<!tpu.dma_semaphore, #tpu.memory_space<semaphore_mem>>)
    %add3A_108 = arith.constant 9776 : i32
    %add3A_109 = arith.addi %mul3A_2, %add3A_108 : i32
    %dma_start3A_110 = tpu.memref_slice %arg3[%add3A_109] : memref<320000xi32, #tpu.memory_space<hbm>> -> memref<104xi32, #tpu.memory_space<hbm>>
    %dma_start3A_111 = tpu.memref_slice %arg3[%add3A_109] : memref<320000xi32, #tpu.memory_space<hbm>> -> memref<104xi32, #tpu.memory_space<hbm>>
    tpu.enqueue_dma source(%dma_start3A_111 : memref<104xi32, #tpu.memory_space<hbm>>) target(%arg11 : memref<104xi32, #tpu.memory_space<vmem>>) target_semaphore(%arg22 : memref<!tpu.dma_semaphore, #tpu.memory_space<semaphore_mem>>)
    %dma_wait3A_112 = arith.constant 0 : i32
    %dma_wait3A_113 = tpu.memref_slice %arg2[%dma_wait3A_112] : memref<320000xi32, #tpu.memory_space<hbm>> -> memref<104xi32, #tpu.memory_space<hbm>>
    %dma_wait3A_114 = arith.constant 0 : i32
    %dma_wait3A_115 = tpu.memref_slice %arg2[%dma_wait3A_114] : memref<320000xi32, #tpu.memory_space<hbm>> -> memref<104xi32, #tpu.memory_space<hbm>>
    tpu.wait_dma2 semaphore(%arg21 : memref<!tpu.dma_semaphore, #tpu.memory_space<semaphore_mem>>) src(%dma_wait3A_115 : memref<104xi32, #tpu.memory_space<hbm>>) dst(%arg10 : memref<104xi32, #tpu.memory_space<vmem>>)
    %dma_wait3A_116 = arith.constant 0 : i32
    %dma_wait3A_117 = arith.constant 0 : i32
    %dma_wait3A_118 = tpu.memref_slice %arg4[%dma_wait3A_116, %dma_wait3A_117] : memref<10240x128xf32, #tpu.memory_space<hbm>> -> memref<10240x128xf32, #tpu.memory_space<hbm>>
    tpu.wait_indirect_dma semaphore(%arg25 : memref<!tpu.dma_semaphore, #tpu.memory_space<semaphore_mem>>) src(%dma_wait3A_118 : memref<10240x128xf32, #tpu.memory_space<hbm>>) dst(%arg16 : memref<104x128xf32, #tpu.memory_space<vmem>>)
    %dma_start3A_119 = arith.constant 0 : i32
    %dma_start3A_120 = arith.constant 0 : i32
    %dma_start3A_121 = tpu.memref_slice %arg17[%dma_start3A_119, %dma_start3A_120] : memref<10240x128xf32, #tpu.memory_space<vmem_shared>> -> memref<10240x128xf32, #tpu.memory_space<vmem_shared>>
    tpu.enqueue_indirect_dma source(%arg16 : memref<104x128xf32, #tpu.memory_space<vmem>>) target(%dma_start3A_121 : memref<10240x128xf32, #tpu.memory_space<vmem_shared>>) offsets(%arg10 : memref<104xi32, #tpu.memory_space<vmem>>) semaphore(%arg27 : memref<!tpu.dma_semaphore, #tpu.memory_space<semaphore_mem>>) {add = true}
    %dma_wait3A_122 = arith.constant 0 : i32
    %dma_wait3A_123 = arith.constant 0 : i32
    %dma_wait3A_124 = tpu.memref_slice %arg17[%dma_wait3A_122, %dma_wait3A_123] : memref<10240x128xf32, #tpu.memory_space<vmem_shared>> -> memref<10240x128xf32, #tpu.memory_space<vmem_shared>>
    tpu.wait_indirect_dma semaphore(%arg26 : memref<!tpu.dma_semaphore, #tpu.memory_space<semaphore_mem>>) src(%arg15 : memref<104x128xf32, #tpu.memory_space<vmem>>) dst(%dma_wait3A_124 : memref<10240x128xf32, #tpu.memory_space<vmem_shared>>)
    %dma_wait3A_125 = arith.constant 0 : i32
    %dma_wait3A_126 = tpu.memref_slice %arg2[%dma_wait3A_125] : memref<320000xi32, #tpu.memory_space<hbm>> -> memref<104xi32, #tpu.memory_space<hbm>>
    %dma_wait3A_127 = arith.constant 0 : i32
    %dma_wait3A_128 = tpu.memref_slice %arg2[%dma_wait3A_127] : memref<320000xi32, #tpu.memory_space<hbm>> -> memref<104xi32, #tpu.memory_space<hbm>>
    tpu.wait_dma2 semaphore(%arg19 : memref<!tpu.dma_semaphore, #tpu.memory_space<semaphore_mem>>) src(%dma_wait3A_128 : memref<104xi32, #tpu.memory_space<hbm>>) dst(%arg8 : memref<104xi32, #tpu.memory_space<vmem>>)
    %dma_start3A_129 = arith.constant 0 : i32
    %dma_start3A_130 = arith.constant 0 : i32
    %dma_start3A_131 = tpu.memref_slice %arg4[%dma_start3A_129, %dma_start3A_130] : memref<10240x128xf32, #tpu.memory_space<hbm>> -> memref<10240x128xf32, #tpu.memory_space<hbm>>
    tpu.enqueue_indirect_dma source(%dma_start3A_131 : memref<10240x128xf32, #tpu.memory_space<hbm>>) target(%arg15 : memref<104x128xf32, #tpu.memory_space<vmem>>) offsets(%arg8 : memref<104xi32, #tpu.memory_space<vmem>>) semaphore(%arg24 : memref<!tpu.dma_semaphore, #tpu.memory_space<semaphore_mem>>)
    %add3A_132 = arith.constant 9880 : i32
    %add3A_133 = arith.addi %mul3A_2, %add3A_132 : i32
    %dma_start3A_134 = tpu.memref_slice %arg2[%add3A_133] : memref<320000xi32, #tpu.memory_space<hbm>> -> memref<104xi32, #tpu.memory_space<hbm>>
    %dma_start3A_135 = tpu.memref_slice %arg2[%add3A_133] : memref<320000xi32, #tpu.memory_space<hbm>> -> memref<104xi32, #tpu.memory_space<hbm>>
    tpu.enqueue_dma source(%dma_start3A_135 : memref<104xi32, #tpu.memory_space<hbm>>) target(%arg9 : memref<104xi32, #tpu.memory_space<vmem>>) target_semaphore(%arg20 : memref<!tpu.dma_semaphore, #tpu.memory_space<semaphore_mem>>)
    %add3A_136 = arith.constant 9880 : i32
    %add3A_137 = arith.addi %mul3A_2, %add3A_136 : i32
    %dma_start3A_138 = tpu.memref_slice %arg3[%add3A_137] : memref<320000xi32, #tpu.memory_space<hbm>> -> memref<104xi32, #tpu.memory_space<hbm>>
    %dma_start3A_139 = tpu.memref_slice %arg3[%add3A_137] : memref<320000xi32, #tpu.memory_space<hbm>> -> memref<104xi32, #tpu.memory_space<hbm>>
    tpu.enqueue_dma source(%dma_start3A_139 : memref<104xi32, #tpu.memory_space<hbm>>) target(%arg12 : memref<104xi32, #tpu.memory_space<vmem>>) target_semaphore(%arg23 : memref<!tpu.dma_semaphore, #tpu.memory_space<semaphore_mem>>)
    %dma_wait3A_140 = arith.constant 0 : i32
    %dma_wait3A_141 = tpu.memref_slice %arg2[%dma_wait3A_140] : memref<320000xi32, #tpu.memory_space<hbm>> -> memref<104xi32, #tpu.memory_space<hbm>>
    %dma_wait3A_142 = arith.constant 0 : i32
    %dma_wait3A_143 = tpu.memref_slice %arg2[%dma_wait3A_142] : memref<320000xi32, #tpu.memory_space<hbm>> -> memref<104xi32, #tpu.memory_space<hbm>>
    tpu.wait_dma2 semaphore(%arg22 : memref<!tpu.dma_semaphore, #tpu.memory_space<semaphore_mem>>) src(%dma_wait3A_143 : memref<104xi32, #tpu.memory_space<hbm>>) dst(%arg11 : memref<104xi32, #tpu.memory_space<vmem>>)
    %dma_wait3A_144 = arith.constant 0 : i32
    %dma_wait3A_145 = arith.constant 0 : i32
    %dma_wait3A_146 = tpu.memref_slice %arg4[%dma_wait3A_144, %dma_wait3A_145] : memref<10240x128xf32, #tpu.memory_space<hbm>> -> memref<10240x128xf32, #tpu.memory_space<hbm>>
    tpu.wait_indirect_dma semaphore(%arg24 : memref<!tpu.dma_semaphore, #tpu.memory_space<semaphore_mem>>) src(%dma_wait3A_146 : memref<10240x128xf32, #tpu.memory_space<hbm>>) dst(%arg15 : memref<104x128xf32, #tpu.memory_space<vmem>>)
    %dma_start3A_147 = arith.constant 0 : i32
    %dma_start3A_148 = arith.constant 0 : i32
    %dma_start3A_149 = tpu.memref_slice %arg17[%dma_start3A_147, %dma_start3A_148] : memref<10240x128xf32, #tpu.memory_space<vmem_shared>> -> memref<10240x128xf32, #tpu.memory_space<vmem_shared>>
    tpu.enqueue_indirect_dma source(%arg15 : memref<104x128xf32, #tpu.memory_space<vmem>>) target(%dma_start3A_149 : memref<10240x128xf32, #tpu.memory_space<vmem_shared>>) offsets(%arg11 : memref<104xi32, #tpu.memory_space<vmem>>) semaphore(%arg26 : memref<!tpu.dma_semaphore, #tpu.memory_space<semaphore_mem>>) {add = true}
    %dma_wait3A_150 = arith.constant 0 : i32
    %dma_wait3A_151 = arith.constant 0 : i32
    %dma_wait3A_152 = tpu.memref_slice %arg17[%dma_wait3A_150, %dma_wait3A_151] : memref<10240x128xf32, #tpu.memory_space<vmem_shared>> -> memref<10240x128xf32, #tpu.memory_space<vmem_shared>>
    tpu.wait_indirect_dma semaphore(%arg27 : memref<!tpu.dma_semaphore, #tpu.memory_space<semaphore_mem>>) src(%arg16 : memref<104x128xf32, #tpu.memory_space<vmem>>) dst(%dma_wait3A_152 : memref<10240x128xf32, #tpu.memory_space<vmem_shared>>)
    %dma_wait3A_153 = arith.constant 0 : i32
    %dma_wait3A_154 = tpu.memref_slice %arg2[%dma_wait3A_153] : memref<320000xi32, #tpu.memory_space<hbm>> -> memref<104xi32, #tpu.memory_space<hbm>>
    %dma_wait3A_155 = arith.constant 0 : i32
    %dma_wait3A_156 = tpu.memref_slice %arg2[%dma_wait3A_155] : memref<320000xi32, #tpu.memory_space<hbm>> -> memref<104xi32, #tpu.memory_space<hbm>>
    tpu.wait_dma2 semaphore(%arg20 : memref<!tpu.dma_semaphore, #tpu.memory_space<semaphore_mem>>) src(%dma_wait3A_156 : memref<104xi32, #tpu.memory_space<hbm>>) dst(%arg9 : memref<104xi32, #tpu.memory_space<vmem>>)
    %dma_start3A_157 = arith.constant 0 : i32
    %dma_start3A_158 = arith.constant 0 : i32
    %dma_start3A_159 = tpu.memref_slice %arg4[%dma_start3A_157, %dma_start3A_158] : memref<10240x128xf32, #tpu.memory_space<hbm>> -> memref<10240x128xf32, #tpu.memory_space<hbm>>
    tpu.enqueue_indirect_dma source(%dma_start3A_159 : memref<10240x128xf32, #tpu.memory_space<hbm>>) target(%arg16 : memref<104x128xf32, #tpu.memory_space<vmem>>) offsets(%arg9 : memref<104xi32, #tpu.memory_space<vmem>>) semaphore(%arg25 : memref<!tpu.dma_semaphore, #tpu.memory_space<semaphore_mem>>)
    %add3A_160 = arith.constant 9984 : i32
    %add3A_161 = arith.addi %mul3A_2, %add3A_160 : i32
    %dma_start3A_162 = tpu.memref_slice %arg2[%add3A_161] : memref<320000xi32, #tpu.memory_space<hbm>> -> memref<16xi32, #tpu.memory_space<hbm>>
    %dma_start3A_163 = tpu.memref_slice %arg2[%add3A_161] : memref<320000xi32, #tpu.memory_space<hbm>> -> memref<16xi32, #tpu.memory_space<hbm>>
    tpu.enqueue_dma source(%dma_start3A_163 : memref<16xi32, #tpu.memory_space<hbm>>) target(%arg13 : memref<16xi32, #tpu.memory_space<vmem>>) target_semaphore(%arg28 : memref<!tpu.dma_semaphore, #tpu.memory_space<semaphore_mem>>)
    %add3A_164 = arith.constant 9984 : i32
    %add3A_165 = arith.addi %mul3A_2, %add3A_164 : i32
    %dma_start3A_166 = tpu.memref_slice %arg3[%add3A_165] : memref<320000xi32, #tpu.memory_space<hbm>> -> memref<16xi32, #tpu.memory_space<hbm>>
    %dma_start3A_167 = tpu.memref_slice %arg3[%add3A_165] : memref<320000xi32, #tpu.memory_space<hbm>> -> memref<16xi32, #tpu.memory_space<hbm>>
    tpu.enqueue_dma source(%dma_start3A_167 : memref<16xi32, #tpu.memory_space<hbm>>) target(%arg14 : memref<16xi32, #tpu.memory_space<vmem>>) target_semaphore(%arg29 : memref<!tpu.dma_semaphore, #tpu.memory_space<semaphore_mem>>)
    %dma_wait3A_168 = arith.constant 0 : i32
    %dma_wait3A_169 = tpu.memref_slice %arg2[%dma_wait3A_168] : memref<320000xi32, #tpu.memory_space<hbm>> -> memref<104xi32, #tpu.memory_space<hbm>>
    %dma_wait3A_170 = arith.constant 0 : i32
    %dma_wait3A_171 = tpu.memref_slice %arg2[%dma_wait3A_170] : memref<320000xi32, #tpu.memory_space<hbm>> -> memref<104xi32, #tpu.memory_space<hbm>>
    tpu.wait_dma2 semaphore(%arg23 : memref<!tpu.dma_semaphore, #tpu.memory_space<semaphore_mem>>) src(%dma_wait3A_171 : memref<104xi32, #tpu.memory_space<hbm>>) dst(%arg12 : memref<104xi32, #tpu.memory_space<vmem>>)
    %dma_wait3A_172 = arith.constant 0 : i32
    %dma_wait3A_173 = arith.constant 0 : i32
    %dma_wait3A_174 = tpu.memref_slice %arg4[%dma_wait3A_172, %dma_wait3A_173] : memref<10240x128xf32, #tpu.memory_space<hbm>> -> memref<10240x128xf32, #tpu.memory_space<hbm>>
    tpu.wait_indirect_dma semaphore(%arg25 : memref<!tpu.dma_semaphore, #tpu.memory_space<semaphore_mem>>) src(%dma_wait3A_174 : memref<10240x128xf32, #tpu.memory_space<hbm>>) dst(%arg16 : memref<104x128xf32, #tpu.memory_space<vmem>>)
    %dma_start3A_175 = arith.constant 0 : i32
    %dma_start3A_176 = arith.constant 0 : i32
    %dma_start3A_177 = tpu.memref_slice %arg17[%dma_start3A_175, %dma_start3A_176] : memref<10240x128xf32, #tpu.memory_space<vmem_shared>> -> memref<10240x128xf32, #tpu.memory_space<vmem_shared>>
    tpu.enqueue_indirect_dma source(%arg16 : memref<104x128xf32, #tpu.memory_space<vmem>>) target(%dma_start3A_177 : memref<10240x128xf32, #tpu.memory_space<vmem_shared>>) offsets(%arg12 : memref<104xi32, #tpu.memory_space<vmem>>) semaphore(%arg27 : memref<!tpu.dma_semaphore, #tpu.memory_space<semaphore_mem>>) {add = true}
    %dma_wait3A_178 = arith.constant 0 : i32
    %dma_wait3A_179 = arith.constant 0 : i32
    %dma_wait3A_180 = tpu.memref_slice %arg17[%dma_wait3A_178, %dma_wait3A_179] : memref<10240x128xf32, #tpu.memory_space<vmem_shared>> -> memref<10240x128xf32, #tpu.memory_space<vmem_shared>>
    tpu.wait_indirect_dma semaphore(%arg26 : memref<!tpu.dma_semaphore, #tpu.memory_space<semaphore_mem>>) src(%arg15 : memref<104x128xf32, #tpu.memory_space<vmem>>) dst(%dma_wait3A_180 : memref<10240x128xf32, #tpu.memory_space<vmem_shared>>)
    %dma_wait3A_181 = arith.constant 0 : i32
    %dma_wait3A_182 = tpu.memref_slice %arg2[%dma_wait3A_181] : memref<320000xi32, #tpu.memory_space<hbm>> -> memref<16xi32, #tpu.memory_space<hbm>>
    %dma_wait3A_183 = arith.constant 0 : i32
    %dma_wait3A_184 = tpu.memref_slice %arg2[%dma_wait3A_183] : memref<320000xi32, #tpu.memory_space<hbm>> -> memref<16xi32, #tpu.memory_space<hbm>>
    tpu.wait_dma2 semaphore(%arg28 : memref<!tpu.dma_semaphore, #tpu.memory_space<semaphore_mem>>) src(%dma_wait3A_184 : memref<16xi32, #tpu.memory_space<hbm>>) dst(%arg13 : memref<16xi32, #tpu.memory_space<vmem>>)
    %dma_start3A_185 = arith.constant 0 : i32
    %dma_start3A_186 = arith.constant 0 : i32
    %dma_start3A_187 = tpu.memref_slice %arg15[%dma_start3A_185, %dma_start3A_186] : memref<104x128xf32, #tpu.memory_space<vmem>> -> memref<16x128xf32, #tpu.memory_space<vmem>>
    %dma_start3A_188 = arith.constant 0 : i32
    %dma_start3A_189 = arith.constant 0 : i32
    %dma_start3A_190 = tpu.memref_slice %arg4[%dma_start3A_188, %dma_start3A_189] : memref<10240x128xf32, #tpu.memory_space<hbm>> -> memref<10240x128xf32, #tpu.memory_space<hbm>>
    tpu.enqueue_indirect_dma source(%dma_start3A_190 : memref<10240x128xf32, #tpu.memory_space<hbm>>) target(%dma_start3A_187 : memref<16x128xf32, #tpu.memory_space<vmem>>) offsets(%arg13 : memref<16xi32, #tpu.memory_space<vmem>>) semaphore(%arg24 : memref<!tpu.dma_semaphore, #tpu.memory_space<semaphore_mem>>)
    %dma_wait3A_191 = arith.constant 0 : i32
    %dma_wait3A_192 = tpu.memref_slice %arg2[%dma_wait3A_191] : memref<320000xi32, #tpu.memory_space<hbm>> -> memref<16xi32, #tpu.memory_space<hbm>>
    %dma_wait3A_193 = arith.constant 0 : i32
    %dma_wait3A_194 = tpu.memref_slice %arg2[%dma_wait3A_193] : memref<320000xi32, #tpu.memory_space<hbm>> -> memref<16xi32, #tpu.memory_space<hbm>>
    tpu.wait_dma2 semaphore(%arg29 : memref<!tpu.dma_semaphore, #tpu.memory_space<semaphore_mem>>) src(%dma_wait3A_194 : memref<16xi32, #tpu.memory_space<hbm>>) dst(%arg14 : memref<16xi32, #tpu.memory_space<vmem>>)
    %dma_wait3A_195 = arith.constant 0 : i32
    %dma_wait3A_196 = arith.constant 0 : i32
    %dma_wait3A_197 = tpu.memref_slice %arg15[%dma_wait3A_195, %dma_wait3A_196] : memref<104x128xf32, #tpu.memory_space<vmem>> -> memref<16x128xf32, #tpu.memory_space<vmem>>
    %dma_wait3A_198 = arith.constant 0 : i32
    %dma_wait3A_199 = arith.constant 0 : i32
    %dma_wait3A_200 = tpu.memref_slice %arg4[%dma_wait3A_198, %dma_wait3A_199] : memref<10240x128xf32, #tpu.memory_space<hbm>> -> memref<10240x128xf32, #tpu.memory_space<hbm>>
    tpu.wait_indirect_dma semaphore(%arg24 : memref<!tpu.dma_semaphore, #tpu.memory_space<semaphore_mem>>) src(%dma_wait3A_200 : memref<10240x128xf32, #tpu.memory_space<hbm>>) dst(%dma_wait3A_197 : memref<16x128xf32, #tpu.memory_space<vmem>>)
    %dma_start3A_201 = arith.constant 0 : i32
    %dma_start3A_202 = arith.constant 0 : i32
    %dma_start3A_203 = tpu.memref_slice %arg15[%dma_start3A_201, %dma_start3A_202] : memref<104x128xf32, #tpu.memory_space<vmem>> -> memref<16x128xf32, #tpu.memory_space<vmem>>
    %dma_start3A_204 = arith.constant 0 : i32
    %dma_start3A_205 = arith.constant 0 : i32
    %dma_start3A_206 = tpu.memref_slice %arg17[%dma_start3A_204, %dma_start3A_205] : memref<10240x128xf32, #tpu.memory_space<vmem_shared>> -> memref<10240x128xf32, #tpu.memory_space<vmem_shared>>
    tpu.enqueue_indirect_dma source(%dma_start3A_203 : memref<16x128xf32, #tpu.memory_space<vmem>>) target(%dma_start3A_206 : memref<10240x128xf32, #tpu.memory_space<vmem_shared>>) offsets(%arg14 : memref<16xi32, #tpu.memory_space<vmem>>) semaphore(%arg26 : memref<!tpu.dma_semaphore, #tpu.memory_space<semaphore_mem>>) {add = true}
    %dma_wait3A_207 = arith.constant 0 : i32
    %dma_wait3A_208 = arith.constant 0 : i32
    %dma_wait3A_209 = tpu.memref_slice %arg17[%dma_wait3A_207, %dma_wait3A_208] : memref<10240x128xf32, #tpu.memory_space<vmem_shared>> -> memref<10240x128xf32, #tpu.memory_space<vmem_shared>>
    tpu.wait_indirect_dma semaphore(%arg27 : memref<!tpu.dma_semaphore, #tpu.memory_space<semaphore_mem>>) src(%arg16 : memref<104x128xf32, #tpu.memory_space<vmem>>) dst(%dma_wait3A_209 : memref<10240x128xf32, #tpu.memory_space<vmem_shared>>)
    %dma_wait3A_210 = arith.constant 0 : i32
    %dma_wait3A_211 = arith.constant 0 : i32
    %dma_wait3A_212 = tpu.memref_slice %arg15[%dma_wait3A_210, %dma_wait3A_211] : memref<104x128xf32, #tpu.memory_space<vmem>> -> memref<16x128xf32, #tpu.memory_space<vmem>>
    %dma_wait3A_213 = arith.constant 0 : i32
    %dma_wait3A_214 = arith.constant 0 : i32
    %dma_wait3A_215 = tpu.memref_slice %arg17[%dma_wait3A_213, %dma_wait3A_214] : memref<10240x128xf32, #tpu.memory_space<vmem_shared>> -> memref<10240x128xf32, #tpu.memory_space<vmem_shared>>
    tpu.wait_indirect_dma semaphore(%arg26 : memref<!tpu.dma_semaphore, #tpu.memory_space<semaphore_mem>>) src(%dma_wait3A_212 : memref<16x128xf32, #tpu.memory_space<vmem>>) dst(%dma_wait3A_215 : memref<10240x128xf32, #tpu.memory_space<vmem_shared>>)
    %barrier3A_216 = arith.constant 0 : index
    tpu.barrier barrier_id(%barrier3A_216)
    %mul3A_217 = arith.constant 640 : i32
    %mul3A_218 = arith.muli %arg1, %mul3A_217 : i32
    "tpu.region"() ({
      %run_scoped3A = tpu.sem_alloc : memref<!tpu.dma_semaphore, #tpu.memory_space<semaphore_mem>>
      %dma_start3A_219 = arith.constant 0 : i32
      %dma_start3A_220 = arith.constant 0 : i32
      %dma_start3A_221 = tpu.memref_slice %arg6[%arg0, %arg1, %dma_start3A_219, %dma_start3A_220] : memref<2x16x640x128xf32, #tpu.memory_space<hbm>> -> memref<1x1x640x128xf32, #tpu.memory_space<hbm>>
      %dma_start3A_222 = tpu.memref_squeeze %dma_start3A_221 : memref<1x1x640x128xf32, #tpu.memory_space<hbm>> -> memref<640x128xf32, #tpu.memory_space<hbm>>
      %dma_start3A_223 = arith.constant 0 : i32
      %dma_start3A_224 = tpu.memref_slice %arg17[%mul3A_218, %dma_start3A_223] : memref<10240x128xf32, #tpu.memory_space<vmem_shared>> -> memref<640x128xf32, #tpu.memory_space<vmem_shared>>
      tpu.enqueue_dma source(%dma_start3A_224 : memref<640x128xf32, #tpu.memory_space<vmem_shared>>) target(%dma_start3A_222 : memref<640x128xf32, #tpu.memory_space<hbm>>) target_semaphore(%run_scoped3A : memref<!tpu.dma_semaphore, #tpu.memory_space<semaphore_mem>>)
      %dma_wait3A_225 = arith.constant 0 : i32
      %dma_wait3A_226 = arith.constant 0 : i32
      %dma_wait3A_227 = tpu.memref_slice %arg6[%arg0, %arg1, %dma_wait3A_225, %dma_wait3A_226] : memref<2x16x640x128xf32, #tpu.memory_space<hbm>> -> memref<1x1x640x128xf32, #tpu.memory_space<hbm>>
      %dma_wait3A_228 = tpu.memref_squeeze %dma_wait3A_227 : memref<1x1x640x128xf32, #tpu.memory_space<hbm>> -> memref<640x128xf32, #tpu.memory_space<hbm>>
      %dma_wait3A_229 = arith.constant 0 : i32
      %dma_wait3A_230 = tpu.memref_slice %arg17[%mul3A_218, %dma_wait3A_229] : memref<10240x128xf32, #tpu.memory_space<vmem_shared>> -> memref<640x128xf32, #tpu.memory_space<vmem_shared>>
      tpu.wait_dma2 semaphore(%run_scoped3A : memref<!tpu.dma_semaphore, #tpu.memory_space<semaphore_mem>>) src(%dma_wait3A_230 : memref<640x128xf32, #tpu.memory_space<vmem_shared>>) dst(%dma_wait3A_228 : memref<640x128xf32, #tpu.memory_space<hbm>>)
      tpu.yield
    }) : () -> ()
    return
  }
}

module attributes {stable_mosaic.version = 14 : i64} {
  func.func @_mm1_body(%arg0: i32, %arg1: memref<2048x128xf32, #tpu.memory_space<vmem>>, %arg2: memref<128x128xf32, #tpu.memory_space<vmem>>, %arg3: memref<2x2048x1xf32, #tpu.memory_space<vmem>>, %arg4: memref<2048x128xf32, #tpu.memory_space<vmem>>) attributes {dimension_semantics = [#tpu.dimension_semantics<arbitrary>], iteration_bounds = array<i64: 5>, scalar_prefetch = 0 : i64, scratch_operands = 0 : i64, tpu.core_type = #tpu.core_type<tc>, window_params = [{transform_indices = @transform_0, window_bounds = array<i64: 2048, 128>}, {pipeline_mode = #tpu.pipeline_mode<synchronous>, transform_indices = @transform_1, window_bounds = array<i64: 128, 128>}, {transform_indices = @transform_2, window_bounds = array<i64: 2, 2048, 1>}, {transform_indices = @transform_3, window_bounds = array<i64: 2048, 128>}]} {
    %get3A = arith.constant 0 : index
    %get3A_0 = arith.constant 0 : index
    %get3A_1 = vector.load %arg1[%get3A, %get3A_0] : memref<2048x128xf32, #tpu.memory_space<vmem>>, vector<2048x128xf32>
    %get3A_2 = arith.constant 0 : index
    %get3A_3 = arith.constant 0 : index
    %get3A_4 = vector.load %arg2[%get3A_2, %get3A_3] : memref<128x128xf32, #tpu.memory_space<vmem>>, vector<128x128xf32>
    %dot_general3A = arith.constant dense<0.000000e+00> : vector<2048x128xf32>
    %dot_general3A_5 = tpu.matmul %get3A_1, %get3A_4, %dot_general3A {dimension_numbers = #tpu.dot_dimension_numbers<[1], [0], [0], [1], [0, 0, 1, 1], [], []>, transpose_lhs_hint = false} : vector<2048x128xf32>, vector<128x128xf32>, vector<2048x128xf32> -> vector<2048x128xf32>
    %get3A_6 = arith.constant 0 : index
    %get3A_7 = arith.constant 0 : index
    %get3A_8 = arith.constant 0 : index
    %get3A_9 = vector.load %arg3[%get3A_6, %get3A_7, %get3A_8] : memref<2x2048x1xf32, #tpu.memory_space<vmem>>, vector<1x2048x1xf32>
    %get3A_10 = vector.shape_cast %get3A_9 : vector<1x2048x1xf32> to vector<2048x1xf32>
    %get3A_11 = arith.constant 1 : index
    %get3A_12 = arith.constant 0 : index
    %get3A_13 = arith.constant 0 : index
    %get3A_14 = vector.load %arg3[%get3A_11, %get3A_12, %get3A_13] : memref<2x2048x1xf32, #tpu.memory_space<vmem>>, vector<1x2048x1xf32>
    %get3A_15 = vector.shape_cast %get3A_14 : vector<1x2048x1xf32> to vector<2048x1xf32>
    %add3A = arith.addf %get3A_10, %get3A_15 : vector<2048x1xf32>
    %add3A_16 = arith.constant 1.000000e+00 : f32
    %add3A_17 = vector.broadcast %add3A_16 : f32 to vector<2048x1xf32>
    %add3A_18 = arith.addf %add3A_17, %add3A : vector<2048x1xf32>
    %rsqrt3A = math.rsqrt %add3A_18 : vector<2048x1xf32>
    %broadcast_in_dim3A = vector.shape_cast %rsqrt3A : vector<2048x1xf32> to vector<2048x1xf32>
    %broadcast_in_dim3A_19 = vector.broadcast %broadcast_in_dim3A : vector<2048x1xf32> to vector<2048x128xf32>
    %mul3A = arith.mulf %dot_general3A_5, %broadcast_in_dim3A_19 : vector<2048x128xf32>
    %swap3A = arith.constant 0 : index
    %swap3A_20 = arith.constant 0 : index
    %swap3A_21 = vector.load %arg4[%swap3A, %swap3A_20] : memref<2048x128xf32, #tpu.memory_space<vmem>>, vector<2048x128xf32>
    tpu.vector_store %arg4[%swap3A, %swap3A_20], %mul3A {strides = array<i32>} : memref<2048x128xf32, #tpu.memory_space<vmem>>, vector<2048x128xf32>,
    return
  }
  func.func @transform_0(%arg0: i32) -> (i32, i32) {
    %c0_i32 = arith.constant 0 : i32
    %c0_i32_0 = arith.constant 0 : i32
    return %arg0, %c0_i32 : i32, i32
  }
  func.func @transform_1(%arg0: i32) -> (i32, i32) {
    %c0_i32 = arith.constant 0 : i32
    %c0_i32_0 = arith.constant 0 : i32
    %c0_i32_1 = arith.constant 0 : i32
    return %c0_i32, %c0_i32_0 : i32, i32
  }
  func.func @transform_2(%arg0: i32) -> (i32, i32, i32) {
    %c0_i32 = arith.constant 0 : i32
    %c0_i32_0 = arith.constant 0 : i32
    %c0_i32_1 = arith.constant 0 : i32
    return %c0_i32, %arg0, %c0_i32_0 : i32, i32, i32
  }
  func.func @transform_3(%arg0: i32) -> (i32, i32) {
    %c0_i32 = arith.constant 0 : i32
    %c0_i32_0 = arith.constant 0 : i32
    return %arg0, %c0_i32 : i32, i32
  }
}

module attributes {stable_mosaic.version = 14 : i64} {
  func.func @_mid_body(%arg0: i32, %arg1: memref<2x2048x128xf32, #tpu.memory_space<vmem>>, %arg2: memref<2048x128xf32, #tpu.memory_space<vmem>>, %arg3: memref<2x2048x1xf32, #tpu.memory_space<vmem>>, %arg4: memref<1x128xf32, #tpu.memory_space<vmem>>, %arg5: memref<128x128xf32, #tpu.memory_space<vmem>>, %arg6: memref<2048x128xf32, #tpu.memory_space<vmem>>) attributes {dimension_semantics = [#tpu.dimension_semantics<arbitrary>], iteration_bounds = array<i64: 5>, scalar_prefetch = 0 : i64, scratch_operands = 0 : i64, tpu.core_type = #tpu.core_type<tc>, window_params = [{transform_indices = @transform_0, window_bounds = array<i64: 2, 2048, 128>}, {transform_indices = @transform_1, window_bounds = array<i64: 2048, 128>}, {transform_indices = @transform_2, window_bounds = array<i64: 2, 2048, 1>}, {pipeline_mode = #tpu.pipeline_mode<synchronous>, transform_indices = @transform_3, window_bounds = array<i64: 1, 128>}, {pipeline_mode = #tpu.pipeline_mode<synchronous>, transform_indices = @transform_4, window_bounds = array<i64: 128, 128>}, {transform_indices = @transform_5, window_bounds = array<i64: 2048, 128>}]} {
    %get3A = arith.constant 0 : index
    %get3A_0 = arith.constant 0 : index
    %get3A_1 = arith.constant 0 : index
    %get3A_2 = vector.load %arg3[%get3A, %get3A_0, %get3A_1] : memref<2x2048x1xf32, #tpu.memory_space<vmem>>, vector<1x2048x1xf32>
    %get3A_3 = vector.shape_cast %get3A_2 : vector<1x2048x1xf32> to vector<2048x1xf32>
    %get3A_4 = arith.constant 1 : index
    %get3A_5 = arith.constant 0 : index
    %get3A_6 = arith.constant 0 : index
    %get3A_7 = vector.load %arg3[%get3A_4, %get3A_5, %get3A_6] : memref<2x2048x1xf32, #tpu.memory_space<vmem>>, vector<1x2048x1xf32>
    %get3A_8 = vector.shape_cast %get3A_7 : vector<1x2048x1xf32> to vector<2048x1xf32>
    %add3A = arith.addf %get3A_3, %get3A_8 : vector<2048x1xf32>
    %add3A_9 = arith.constant 1.000000e+00 : f32
    %add3A_10 = vector.broadcast %add3A_9 : f32 to vector<2048x1xf32>
    %add3A_11 = arith.addf %add3A_10, %add3A : vector<2048x1xf32>
    %rsqrt3A = math.rsqrt %add3A_11 : vector<2048x1xf32>
    %broadcast_in_dim3A = vector.shape_cast %rsqrt3A : vector<2048x1xf32> to vector<2048x1xf32>
    %broadcast_in_dim3A_12 = vector.broadcast %broadcast_in_dim3A : vector<2048x1xf32> to vector<2048x128xf32>
    %get3A_13 = arith.constant 0 : index
    %get3A_14 = arith.constant 0 : index
    %get3A_15 = arith.constant 0 : index
    %get3A_16 = vector.load %arg1[%get3A_13, %get3A_14, %get3A_15] : memref<2x2048x128xf32, #tpu.memory_space<vmem>>, vector<1x2048x128xf32>
    %get3A_17 = vector.shape_cast %get3A_16 : vector<1x2048x128xf32> to vector<2048x128xf32>
    %get3A_18 = arith.constant 1 : index
    %get3A_19 = arith.constant 0 : index
    %get3A_20 = arith.constant 0 : index
    %get3A_21 = vector.load %arg1[%get3A_18, %get3A_19, %get3A_20] : memref<2x2048x128xf32, #tpu.memory_space<vmem>>, vector<1x2048x128xf32>
    %get3A_22 = vector.shape_cast %get3A_21 : vector<1x2048x128xf32> to vector<2048x128xf32>
    %add3A_23 = arith.addf %get3A_17, %get3A_22 : vector<2048x128xf32>
    %get3A_24 = arith.constant 0 : index
    %get3A_25 = arith.constant 0 : index
    %get3A_26 = vector.load %arg2[%get3A_24, %get3A_25] : memref<2048x128xf32, #tpu.memory_space<vmem>>, vector<2048x128xf32>
    %add3A_27 = arith.addf %add3A_23, %get3A_26 : vector<2048x128xf32>
    %mul3A = arith.mulf %add3A_27, %broadcast_in_dim3A_12 : vector<2048x128xf32>
    %get3A_28 = arith.constant 0 : index
    %get3A_29 = arith.constant 0 : index
    %get3A_30 = vector.load %arg4[%get3A_28, %get3A_29] : memref<1x128xf32, #tpu.memory_space<vmem>>, vector<1x128xf32>
    %add3A_31 = vector.broadcast %get3A_30 : vector<1x128xf32> to vector<2048x128xf32>
    %add3A_32 = arith.addf %mul3A, %add3A_31 : vector<2048x128xf32>
    %sin3A = math.sin %add3A_32 : vector<2048x128xf32>
    %get3A_33 = arith.constant 0 : index
    %get3A_34 = arith.constant 0 : index
    %get3A_35 = vector.load %arg5[%get3A_33, %get3A_34] : memref<128x128xf32, #tpu.memory_space<vmem>>, vector<128x128xf32>
    %dot_general3A = arith.constant dense<0.000000e+00> : vector<2048x128xf32>
    %dot_general3A_36 = tpu.matmul %sin3A, %get3A_35, %dot_general3A {dimension_numbers = #tpu.dot_dimension_numbers<[1], [0], [0], [1], [0, 0, 1, 1], [], []>, transpose_lhs_hint = false} : vector<2048x128xf32>, vector<128x128xf32>, vector<2048x128xf32> -> vector<2048x128xf32>
    %mul3A_37 = arith.mulf %dot_general3A_36, %broadcast_in_dim3A_12 : vector<2048x128xf32>
    %swap3A = arith.constant 0 : index
    %swap3A_38 = arith.constant 0 : index
    %swap3A_39 = vector.load %arg6[%swap3A, %swap3A_38] : memref<2048x128xf32, #tpu.memory_space<vmem>>, vector<2048x128xf32>
    tpu.vector_store %arg6[%swap3A, %swap3A_38], %mul3A_37 {strides = array<i32>} : memref<2048x128xf32, #tpu.memory_space<vmem>>, vector<2048x128xf32>,
    return
  }
  func.func @transform_0(%arg0: i32) -> (i32, i32, i32) {
    %c0_i32 = arith.constant 0 : i32
    %c0_i32_0 = arith.constant 0 : i32
    %c0_i32_1 = arith.constant 0 : i32
    return %c0_i32, %arg0, %c0_i32_0 : i32, i32, i32
  }
  func.func @transform_1(%arg0: i32) -> (i32, i32) {
    %c0_i32 = arith.constant 0 : i32
    %c0_i32_0 = arith.constant 0 : i32
    return %arg0, %c0_i32 : i32, i32
  }
  func.func @transform_2(%arg0: i32) -> (i32, i32, i32) {
    %c0_i32 = arith.constant 0 : i32
    %c0_i32_0 = arith.constant 0 : i32
    %c0_i32_1 = arith.constant 0 : i32
    return %c0_i32, %arg0, %c0_i32_0 : i32, i32, i32
  }
  func.func @transform_3(%arg0: i32) -> (i32, i32) {
    %c0_i32 = arith.constant 0 : i32
    %c0_i32_0 = arith.constant 0 : i32
    %c0_i32_1 = arith.constant 0 : i32
    return %c0_i32, %c0_i32_0 : i32, i32
  }
  func.func @transform_4(%arg0: i32) -> (i32, i32) {
    %c0_i32 = arith.constant 0 : i32
    %c0_i32_0 = arith.constant 0 : i32
    %c0_i32_1 = arith.constant 0 : i32
    return %c0_i32, %c0_i32_0 : i32, i32
  }
  func.func @transform_5(%arg0: i32) -> (i32, i32) {
    %c0_i32 = arith.constant 0 : i32
    %c0_i32_0 = arith.constant 0 : i32
    return %arg0, %c0_i32 : i32, i32
  }
}

module attributes {stable_mosaic.version = 14 : i64} {
  func.func @_final_body(%arg0: i32, %arg1: memref<2x2048x128xf32, #tpu.memory_space<vmem>>, %arg2: memref<2048x128xf32, #tpu.memory_space<vmem>>, %arg3: memref<2x2048x1xf32, #tpu.memory_space<vmem>>, %arg4: memref<1x128xf32, #tpu.memory_space<vmem>>, %arg5: memref<2048x128xf32, #tpu.memory_space<vmem>>) attributes {dimension_semantics = [#tpu.dimension_semantics<arbitrary>], iteration_bounds = array<i64: 5>, scalar_prefetch = 0 : i64, scratch_operands = 0 : i64, tpu.core_type = #tpu.core_type<tc>, window_params = [{transform_indices = @transform_0, window_bounds = array<i64: 2, 2048, 128>}, {transform_indices = @transform_1, window_bounds = array<i64: 2048, 128>}, {transform_indices = @transform_2, window_bounds = array<i64: 2, 2048, 1>}, {pipeline_mode = #tpu.pipeline_mode<synchronous>, transform_indices = @transform_3, window_bounds = array<i64: 1, 128>}, {transform_indices = @transform_4, window_bounds = array<i64: 2048, 128>}]} {
    %get3A = arith.constant 0 : index
    %get3A_0 = arith.constant 0 : index
    %get3A_1 = arith.constant 0 : index
    %get3A_2 = vector.load %arg1[%get3A, %get3A_0, %get3A_1] : memref<2x2048x128xf32, #tpu.memory_space<vmem>>, vector<1x2048x128xf32>
    %get3A_3 = vector.shape_cast %get3A_2 : vector<1x2048x128xf32> to vector<2048x128xf32>
    %get3A_4 = arith.constant 1 : index
    %get3A_5 = arith.constant 0 : index
    %get3A_6 = arith.constant 0 : index
    %get3A_7 = vector.load %arg1[%get3A_4, %get3A_5, %get3A_6] : memref<2x2048x128xf32, #tpu.memory_space<vmem>>, vector<1x2048x128xf32>
    %get3A_8 = vector.shape_cast %get3A_7 : vector<1x2048x128xf32> to vector<2048x128xf32>
    %add3A = arith.addf %get3A_3, %get3A_8 : vector<2048x128xf32>
    %get3A_9 = arith.constant 0 : index
    %get3A_10 = arith.constant 0 : index
    %get3A_11 = vector.load %arg2[%get3A_9, %get3A_10] : memref<2048x128xf32, #tpu.memory_space<vmem>>, vector<2048x128xf32>
    %add3A_12 = arith.addf %add3A, %get3A_11 : vector<2048x128xf32>
    %get3A_13 = arith.constant 0 : index
    %get3A_14 = arith.constant 0 : index
    %get3A_15 = arith.constant 0 : index
    %get3A_16 = vector.load %arg3[%get3A_13, %get3A_14, %get3A_15] : memref<2x2048x1xf32, #tpu.memory_space<vmem>>, vector<1x2048x1xf32>
    %get3A_17 = vector.shape_cast %get3A_16 : vector<1x2048x1xf32> to vector<2048x1xf32>
    %get3A_18 = arith.constant 1 : index
    %get3A_19 = arith.constant 0 : index
    %get3A_20 = arith.constant 0 : index
    %get3A_21 = vector.load %arg3[%get3A_18, %get3A_19, %get3A_20] : memref<2x2048x1xf32, #tpu.memory_space<vmem>>, vector<1x2048x1xf32>
    %get3A_22 = vector.shape_cast %get3A_21 : vector<1x2048x1xf32> to vector<2048x1xf32>
    %add3A_23 = arith.addf %get3A_17, %get3A_22 : vector<2048x1xf32>
    %add3A_24 = arith.constant 1.000000e+00 : f32
    %add3A_25 = vector.broadcast %add3A_24 : f32 to vector<2048x1xf32>
    %add3A_26 = arith.addf %add3A_25, %add3A_23 : vector<2048x1xf32>
    %rsqrt3A = math.rsqrt %add3A_26 : vector<2048x1xf32>
    %broadcast_in_dim3A = vector.shape_cast %rsqrt3A : vector<2048x1xf32> to vector<2048x1xf32>
    %broadcast_in_dim3A_27 = vector.broadcast %broadcast_in_dim3A : vector<2048x1xf32> to vector<2048x128xf32>
    %mul3A = arith.mulf %add3A_12, %broadcast_in_dim3A_27 : vector<2048x128xf32>
    %get3A_28 = arith.constant 0 : index
    %get3A_29 = arith.constant 0 : index
    %get3A_30 = vector.load %arg4[%get3A_28, %get3A_29] : memref<1x128xf32, #tpu.memory_space<vmem>>, vector<1x128xf32>
    %add3A_31 = vector.broadcast %get3A_30 : vector<1x128xf32> to vector<2048x128xf32>
    %add3A_32 = arith.addf %mul3A, %add3A_31 : vector<2048x128xf32>
    %sin3A = math.sin %add3A_32 : vector<2048x128xf32>
    %swap3A = arith.constant 0 : index
    %swap3A_33 = arith.constant 0 : index
    %swap3A_34 = vector.load %arg5[%swap3A, %swap3A_33] : memref<2048x128xf32, #tpu.memory_space<vmem>>, vector<2048x128xf32>
    tpu.vector_store %arg5[%swap3A, %swap3A_33], %sin3A {strides = array<i32>} : memref<2048x128xf32, #tpu.memory_space<vmem>>, vector<2048x128xf32>,
    return
  }
  func.func @transform_0(%arg0: i32) -> (i32, i32, i32) {
    %c0_i32 = arith.constant 0 : i32
    %c0_i32_0 = arith.constant 0 : i32
    %c0_i32_1 = arith.constant 0 : i32
    return %c0_i32, %arg0, %c0_i32_0 : i32, i32, i32
  }
  func.func @transform_1(%arg0: i32) -> (i32, i32) {
    %c0_i32 = arith.constant 0 : i32
    %c0_i32_0 = arith.constant 0 : i32
    return %arg0, %c0_i32 : i32, i32
  }
  func.func @transform_2(%arg0: i32) -> (i32, i32, i32) {
    %c0_i32 = arith.constant 0 : i32
    %c0_i32_0 = arith.constant 0 : i32
    %c0_i32_1 = arith.constant 0 : i32
    return %c0_i32, %arg0, %c0_i32_0 : i32, i32, i32
  }
  func.func @transform_3(%arg0: i32) -> (i32, i32) {
    %c0_i32 = arith.constant 0 : i32
    %c0_i32_0 = arith.constant 0 : i32
    %c0_i32_1 = arith.constant 0 : i32
    return %c0_i32, %c0_i32_0 : i32, i32
  }
  func.func @transform_4(%arg0: i32) -> (i32, i32) {
    %c0_i32 = arith.constant 0 : i32
    %c0_i32_0 = arith.constant 0 : i32
    return %arg0, %c0_i32 : i32, i32
  }
}

</mosaic_0001>

<sc_bundles>
// kernel: kernel.11.cloned.1.call-start
scs
__scs_entry_jumppad:
0x0: {  	(pc) =	sbr.rel $0x88, $3  }
0x1: {  	(tag) =	ssettag $0x0;
	lr =	simm.s32 $0x1  }
0x2: {  	[smem:$0x3F9B] =	sst lr;
	_ =	strace $0xD0000000  }
0x3: {  	_ = 	snop  }
0x4: {  	_ = 	snop  }
0x5: {  	_ = 	snop  }
0x6: {  	_ = 	snop  }
0x7: {  	_ = 	snop  }
__scs_overlays_trampoline_lowered:
0x8: {  	[smem:$0x3FAA] =	sst s0  }
0x9: {  	[smem:$0x3FAB] =	sst s1  }
0xa: {  	[smem:$0x3FAC] =	sst s2  }
0xb: {  	[smem:$0x3FAD] =	sst s3  }
0xc: {  	[smem:$0x3FAE] =	sst s4  }
0xd: {  	[smem:$0x3FAF] =	sst s5  }
0xe: {  	[smem:$0x3FB0] =	sst s6  }
0xf: {  	[smem:$0x3FB1] =	sst s7  }
0x10: {  	[smem:$0x3FB2] =	sst s8  }
0x11: {  	[smem:$0x3FB3] =	sst s9;
	s0 =	simm.s32 @!p0 $0x0  }
0x12: {  	s1 =	sld [smem:$0x3F99];
	s0 =	simm.s32 @p0 $0x1  }
0x13: {  	[smem:$0x3FB4] =	sst s0;
	s0 =	simm.s32 @!p1 $0x0  }
0x14: {  	s2 =	sld [smem:$0x3F98];
	s0 =	simm.s32 @p1 $0x1  }
0x15: {  	[smem:$0x3FB5] =	sst s0;
	s0 =	simm.s32 @!p2 $0x0  }
0x16: {  	s3 =	sld [smem:$0x3FDB];
	s0 =	simm.s32 @p2 $0x1  }
0x17: {  	s4 =	simm.s32 $0x1BF5;
	[smem:$0x3FB7] =	sst s0  }
0x18: {  	s0 =	sld [smem:$0x3F9A];
	_ =	swait.ge [sflag:s4], $0x0  }
0x19: {  	s7 =	sld [smem:$0x3F9B]  }
0x1a: {  	s8 =	sadd.s32 $0xFFFFE003, lr  }
0x1b: {  	s9 =	sadd.s32 $0xFFFFFEF7, lr;
	s5 =	simm.s32 $0xFFFFFFFF;
	p2 =	slt.u32 s8, $0xFFFFF086  }
0x1c: {  	p1 =	slt.u32 s9, $0xF7A;
	s5 =	simm.s32 @!p2 $0x0  }
0x1d: {  	s5 =	simm.s32 @p1 $0x1;
	p0 =	seq.s32 s7, s2  }
0x1e: {  	s7 =	smul.u32 @!p0 $0xF7A, s2;
	p2 =	seq.s32 @!p0 s5, $0x0  }
0x1f: {  	s9 =	smul.u32 $0xF7A, s1;
	s8 =	simm.s32 @!p0 $0x1BF5;
	p2 =	por !p2, p0  }
0x20: {  	[sflag:s8] =	ssyncset.s32 @!p0 $0xFFFFF086;
	s6 =	sadd.s32 @!p0 s3, s7;
	s7 =	simm.s32 @!p0 $0x108  }
0x21: {  	s3 =	sadd.s32 s3, s9;
	s6 =	sadd.s32 @!p0 $0x88, s6;
	s7 =	simm.s32 @p2 $0x1082  }
0x22: {  	[simem:s7], [sflag:s8] =	dma.local @!p0 [hbm:s6], $0xF7A  }
0x23: {  	s9 =	sor.u32 $0xD0000000, s2;
	s6 =	simm.s32 $0x108;
	_ =	swait.ge @!p0 [sflag:s8], $0x0  }
0x24: {  	s3 =	sadd.s32 $0x88, s3;
	s6 =	simm.s32 @!p1 $0x1082;
	[sflag:s4] =	ssyncset.s32 $0xFFFFF086  }
0x25: {  	[simem:s6], [sflag:s4] =	dma.local [hbm:s3], $0xF7A  }
0x26: {  	[smem:$0x3F9B] =	sst s1;
	(tag) =	ssettag s2;
	_ =	strace s9  }
0x27: {  	s1 =	sld [smem:$0x3FAB]  }
0x28: {  	s2 =	sld [smem:$0x3FAC]  }
0x29: {  	s4 =	sld [smem:$0x3FAE]  }
0x2a: {  	p0 =	seq.s32 s5, $0x0;
	s5 =	sld [smem:$0x3FAF]  }
0x2b: {  	s6 =	sld [smem:$0x3FB0]  }
0x2c: {  	s7 =	sld [smem:$0x3FB1]  }
0x2d: {  	s3 =	simm.s32 $0x108;
	s8 =	sld [smem:$0x3FB2]  }
0x2e: {  	s3 =	simm.s32 @!p0 $0x1082;
	s9 =	sld [smem:$0x3FB3]  }
0x2f: {  	lr =	sadd.s32 s0, s3;
	s0 =	sld [smem:$0x3FAA]  }
0x30: {  	s3 =	sld [smem:$0x3FAD]  }
0x31: {  	[smem:$0x3FB6] =	sst s10  }
0x32: {  	s10 =	sld [smem:$0x3FB4];
	_ =	sdelay $0x3  }
0x33: {  	p0 =	seq.s32 s10, $0x1;
	s10 =	sld [smem:$0x3FB6];
	_ =	sdelay $0x3  }
0x34: {  	[smem:$0x3FB6] =	sst s10  }
0x35: {  	s10 =	sld [smem:$0x3FB5];
	_ =	sdelay $0x3  }
0x36: {  	p1 =	seq.s32 s10, $0x1;
	s10 =	sld [smem:$0x3FB6];
	_ =	sdelay $0x3  }
0x37: {  	[smem:$0x3FB6] =	sst s10  }
0x38: {  	s10 =	sld [smem:$0x3FB7]  }
0x39: {  	_ = 	snop;
	(pc) =	sbr.ind lr, $3  }
0x3a: {  	_ = 	snop  }
0x3b: {  	_ = 	snop  }
0x3c: {  	p2 =	seq.s32 s10, $0x1;
	s10 =	sld [smem:$0x3FB6]  }
0x3d: {  	_ =	shalt  }
0x3e: {  	_ =	shalt  }
0x3f: {  	_ =	shalt  }
0x40: {  	_ =	shalt  }
0x41: {  	_ =	shalt  }
0x42: {  	_ =	shalt  }
0x43: {  	_ =	shalt  }
0x44: {  	_ =	shalt  }
0x45: {  	_ =	shalt  }
0x46: {  	_ =	shalt  }
0x47: {  	_ =	shalt  }
0x48: {  	_ =	shalt  }
0x49: {  	_ =	shalt  }
0x4a: {  	_ =	shalt  }
0x4b: {  	_ =	shalt  }
0x4c: {  	_ =	shalt  }
0x4d: {  	_ =	shalt  }
0x4e: {  	_ =	shalt  }
0x4f: {  	_ =	shalt  }
0x50: {  	_ =	shalt  }
0x51: {  	_ =	shalt  }
0x52: {  	_ =	shalt  }
0x53: {  	_ =	shalt  }
0x54: {  	_ =	shalt  }
0x55: {  	_ =	shalt  }
0x56: {  	_ =	shalt  }
0x57: {  	_ =	shalt  }
0x58: {  	_ =	shalt  }
0x59: {  	_ =	shalt  }
0x5a: {  	_ =	shalt  }
0x5b: {  	_ =	shalt  }
0x5c: {  	_ =	shalt  }
0x5d: {  	_ =	shalt  }
0x5e: {  	_ =	shalt  }
0x5f: {  	_ =	shalt  }
0x60: {  	_ =	shalt  }
0x61: {  	_ =	shalt  }
0x62: {  	_ =	shalt  }
0x63: {  	_ =	shalt  }
0x64: {  	_ =	shalt  }
0x65: {  	_ =	shalt  }
0x66: {  	_ =	shalt  }
0x67: {  	_ =	shalt  }
0x68: {  	_ =	shalt  }
0x69: {  	_ =	shalt  }
0x6a: {  	_ =	shalt  }
0x6b: {  	_ =	shalt  }
0x6c: {  	_ =	shalt  }
0x6d: {  	_ =	shalt  }
0x6e: {  	_ =	shalt  }
0x6f: {  	_ =	shalt  }
0x70: {  	_ =	shalt  }
0x71: {  	_ =	shalt  }
0x72: {  	_ =	shalt  }
0x73: {  	_ =	shalt  }
0x74: {  	_ =	shalt  }
0x75: {  	_ =	shalt  }
0x76: {  	_ =	shalt  }
0x77: {  	_ =	shalt  }
0x78: {  	_ =	shalt  }
0x79: {  	_ =	shalt  }
0x7a: {  	_ =	shalt  }
0x7b: {  	_ =	shalt  }
0x7c: {  	_ =	shalt  }
0x7d: {  	_ =	shalt  }
0x7e: {  	_ =	shalt  }
0x7f: {  	_ =	shalt  }
0x80: {  	_ =	shalt  }
0x81: {  	_ =	shalt  }
0x82: {  	_ =	shalt  }
0x83: {  	_ =	shalt  }
0x84: {  	_ =	shalt  }
0x85: {  	_ =	shalt  }
0x86: {  	_ =	shalt  }
0x87: {  	_ =	shalt  }
.Lfunc_end0:
.L_simem_size_0:
called_computation.1_lowered:
.L_overlay_start_0:
0x88: {  	s2 =	sld [smem:$0x3FD9]  }
0x89: {  	s3 =	sld [smem:$0x3FFE];
	_ =	sdelay $0x1  }
0x8a: {  	s1 =	srdreg.scid  }
0x8b: {  	s0 =	sand.u32 $0x1, s1  }
0x8c: {  	s17 =	sshll.u32 s0, $0xA;
	s2 =	sadd.s32 s3, s2  }
0x8d: {  	s2 =	sadd.s32 s2, s17  }
0x8e: {  	[smem:$0x3FC2] =	sst s2  }
0x8f: {  	_ = 	snop  }
0x90: {  	s2 =	sld [smem:$0x3FD0];
	(tm) =	ssettm $0x1  }
0x91: {  	s18 =	sld [smem:$0x3FFB];
	_ =	sdelay $0x3  }
0x92: {  	_ =	strace s18  }
0x93: {  	s3 =	sld [smem:$0x3FFC];
	_ =	sdelay $0x3  }
0x94: {  	_ =	strace s3  }
0x95: {  	s3 =	sld [smem:$0x3FFD];
	_ =	sdelay $0x3  }
0x96: {  	_ =	strace s3  }
0x97: {  	_ =	strace $0x8FFFFFFF  }
0x98: {  	s19 =	sld [smem:$0x3FDB];
	_ =	sdelay $0x1  }
0x99: {  	s4 =	simm.s32 $_scs_section_size  }
0x9a: {  	s5 =	simm.s32 $_size__tile_overlayer_lowered;
	s6 =	simm.s32 $_tile_overlayer_lowered  }
0x9b: {  	s22 =	simm.s32 $0x1BFF;
	s21 =	sshll.u32 s6, $0x1;
	s3 =	sadd.s32 s4, s19  }
0x9c: {  	s7 =	simm.s32 $0x0;
	s20 =	sshll.u32 s5, $0x1;
	s5 =	sadd.s32 s21, s3  }
0x9d: {  	[timem:s7], [sflag:s22] =	dma.local [hbm:s5], s20  }
0x9e: {  	_ =	swait.ge [sflag:s22], s20  }
0x9f: {  	s4 =	ssub.s32 $0x0, s20;
	[sflag:s22] =	ssyncset.done $0x0  }
0xa0: {  	[sflag:s22] =	ssyncadd.s32 s4;
	_ =	sdelay $0x1  }
0xa1: {  	s23 =	simm.s32 $0x1B8B  }
0xa2: {  	_ =	swait.ge [sflag:s23], $0x1  }
0xa3: {  	[sflag:s23] =	ssyncset.done $0x0  }
0xa4: {  	s25 =	simm.s32 $0x1B8E;
	s24 =	sld [smem:$0x3FFE];
	[sflag:s23] =	ssyncadd.s32 $0xFFFFFFFF  }
0xa5: {  	s26 =	simm.s32 $execute0_lowered;
	[smem:$0x3FD2] =	sst s25  }
0xa6: {  	s5 =	sshll.u32 s26, $0x1;
	_ =	strace $0x80000049;
	[dreg:$0x1] =	wrdreg $0xFFFFFFFF  }
0xa7: {  	s28 =	simm.s32 $_size_execute0_lowered;
	s3 =	sadd.s32 s3, s5;
	[dreg:$0x0] =	wrdreg $0x0  }
0xa8: {  	s5 =	sshll.u32 s28, $0x1;
	[dreg:$0x2] =	wrdreg s3  }
0xa9: {  	[dreg:$0x3] =	wrdreg s5  }
0xaa: {  	[dreg:$0x4] =	wrdreg $0xC0  }
0xab: {  	_ =	task [dreg:s7], $0x5FFFF  }
0xac: {  	[dreg:$0x1] =	wrdreg $0xFFFFFFFF  }
0xad: {  	[dreg:$0x0] =	wrdreg $0x60  }
0xae: {  	[dreg:$0x2] =	wrdreg s24  }
0xaf: {  	[dreg:$0x3] =	wrdreg s2  }
0xb0: {  	[dreg:$0x4] =	wrdreg $0x6C000  }
0xb1: {  	[dreg:$0x5] =	wrdreg $0x9  }
0xb2: {  	_ =	task.clear_ibuf [dreg:s7], $0x6FFFF;
	_ =	strace $0x90000049  }
0xb3: {  	s29 =	simm.s32 $0x9;
	_ =	strace $0x8000004B  }
0xb4: {  	_ =	swait.ge [sflag:s29], $0x1  }
0xb5: {  	[sflag:s29] =	ssyncadd.s32 $0xFFFFFFFF  }
0xb6: {  	_ =	strace $0x9000004B  }
0xb7: {  	_ =	sfence  }
0xb8: {  	s30 =	sld [smem:$0x0];
	_ =	sdelay $0x2  }
0xb9: {  	s31 =	sshll.u32 s1, $0xD;
	s1 =	sshrl.u32 s1, $0x2  }
0xba: {  	s3 =	sand.u32 $0x4000, s31;
	s1 =	sadd.s32 s1, s30  }
0xbb: {  	s0 =	sor.u32 s3, s0;
	s1 =	sshll.u32 s1, $0x11  }
0xbc: {  	s0 =	sor.u32 s1, s0  }
0xbd: {  	s0 =	sadd.s32 $0x8F2B, s0  }
0xbe: {  	[sflag:s0] =	ssyncadd.remote.s32 $0x1  }
0xbf: {  	_ =	sfence.sel $0xFFFF  }
0xc0: {  	[dreg:$0x0] =	wrdreg $0xFFFFFFFF;
	(pc) =	sbr.abs _section_cstart, $3  }
0xc1: {  	[dreg:$0x1] =	wrdreg $0xFFFFFFFF  }
0xc2: {  	_ =	task.clear_ibuf [dreg:s7], $0x2FFFF;
	_ =	strace $0x9FFFFFFF  }
0xc3: {  	(tm) =	ssettm $0x7FFFFFFF  }
tec
execute0_lowered:
.L_overlay_start_1:
0x0: {  	(tag) =	ssettag $0x1  }
0x1: {  	s0 =	rddreg [dreg:$0x0]  }
0x2: {  	s2 =	rddreg [dreg:$0x2];
	s1 =	srdreg.scid  }
0x3: {  	s4 =	simm.s32 $0x0;
	s12 =	stileid.u32;
	s28 =	simm.s32 $0xD  }
0x4: {  	s29 =	simm.s32 $0x180;
	s30 =	simm.s32 $0x80;
	s31 =	simm.s32 $0x200  }
0x5: {  	s3 =	sand.u32 $0x1, s1;
	[smem:$0x7FF] =	sst s4;
	s7 =	smul.u32 $0x14000, s12  }
0x6: {  	s5 =	sadd.s32 $0x2400, s0;
	s6 =	sadd.s32 $0xC200, s0;
	s11 =	smul.u32 $0x50000, s12  }
0x7: {  	s10 =	sshll.u32 s12, $0x1;
	s15 =	sshll.u32 s12, $0x6;
	s16 =	smul.u32 $0x4E20, s12  }
0x8: {  	s1 =	smul.u32 $0x140000, s3;
	_ =	strace $0x8000004A;
	s8 =	ssub.s32 $0x2, s3  }
0x9: {  	s13 =	sor.u32 s3, s10;
	s23 =	sor.u32 $0x1C0D, s15;
	s3 =	smul.u32 $0x2710, s3  }
0xa: {  	s9 =	sshrl.u32 s8, $0x1;
	s14 =	sshrl.u32 s11, $0x2;
	[dreg:$0xf] =	wrdreg s23  }
0xb: {  	s1 =	sadd.s32 s7, s1;
	s7 =	sadd.s32 $0x66000, s0;
	s3 =	sadd.s32 s3, s16  }
0xc: {  	s1 =	sshrl.u32 s1, $0x3;
	s10 =	sadd.s32 $0x340, s3;
	s15 =	sadd.s32 $0x208, s3  }
0xd: {  	s0 =	sadd.s32 s1, s0;
	s1 =	ssub.s32 s8, s9;
	s8 =	smul.u32 $0x2710, s13  }
0xe: {  	s9 =	sadd.s32 s14, s2;
	s10 =	sshrl.u32 s10, $0x3;
	s14 =	sadd.s32 $0x2D8, s3  }
0xf: {  	[dreg:$0xe] =	wrdreg s9;
	s26 =	sadd.s32 s10, s6;
	s10 =	sadd.s32 s10, s5  }
0x10: {  	s9 =	sshrl.u32 s14, $0x3;
	s0 =	sadd.s32 $0x8E000, s0;
	[dreg:$0x4] =	wrdreg s26  }
0x11: {  	s11 =	sshrl.u32 s8, $0x3;
	s17 =	sadd.s32 $0x68, s8;
	[dreg:$0x5] =	wrdreg s10  }
0x12: {  	s25 =	sadd.s32 $0x25C8, s8;
	s14 =	sadd.s32 s9, s6;
	[dreg:$0x1e] =	wrdreg s0  }
0x13: {  	s16 =	sadd.s32 s9, s5;
	s8 =	sadd.s32 $0x2698, s8;
	[dreg:$0x6] =	wrdreg s14  }
0x14: {  	s0 =	simm.s32 $0x1;
	s18 =	sadd.s32 s5, s11;
	[dreg:$0x7] =	wrdreg s16  }
0x15: {  	s19 =	sadd.s32 s6, s11;
	s12 =	sshrl.u32 s17, $0x3;
	[dreg:$0x10] =	wrdreg s18  }
0x16: {  	s10 =	simm.s32 $0x7;
	[dreg:$0x11] =	wrdreg s19;
	s20 =	sadd.s32 s5, s12  }
0x17: {  	s13 =	sadd.s32 $0x1A, s11;
	s21 =	sadd.s32 s6, s12;
	[dreg:$0x12] =	wrdreg s20  }
0x18: {  	s17 =	sshrl.u32 s15, $0x3;
	s22 =	sadd.s32 s5, s13;
	[dreg:$0x13] =	wrdreg s21  }
0x19: {  	s8 =	sshrl.u32 s8, $0x3;
	s24 =	sadd.s32 s6, s13;
	[dreg:$0x14] =	wrdreg s22  }
0x1a: {  	s12 =	sshrl.u32 s25, $0x3;
	s18 =	sadd.s32 s17, s6;
	[dreg:$0x15] =	wrdreg s24  }
0x1b: {  	s19 =	sadd.s32 $0x1A0, s3;
	s13 =	simm.s32 $0x100;
	[dreg:$0x8] =	wrdreg s18  }
0x1c: {  	s20 =	sadd.s32 s17, s5;
	s21 =	sshrl.u32 s19, $0x3;
	s24 =	sadd.s32 $0x138, s3  }
0x1d: {  	s14 =	sadd.s32 s5, s12;
	s16 =	sadd.s32 s6, s12;
	[dreg:$0x9] =	wrdreg s20  }
0x1e: {  	s17 =	sadd.s32 $0x4C6, s11;
	s12 =	simm.s32 $0x3800;
	[dreg:$0x16] =	wrdreg s14  }
0x1f: {  	s22 =	sadd.s32 s21, s6;
	s25 =	sadd.s32 s21, s5;
	[dreg:$0x17] =	wrdreg s16  }
0x20: {  	s26 =	sshrl.u32 s24, $0x3;
	s18 =	sadd.s32 s5, s17;
	[dreg:$0xa] =	wrdreg s22  }
0x21: {  	s20 =	sadd.s32 s6, s17;
	s21 =	sadd.s32 s5, s8;
	[dreg:$0xb] =	wrdreg s25  }
0x22: {  	s8 =	sadd.s32 s6, s8;
	s14 =	simm.s32 $0x280;
	[dreg:$0x18] =	wrdreg s18  }
0x23: {  	s16 =	simm.s32 $0x8;
	s17 =	simm.s32 $0x9;
	[dreg:$0x19] =	wrdreg s20  }
0x24: {  	s15 =	sadd.s32 s26, s6;
	s19 =	sadd.s32 s26, s5;
	[dreg:$0x1a] =	wrdreg s21  }
0x25: {  	[dreg:$0x1b] =	wrdreg s8;
	s22 =	sadd.s32 $0x4E0, s11;
	s25 =	smax.u32 s1, $0x1  }
0x26: {  	s26 =	sadd.s32 $0x270, s3;
	s3 =	simm.s32 $0x68;
	[dreg:$0xc] =	wrdreg s15  }
0x27: {  	s1 =	simm.s32 $0x400;
	s11 =	simm.s32 $0x2;
	[dreg:$0xd] =	wrdreg s19  }
0x28: {  	s18 =	simm.s32 $0x3;
	s20 =	simm.s32 $0xA;
	[dreg:$0x1f] =	wrdreg s25  }
0x29: {  	s21 =	simm.s32 $0x0;
	s24 =	sadd.s32 s5, s22;
	[smem:$0x7FD] =	sst s26  }
0x2a: {  	s8 =	sadd.s32 s6, s22;
	s15 =	simm.s32 $0x5;
	[dreg:$0x1c] =	wrdreg s24  }
0x2b: {  	s19 =	simm.s32 $0x6;
	[dreg:$0x1d] =	wrdreg s8;
	s8 =	simm.s32 $0x4  }
.LBB2_1:
0x2c: {  	s9 =	rddreg [dreg:$0xe]  }
0x2d: {  	s24 =	rddreg [dreg:$0x1];
	s22 =	sshrl.u32 s9, $0x3  }
0x2e: {  	[spmem:s22], [sflag:s23] =	dma.local [hbm:s24], $0x2800  }
0x2f: {  	_ =	swait.ge [sflag:s28], $0x2800  }
0x30: {  	[sflag:s28] =	ssyncset.done $0x0  }
0x31: {  	[sflag:s28] =	ssyncadd.s32 $0xFFFFD800  }
0x32: {  	[bflag:$0x0] =	sbarrier.arrive $0xFFFF  }
0x33: {  	s25 =	rddreg [dreg:$0x10]  }
0x34: {  	[tilespmem:s4], [sflag:$0x1] =	stream.linear.gather [hbm4b:s25+s4], $0x68, $0x38;
	[tilespmem:$0x1AC00] =	vst v63  }
0x35: {  	s26 =	rddreg [dreg:$0x11]  }
0x36: {  	[tilespmem:s29], [sflag:$0x4] =	stream.linear.gather [hbm4b:s26+s4], $0x68, $0x38;
	[tilespmem:$0x1AC00] =	vst v63  }
0x37: {  	s23 =	rddreg [dreg:$0x12]  }
0x38: {  	[tilespmem:s30], [sflag:$0x2] =	stream.linear.gather [hbm4b:s23+s4], $0x68, $0x38;
	[tilespmem:$0x1AC00] =	vst v63  }
0x39: {  	s24 =	rddreg [dreg:$0x13]  }
0x3a: {  	[tilespmem:s31], [sflag:$0x5] =	stream.linear.gather [hbm4b:s24+s4], $0x68, $0x38;
	[tilespmem:$0x1AC00] =	vst v63  }
0x3b: {  	_ =	swait.ge [sflag:s0], $0x68  }
0x3c: {  	[sflag:s0] =	ssyncset.done $0x0  }
0x3d: {  	[sflag:s0] =	ssyncadd.s32 $0xFFFFFF98  }
0x3e: {  	[tilespmem:s1], [sflag:$0x7] =	stream.indirect.gather [hbm4b:s7+s3], $0x80, s4, s3, $0xb8;
	[tilespmem:$0x1AC00] =	vst v63  }
0x3f: {  	_ =	swait.ge [sflag:s8], $0x68  }
0x40: {  	[sflag:s8] =	ssyncset.done $0x0  }
0x41: {  	[sflag:s8] =	ssyncadd.s32 $0xFFFFFF98  }
0x42: {  	_ =	swait.ge [sflag:s10], $0x3400  }
0x43: {  	[sflag:s10] =	ssyncset.done $0x0  }
0x44: {  	[sflag:s10] =	ssyncadd.s32 $0xFFFFCC00  }
0x45: {  	[spmem:s2] =	stream.indirect.scatter.add.f32 [tilespmem:s1], [sflag:$0x9], $0x80, s29, s3, $0xb8;
	[tilespmem:$0x1AC00] =	vst v63  }
0x46: {  	_ =	swait.ge [sflag:s11], $0x68  }
0x47: {  	[sflag:s11] =	ssyncset.done $0x0  }
0x48: {  	[sflag:s11] =	ssyncadd.s32 $0xFFFFFF98  }
0x49: {  	[tilespmem:s12], [sflag:$0x8] =	stream.indirect.gather [hbm4b:s7+s3], $0x80, s30, s3, $0xb8;
	[tilespmem:$0x1AC00] =	vst v63  }
0x4a: {  	s25 =	rddreg [dreg:$0x14]  }
0x4b: {  	[tilespmem:s13], [sflag:$0x3] =	stream.linear.gather [hbm4b:s25+s4], $0x68, $0x38;
	[tilespmem:$0x1AC00] =	vst v63  }
0x4c: {  	s26 =	rddreg [dreg:$0x15]  }
0x4d: {  	[tilespmem:s14], [sflag:$0x6] =	stream.linear.gather [hbm4b:s26+s4], $0x68, $0x38;
	[tilespmem:$0x1AC00] =	vst v63  }
0x4e: {  	_ =	swait.ge [sflag:s15], $0x68  }
0x4f: {  	[sflag:s15] =	ssyncset.done $0x0  }
0x50: {  	[sflag:s15] =	ssyncadd.s32 $0xFFFFFF98  }
0x51: {  	_ =	swait.ge [sflag:s16], $0x3400  }
0x52: {  	[sflag:s16] =	ssyncset.done $0x0  }
0x53: {  	[sflag:s16] =	ssyncadd.s32 $0xFFFFCC00  }
0x54: {  	[spmem:s2] =	stream.indirect.scatter.add.f32 [tilespmem:s12], [sflag:$0xA], $0x80, s31, s3, $0xb8;
	[tilespmem:$0x1AC00] =	vst v63  }
0x55: {  	_ =	swait.ge [sflag:s17], $0x3400  }
0x56: {  	[sflag:s17] =	ssyncset.done $0x0  }
0x57: {  	[sflag:s17] =	ssyncadd.s32 $0xFFFFCC00  }
0x58: {  	_ =	swait.ge [sflag:s18], $0x68  }
0x59: {  	[sflag:s18] =	ssyncset.done $0x0  }
0x5a: {  	s9 =	rddreg [dreg:$0xd];
	[sflag:s18] =	ssyncadd.s32 $0xFFFFFF98  }
0x5b: {  	[tilespmem:s1], [sflag:$0x7] =	stream.indirect.gather [hbm4b:s7+s3], $0x80, s13, s3, $0xb8;
	[tilespmem:$0x1AC00] =	vst v63  }
0x5c: {  	s24 =	rddreg [dreg:$0xc];
	s23 =	sadd.s32 $0x0, s9  }
0x5d: {  	[tilespmem:s4], [sflag:$0x1] =	stream.linear.gather [hbm4b:s23+s4], $0x68, $0x38;
	[tilespmem:$0x1AC00] =	vst v63  }
0x5e: {  	s25 =	sadd.s32 $0x0, s24  }
0x5f: {  	[tilespmem:s29], [sflag:$0x4] =	stream.linear.gather [hbm4b:s25+s4], $0x68, $0x38;
	[tilespmem:$0x1AC00] =	vst v63  }
0x60: {  	_ =	swait.ge [sflag:s19], $0x68  }
0x61: {  	[sflag:s19] =	ssyncset.done $0x0  }
0x62: {  	[sflag:s19] =	ssyncadd.s32 $0xFFFFFF98  }
0x63: {  	_ =	swait.ge [sflag:s10], $0x3400  }
0x64: {  	[sflag:s10] =	ssyncset.done $0x0  }
0x65: {  	[sflag:s10] =	ssyncadd.s32 $0xFFFFCC00  }
0x66: {  	[spmem:s2] =	stream.indirect.scatter.add.f32 [tilespmem:s1], [sflag:$0x9], $0x80, s14, s3, $0xb8;
	[tilespmem:$0x1AC00] =	vst v63  }
0x67: {  	_ =	swait.ge [sflag:s20], $0x3400  }
0x68: {  	[sflag:s20] =	ssyncset.done $0x0  }
0x69: {  	[sflag:s20] =	ssyncadd.s32 $0xFFFFCC00  }
0x6a: {  	_ =	swait.ge [sflag:s0], $0x68  }
0x6b: {  	[sflag:s0] =	ssyncset.done $0x0  }
0x6c: {  	s26 =	rddreg [dreg:$0xb];
	[sflag:s0] =	ssyncadd.s32 $0xFFFFFF98  }
0x6d: {  	[tilespmem:s12], [sflag:$0x8] =	stream.indirect.gather [hbm4b:s7+s3], $0x80, s4, s3, $0xb8;
	[tilespmem:$0x1AC00] =	vst v63  }
0x6e: {  	s9 =	rddreg [dreg:$0xa];
	s23 =	sadd.s32 $0x0, s26  }
0x6f: {  	[tilespmem:s30], [sflag:$0x2] =	stream.linear.gather [hbm4b:s23+s4], $0x68, $0x38;
	[tilespmem:$0x1AC00] =	vst v63  }
0x70: {  	s25 =	sadd.s32 $0x0, s9  }
0x71: {  	[tilespmem:s31], [sflag:$0x5] =	stream.linear.gather [hbm4b:s25+s4], $0x68, $0x38;
	[tilespmem:$0x1AC00] =	vst v63  }
0x72: {  	_ =	swait.ge [sflag:s8], $0x68  }
0x73: {  	[sflag:s8] =	ssyncset.done $0x0  }
0x74: {  	[sflag:s8] =	ssyncadd.s32 $0xFFFFFF98  }
0x75: {  	_ =	swait.ge [sflag:s16], $0x3400  }
0x76: {  	[sflag:s16] =	ssyncset.done $0x0  }
0x77: {  	[sflag:s16] =	ssyncadd.s32 $0xFFFFCC00  }
0x78: {  	[spmem:s2] =	stream.indirect.scatter.add.f32 [tilespmem:s12], [sflag:$0xA], $0x80, s29, s3, $0xb8;
	[tilespmem:$0x1AC00] =	vst v63  }
0x79: {  	_ =	swait.ge [sflag:s17], $0x3400  }
0x7a: {  	[sflag:s17] =	ssyncset.done $0x0  }
0x7b: {  	[sflag:s17] =	ssyncadd.s32 $0xFFFFCC00  }
0x7c: {  	_ =	swait.ge [sflag:s11], $0x68  }
0x7d: {  	[sflag:s11] =	ssyncset.done $0x0  }
0x7e: {  	s26 =	rddreg [dreg:$0x9];
	[sflag:s11] =	ssyncadd.s32 $0xFFFFFF98  }
0x7f: {  	[tilespmem:s1], [sflag:$0x7] =	stream.indirect.gather [hbm4b:s7+s3], $0x80, s30, s3, $0xb8;
	[tilespmem:$0x1AC00] =	vst v63  }
0x80: {  	s9 =	rddreg [dreg:$0x8];
	s23 =	sadd.s32 $0x0, s26  }
0x81: {  	[tilespmem:s13], [sflag:$0x3] =	stream.linear.gather [hbm4b:s23+s4], $0x68, $0x38;
	[tilespmem:$0x1AC00] =	vst v63  }
0x82: {  	s24 =	sadd.s32 $0x0, s9  }
0x83: {  	[tilespmem:s14], [sflag:$0x6] =	stream.linear.gather [hbm4b:s24+s4], $0x68, $0x38;
	[tilespmem:$0x1AC00] =	vst v63  }
0x84: {  	_ =	swait.ge [sflag:s15], $0x68  }
0x85: {  	[sflag:s15] =	ssyncset.done $0x0  }
0x86: {  	[sflag:s15] =	ssyncadd.s32 $0xFFFFFF98  }
0x87: {  	_ =	swait.ge [sflag:s10], $0x3400  }
0x88: {  	[sflag:s10] =	ssyncset.done $0x0  }
0x89: {  	[sflag:s10] =	ssyncadd.s32 $0xFFFFCC00  }
0x8a: {  	[spmem:s2] =	stream.indirect.scatter.add.f32 [tilespmem:s1], [sflag:$0x9], $0x80, s31, s3, $0xb8;
	[tilespmem:$0x1AC00] =	vst v63  }
0x8b: {  	_ =	swait.ge [sflag:s20], $0x3400  }
0x8c: {  	[sflag:s20] =	ssyncset.done $0x0  }
0x8d: {  	[sflag:s20] =	ssyncadd.s32 $0xFFFFCC00  }
0x8e: {  	_ =	swait.ge [sflag:s18], $0x68  }
0x8f: {  	[sflag:s18] =	ssyncset.done $0x0;
	s9 =	sld [smem:$0x7FD]  }
0x90: {  	[sflag:s18] =	ssyncadd.s32 $0xFFFFFF98  }
0x91: {  	[tilespmem:s12], [sflag:$0x8] =	stream.indirect.gather [hbm4b:s7+s3], $0x80, s13, s3, $0xb8;
	[tilespmem:$0x1AC00] =	vst v63  }
0x92: {  	s25 =	sshrl.u32 s9, $0x3  }
0x93: {  	s26 =	sadd.s32 s5, s25  }
0x94: {  	[tilespmem:s4], [sflag:$0x1] =	stream.linear.gather [hbm4b:s26+s4], $0x68, $0x38;
	[tilespmem:$0x1AC00] =	vst v63  }
0x95: {  	s23 =	sadd.s32 s6, s25  }
0x96: {  	[tilespmem:s29], [sflag:$0x4] =	stream.linear.gather [hbm4b:s23+s4], $0x68, $0x38;
	[tilespmem:$0x1AC00] =	vst v63  }
0x97: {  	_ =	swait.ge [sflag:s19], $0x68  }
0x98: {  	[sflag:s19] =	ssyncset.done $0x0  }
0x99: {  	[sflag:s19] =	ssyncadd.s32 $0xFFFFFF98  }
0x9a: {  	_ =	swait.ge [sflag:s16], $0x3400  }
0x9b: {  	[sflag:s16] =	ssyncset.done $0x0  }
0x9c: {  	[sflag:s16] =	ssyncadd.s32 $0xFFFFCC00  }
0x9d: {  	[spmem:s2] =	stream.indirect.scatter.add.f32 [tilespmem:s12], [sflag:$0xA], $0x80, s14, s3, $0xb8;
	[tilespmem:$0x1AC00] =	vst v63  }
0x9e: {  	_ =	swait.ge [sflag:s17], $0x3400  }
0x9f: {  	[sflag:s17] =	ssyncset.done $0x0  }
0xa0: {  	[sflag:s17] =	ssyncadd.s32 $0xFFFFCC00  }
0xa1: {  	_ =	swait.ge [sflag:s0], $0x68  }
0xa2: {  	[sflag:s0] =	ssyncset.done $0x0  }
0xa3: {  	s25 =	rddreg [dreg:$0x7];
	[sflag:s0] =	ssyncadd.s32 $0xFFFFFF98  }
0xa4: {  	[tilespmem:s1], [sflag:$0x7] =	stream.indirect.gather [hbm4b:s7+s3], $0x80, s4, s3, $0xb8;
	[tilespmem:$0x1AC00] =	vst v63  }
0xa5: {  	s26 =	rddreg [dreg:$0x6];
	s23 =	sadd.s32 $0x0, s25  }
0xa6: {  	[tilespmem:s30], [sflag:$0x2] =	stream.linear.gather [hbm4b:s23+s4], $0x68, $0x38;
	[tilespmem:$0x1AC00] =	vst v63  }
0xa7: {  	s25 =	sadd.s32 $0x0, s26  }
0xa8: {  	[tilespmem:s31], [sflag:$0x5] =	stream.linear.gather [hbm4b:s25+s4], $0x68, $0x38;
	[tilespmem:$0x1AC00] =	vst v63  }
0xa9: {  	_ =	swait.ge [sflag:s8], $0x68  }
0xaa: {  	[sflag:s8] =	ssyncset.done $0x0  }
0xab: {  	[sflag:s8] =	ssyncadd.s32 $0xFFFFFF98  }
0xac: {  	_ =	swait.ge [sflag:s10], $0x3400  }
0xad: {  	[sflag:s10] =	ssyncset.done $0x0  }
0xae: {  	[sflag:s10] =	ssyncadd.s32 $0xFFFFCC00  }
0xaf: {  	[spmem:s2] =	stream.indirect.scatter.add.f32 [tilespmem:s1], [sflag:$0x9], $0x80, s29, s3, $0xb8;
	[tilespmem:$0x1AC00] =	vst v63  }
0xb0: {  	_ =	swait.ge [sflag:s20], $0x3400  }
0xb1: {  	[sflag:s20] =	ssyncset.done $0x0  }
0xb2: {  	[sflag:s20] =	ssyncadd.s32 $0xFFFFCC00  }
0xb3: {  	_ =	swait.ge [sflag:s11], $0x68  }
0xb4: {  	[sflag:s11] =	ssyncset.done $0x0  }
0xb5: {  	s26 =	rddreg [dreg:$0x5];
	[sflag:s11] =	ssyncadd.s32 $0xFFFFFF98  }
0xb6: {  	[tilespmem:s12], [sflag:$0x8] =	stream.indirect.gather [hbm4b:s7+s3], $0x80, s30, s3, $0xb8;
	[tilespmem:$0x1AC00] =	vst v63  }
0xb7: {  	s25 =	rddreg [dreg:$0x4];
	s23 =	sadd.s32 $0x0, s26  }
0xb8: {  	[tilespmem:s13], [sflag:$0x3] =	stream.linear.gather [hbm4b:s23+s4], $0x68, $0x38;
	[tilespmem:$0x1AC00] =	vst v63  }
0xb9: {  	s24 =	simm.s32 $0x4E;
	s25 =	sadd.s32 $0x0, s25;
	s23 =	sadd.s32 $0x270, s9  }
.LBB2_2:
0xba: {  	[tilespmem:s14], [sflag:$0x6] =	stream.linear.gather [hbm4b:s25+s4], $0x68, $0x38;
	[tilespmem:$0x1AC00] =	vst v63  }
0xbb: {  	_ =	swait.ge [sflag:s15], $0x68  }
0xbc: {  	[sflag:s15] =	ssyncset.done $0x0  }
0xbd: {  	[sflag:s15] =	ssyncadd.s32 $0xFFFFFF98  }
0xbe: {  	_ =	swait.ge [sflag:s16], $0x3400  }
0xbf: {  	[sflag:s16] =	ssyncset.done $0x0  }
0xc0: {  	[sflag:s16] =	ssyncadd.s32 $0xFFFFCC00  }
0xc1: {  	[spmem:s2] =	stream.indirect.scatter.add.f32 [tilespmem:s12], [sflag:$0xA], $0x80, s31, s3, $0xb8;
	[tilespmem:$0x1AC00] =	vst v63  }
0xc2: {  	_ =	swait.ge [sflag:s17], $0x3400  }
0xc3: {  	[sflag:s17] =	ssyncset.done $0x0  }
0xc4: {  	[sflag:s17] =	ssyncadd.s32 $0xFFFFCC00  }
0xc5: {  	_ =	swait.ge [sflag:s18], $0x68  }
0xc6: {  	[sflag:s18] =	ssyncset.done $0x0  }
0xc7: {  	s25 =	smov.u32 s24;
	s9 =	rddreg [dreg:$0xd];
	[sflag:s18] =	ssyncadd.s32 $0xFFFFFF98  }
0xc8: {  	[tilespmem:s1], [sflag:$0x7] =	stream.indirect.gather [hbm4b:s7+s3], $0x80, s13, s3, $0xb8;
	[tilespmem:$0x1AC00] =	vst v63  }
0xc9: {  	s26 =	rddreg [dreg:$0xc];
	s9 =	sadd.s32 s25, s9  }
0xca: {  	[tilespmem:s4], [sflag:$0x1] =	stream.linear.gather [hbm4b:s9+s4], $0x68, $0x38;
	[tilespmem:$0x1AC00] =	vst v63  }
0xcb: {  	s26 =	sadd.s32 s25, s26  }
0xcc: {  	[tilespmem:s29], [sflag:$0x4] =	stream.linear.gather [hbm4b:s26+s4], $0x68, $0x38;
	[tilespmem:$0x1AC00] =	vst v63  }
0xcd: {  	_ =	swait.ge [sflag:s19], $0x68  }
0xce: {  	[sflag:s19] =	ssyncset.done $0x0  }
0xcf: {  	[sflag:s19] =	ssyncadd.s32 $0xFFFFFF98  }
0xd0: {  	_ =	swait.ge [sflag:s10], $0x3400  }
0xd1: {  	[sflag:s10] =	ssyncset.done $0x0  }
0xd2: {  	[sflag:s10] =	ssyncadd.s32 $0xFFFFCC00  }
0xd3: {  	[spmem:s2] =	stream.indirect.scatter.add.f32 [tilespmem:s1], [sflag:$0x9], $0x80, s14, s3, $0xb8;
	[tilespmem:$0x1AC00] =	vst v63  }
0xd4: {  	_ =	swait.ge [sflag:s20], $0x3400  }
0xd5: {  	[sflag:s20] =	ssyncset.done $0x0  }
0xd6: {  	[sflag:s20] =	ssyncadd.s32 $0xFFFFCC00  }
0xd7: {  	_ =	swait.ge [sflag:s0], $0x68  }
0xd8: {  	[sflag:s0] =	ssyncset.done $0x0  }
0xd9: {  	s9 =	rddreg [dreg:$0xb];
	[sflag:s0] =	ssyncadd.s32 $0xFFFFFF98  }
0xda: {  	[tilespmem:s12], [sflag:$0x8] =	stream.indirect.gather [hbm4b:s7+s3], $0x80, s4, s3, $0xb8;
	[tilespmem:$0x1AC00] =	vst v63  }
0xdb: {  	s26 =	rddreg [dreg:$0xa];
	s9 =	sadd.s32 s25, s9  }
0xdc: {  	[tilespmem:s30], [sflag:$0x2] =	stream.linear.gather [hbm4b:s9+s4], $0x68, $0x38;
	[tilespmem:$0x1AC00] =	vst v63  }
0xdd: {  	s26 =	sadd.s32 s25, s26  }
0xde: {  	[tilespmem:s31], [sflag:$0x5] =	stream.linear.gather [hbm4b:s26+s4], $0x68, $0x38;
	[tilespmem:$0x1AC00] =	vst v63  }
0xdf: {  	_ =	swait.ge [sflag:s8], $0x68  }
0xe0: {  	[sflag:s8] =	ssyncset.done $0x0  }
0xe1: {  	[sflag:s8] =	ssyncadd.s32 $0xFFFFFF98  }
0xe2: {  	_ =	swait.ge [sflag:s16], $0x3400  }
0xe3: {  	[sflag:s16] =	ssyncset.done $0x0  }
0xe4: {  	[sflag:s16] =	ssyncadd.s32 $0xFFFFCC00  }
0xe5: {  	[spmem:s2] =	stream.indirect.scatter.add.f32 [tilespmem:s12], [sflag:$0xA], $0x80, s29, s3, $0xb8;
	[tilespmem:$0x1AC00] =	vst v63  }
0xe6: {  	_ =	swait.ge [sflag:s17], $0x3400  }
0xe7: {  	[sflag:s17] =	ssyncset.done $0x0  }
0xe8: {  	[sflag:s17] =	ssyncadd.s32 $0xFFFFCC00  }
0xe9: {  	_ =	swait.ge [sflag:s11], $0x68  }
0xea: {  	[sflag:s11] =	ssyncset.done $0x0  }
0xeb: {  	s9 =	rddreg [dreg:$0x9];
	[sflag:s11] =	ssyncadd.s32 $0xFFFFFF98  }
0xec: {  	[tilespmem:s1], [sflag:$0x7] =	stream.indirect.gather [hbm4b:s7+s3], $0x80, s30, s3, $0xb8;
	[tilespmem:$0x1AC00] =	vst v63  }
0xed: {  	s26 =	rddreg [dreg:$0x8];
	s9 =	sadd.s32 s25, s9  }
0xee: {  	[tilespmem:s13], [sflag:$0x3] =	stream.linear.gather [hbm4b:s9+s4], $0x68, $0x38;
	[tilespmem:$0x1AC00] =	vst v63  }
0xef: {  	s26 =	sadd.s32 s25, s26  }
0xf0: {  	[tilespmem:s14], [sflag:$0x6] =	stream.linear.gather [hbm4b:s26+s4], $0x68, $0x38;
	[tilespmem:$0x1AC00] =	vst v63  }
0xf1: {  	_ =	swait.ge [sflag:s15], $0x68  }
0xf2: {  	[sflag:s15] =	ssyncset.done $0x0  }
0xf3: {  	[sflag:s15] =	ssyncadd.s32 $0xFFFFFF98  }
0xf4: {  	_ =	swait.ge [sflag:s10], $0x3400  }
0xf5: {  	[sflag:s10] =	ssyncset.done $0x0  }
0xf6: {  	[sflag:s10] =	ssyncadd.s32 $0xFFFFCC00  }
0xf7: {  	[spmem:s2] =	stream.indirect.scatter.add.f32 [tilespmem:s1], [sflag:$0x9], $0x80, s31, s3, $0xb8;
	[tilespmem:$0x1AC00] =	vst v63  }
0xf8: {  	_ =	swait.ge [sflag:s20], $0x3400  }
0xf9: {  	[sflag:s20] =	ssyncset.done $0x0  }
0xfa: {  	[sflag:s20] =	ssyncadd.s32 $0xFFFFCC00  }
0xfb: {  	_ =	swait.ge [sflag:s18], $0x68  }
0xfc: {  	[sflag:s18] =	ssyncset.done $0x0  }
0xfd: {  	s9 =	sshrl.u32 s23, $0x3;
	[sflag:s18] =	ssyncadd.s32 $0xFFFFFF98  }
0xfe: {  	[tilespmem:s12], [sflag:$0x8] =	stream.indirect.gather [hbm4b:s7+s3], $0x80, s13, s3, $0xb8;
	[tilespmem:$0x1AC00] =	vst v63  }
0xff: {  	s26 =	sadd.s32 s5, s9  }
0x100: {  	[tilespmem:s4], [sflag:$0x1] =	stream.linear.gather [hbm4b:s26+s4], $0x68, $0x38;
	[tilespmem:$0x1AC00] =	vst v63  }
0x101: {  	s9 =	sadd.s32 s6, s9  }
0x102: {  	[tilespmem:s29], [sflag:$0x4] =	stream.linear.gather [hbm4b:s9+s4], $0x68, $0x38;
	[tilespmem:$0x1AC00] =	vst v63  }
0x103: {  	_ =	swait.ge [sflag:s19], $0x68  }
0x104: {  	[sflag:s19] =	ssyncset.done $0x0  }
0x105: {  	[sflag:s19] =	ssyncadd.s32 $0xFFFFFF98  }
0x106: {  	_ =	swait.ge [sflag:s16], $0x3400  }
0x107: {  	[sflag:s16] =	ssyncset.done $0x0  }
0x108: {  	[sflag:s16] =	ssyncadd.s32 $0xFFFFCC00  }
0x109: {  	[spmem:s2] =	stream.indirect.scatter.add.f32 [tilespmem:s12], [sflag:$0xA], $0x80, s14, s3, $0xb8;
	[tilespmem:$0x1AC00] =	vst v63  }
0x10a: {  	_ =	swait.ge [sflag:s17], $0x3400  }
0x10b: {  	[sflag:s17] =	ssyncset.done $0x0  }
0x10c: {  	[sflag:s17] =	ssyncadd.s32 $0xFFFFCC00  }
0x10d: {  	_ =	swait.ge [sflag:s0], $0x68  }
0x10e: {  	[sflag:s0] =	ssyncset.done $0x0  }
0x10f: {  	s9 =	rddreg [dreg:$0x7];
	[sflag:s0] =	ssyncadd.s32 $0xFFFFFF98  }
0x110: {  	[tilespmem:s1], [sflag:$0x7] =	stream.indirect.gather [hbm4b:s7+s3], $0x80, s4, s3, $0xb8;
	[tilespmem:$0x1AC00] =	vst v63  }
0x111: {  	s26 =	rddreg [dreg:$0x6];
	s9 =	sadd.s32 s25, s9  }
0x112: {  	[tilespmem:s30], [sflag:$0x2] =	stream.linear.gather [hbm4b:s9+s4], $0x68, $0x38;
	[tilespmem:$0x1AC00] =	vst v63  }
0x113: {  	s26 =	sadd.s32 s25, s26  }
0x114: {  	[tilespmem:s31], [sflag:$0x5] =	stream.linear.gather [hbm4b:s26+s4], $0x68, $0x38;
	[tilespmem:$0x1AC00] =	vst v63  }
0x115: {  	_ =	swait.ge [sflag:s8], $0x68  }
0x116: {  	[sflag:s8] =	ssyncset.done $0x0  }
0x117: {  	[sflag:s8] =	ssyncadd.s32 $0xFFFFFF98  }
0x118: {  	_ =	swait.ge [sflag:s10], $0x3400  }
0x119: {  	[sflag:s10] =	ssyncset.done $0x0  }
0x11a: {  	[sflag:s10] =	ssyncadd.s32 $0xFFFFCC00  }
0x11b: {  	[spmem:s2] =	stream.indirect.scatter.add.f32 [tilespmem:s1], [sflag:$0x9], $0x80, s29, s3, $0xb8;
	[tilespmem:$0x1AC00] =	vst v63  }
0x11c: {  	_ =	swait.ge [sflag:s20], $0x3400  }
0x11d: {  	[sflag:s20] =	ssyncset.done $0x0  }
0x11e: {  	[sflag:s20] =	ssyncadd.s32 $0xFFFFCC00  }
0x11f: {  	p0 =	sne.s32 s24, $0x444;
	_ =	swait.ge [sflag:s11], $0x68  }
.Ltmp0:
0x120: {  	[sflag:s11] =	ssyncset.done $0x0;
	s9 =	rddreg [dreg:$0x5];
	(pc) =	sbr.rel @p0 .LBB2_2-.Ltmp0, $4  }
0x121: {  	s24 =	sadd.s32 $0x4E, s24;
	s26 =	rddreg [dreg:$0x4];
	[sflag:s11] =	ssyncadd.s32 $0xFFFFFF98  }
0x122: {  	[tilespmem:s12], [sflag:$0x8] =	stream.indirect.gather [hbm4b:s7+s3], $0x80, s30, s3, $0xb8;
	[tilespmem:$0x1AC00] =	vst v63  }
0x123: {  	s23 =	sadd.s32 $0x270, s23;
	s9 =	sadd.s32 s25, s9;
	s25 =	sadd.s32 s25, s26  }
0x124: {  	[tilespmem:s13], [sflag:$0x3] =	stream.linear.gather [hbm4b:s9+s4], $0x68, $0x38;
	[tilespmem:$0x1AC00] =	vst v63  }
0x125: {  	[tilespmem:s14], [sflag:$0x6] =	stream.linear.gather [hbm4b:s25+s4], $0x68, $0x38;
	[tilespmem:$0x1AC00] =	vst v63  }
0x126: {  	_ =	swait.ge [sflag:s15], $0x68  }
0x127: {  	[sflag:s15] =	ssyncset.done $0x0  }
0x128: {  	[sflag:s15] =	ssyncadd.s32 $0xFFFFFF98  }
0x129: {  	_ =	swait.ge [sflag:s16], $0x3400  }
0x12a: {  	[sflag:s16] =	ssyncset.done $0x0  }
0x12b: {  	[sflag:s16] =	ssyncadd.s32 $0xFFFFCC00  }
0x12c: {  	[spmem:s2] =	stream.indirect.scatter.add.f32 [tilespmem:s12], [sflag:$0xA], $0x80, s31, s3, $0xb8;
	[tilespmem:$0x1AC00] =	vst v63  }
0x12d: {  	_ =	swait.ge [sflag:s17], $0x3400  }
0x12e: {  	[sflag:s17] =	ssyncset.done $0x0  }
0x12f: {  	[sflag:s17] =	ssyncadd.s32 $0xFFFFCC00  }
0x130: {  	_ =	swait.ge [sflag:s18], $0x68  }
0x131: {  	[sflag:s18] =	ssyncset.done $0x0  }
0x132: {  	[sflag:s18] =	ssyncadd.s32 $0xFFFFFF98  }
0x133: {  	[tilespmem:s1], [sflag:$0x7] =	stream.indirect.gather [hbm4b:s7+s3], $0x80, s13, s3, $0xb8;
	[tilespmem:$0x1AC00] =	vst v63  }
0x134: {  	s9 =	rddreg [dreg:$0x16]  }
0x135: {  	[tilespmem:s4], [sflag:$0x1] =	stream.linear.gather [hbm4b:s9+s4], $0x68, $0x38;
	[tilespmem:$0x1AC00] =	vst v63  }
0x136: {  	s23 =	rddreg [dreg:$0x17]  }
0x137: {  	[tilespmem:s29], [sflag:$0x4] =	stream.linear.gather [hbm4b:s23+s4], $0x68, $0x38;
	[tilespmem:$0x1AC00] =	vst v63  }
0x138: {  	_ =	swait.ge [sflag:s19], $0x68  }
0x139: {  	[sflag:s19] =	ssyncset.done $0x0  }
0x13a: {  	[sflag:s19] =	ssyncadd.s32 $0xFFFFFF98  }
0x13b: {  	_ =	swait.ge [sflag:s10], $0x3400  }
0x13c: {  	[sflag:s10] =	ssyncset.done $0x0  }
0x13d: {  	[sflag:s10] =	ssyncadd.s32 $0xFFFFCC00  }
0x13e: {  	[spmem:s2] =	stream.indirect.scatter.add.f32 [tilespmem:s1], [sflag:$0x9], $0x80, s14, s3, $0xb8;
	[tilespmem:$0x1AC00] =	vst v63  }
0x13f: {  	_ =	swait.ge [sflag:s20], $0x3400  }
0x140: {  	[sflag:s20] =	ssyncset.done $0x0  }
0x141: {  	[sflag:s20] =	ssyncadd.s32 $0xFFFFCC00  }
0x142: {  	_ =	swait.ge [sflag:s0], $0x68  }
0x143: {  	[sflag:s0] =	ssyncset.done $0x0  }
0x144: {  	[sflag:s0] =	ssyncadd.s32 $0xFFFFFF98  }
0x145: {  	[tilespmem:s12], [sflag:$0x8] =	stream.indirect.gather [hbm4b:s7+s3], $0x80, s4, s3, $0xb8;
	[tilespmem:$0x1AC00] =	vst v63  }
0x146: {  	s24 =	rddreg [dreg:$0x18]  }
0x147: {  	[tilespmem:s30], [sflag:$0x2] =	stream.linear.gather [hbm4b:s24+s4], $0x68, $0x38;
	[tilespmem:$0x1AC00] =	vst v63  }
0x148: {  	s25 =	rddreg [dreg:$0x19]  }
0x149: {  	[tilespmem:s31], [sflag:$0x5] =	stream.linear.gather [hbm4b:s25+s4], $0x68, $0x38;
	[tilespmem:$0x1AC00] =	vst v63  }
0x14a: {  	_ =	swait.ge [sflag:s8], $0x68  }
0x14b: {  	[sflag:s8] =	ssyncset.done $0x0  }
0x14c: {  	[sflag:s8] =	ssyncadd.s32 $0xFFFFFF98  }
0x14d: {  	_ =	swait.ge [sflag:s16], $0x3400  }
0x14e: {  	[sflag:s16] =	ssyncset.done $0x0  }
0x14f: {  	[sflag:s16] =	ssyncadd.s32 $0xFFFFCC00  }
0x150: {  	[spmem:s2] =	stream.indirect.scatter.add.f32 [tilespmem:s12], [sflag:$0xA], $0x80, s29, s3, $0xb8;
	[tilespmem:$0x1AC00] =	vst v63  }
0x151: {  	_ =	swait.ge [sflag:s17], $0x3400  }
0x152: {  	[sflag:s17] =	ssyncset.done $0x0  }
0x153: {  	[sflag:s17] =	ssyncadd.s32 $0xFFFFCC00  }
0x154: {  	_ =	swait.ge [sflag:s11], $0x68  }
0x155: {  	[sflag:s11] =	ssyncset.done $0x0  }
0x156: {  	[sflag:s11] =	ssyncadd.s32 $0xFFFFFF98  }
0x157: {  	[tilespmem:s1], [sflag:$0x7] =	stream.indirect.gather [hbm4b:s7+s3], $0x80, s30, s3, $0xb8;
	[tilespmem:$0x1AC00] =	vst v63  }
0x158: {  	s26 =	rddreg [dreg:$0x1a]  }
0x159: {  	[tilespmem:s13], [sflag:$0x3] =	stream.linear.gather [hbm4b:s26+s4], $0x68, $0x38;
	[tilespmem:$0x1AC00] =	vst v63  }
0x15a: {  	s23 =	rddreg [dreg:$0x1b]  }
0x15b: {  	[tilespmem:s14], [sflag:$0x6] =	stream.linear.gather [hbm4b:s23+s4], $0x68, $0x38;
	[tilespmem:$0x1AC00] =	vst v63  }
0x15c: {  	_ =	swait.ge [sflag:s15], $0x68  }
0x15d: {  	[sflag:s15] =	ssyncset.done $0x0  }
0x15e: {  	[sflag:s15] =	ssyncadd.s32 $0xFFFFFF98  }
0x15f: {  	_ =	swait.ge [sflag:s10], $0x3400  }
0x160: {  	[sflag:s10] =	ssyncset.done $0x0  }
0x161: {  	[sflag:s10] =	ssyncadd.s32 $0xFFFFCC00  }
0x162: {  	[spmem:s2] =	stream.indirect.scatter.add.f32 [tilespmem:s1], [sflag:$0x9], $0x80, s31, s3, $0xb8;
	[tilespmem:$0x1AC00] =	vst v63  }
0x163: {  	_ =	swait.ge [sflag:s20], $0x3400  }
0x164: {  	[sflag:s20] =	ssyncset.done $0x0  }
0x165: {  	[sflag:s20] =	ssyncadd.s32 $0xFFFFCC00  }
0x166: {  	_ =	swait.ge [sflag:s18], $0x68  }
0x167: {  	[sflag:s18] =	ssyncset.done $0x0  }
0x168: {  	[sflag:s18] =	ssyncadd.s32 $0xFFFFFF98  }
0x169: {  	[tilespmem:s12], [sflag:$0x8] =	stream.indirect.gather [hbm4b:s7+s3], $0x80, s13, s3, $0xb8;
	[tilespmem:$0x1AC00] =	vst v63  }
0x16a: {  	s23 =	simm.s32 $0x300;
	s24 =	rddreg [dreg:$0x1c]  }
0x16b: {  	[tilespmem:s23], [sflag:$0xB] =	stream.linear.gather [hbm4b:s24+s4], $0x10, $0x38;
	[tilespmem:$0x1AC00] =	vst v63  }
0x16c: {  	s25 =	rddreg [dreg:$0x1d];
	s24 =	simm.s32 $0x380  }
0x16d: {  	[tilespmem:s24], [sflag:$0xC] =	stream.linear.gather [hbm4b:s25+s4], $0x10, $0x38;
	[tilespmem:$0x1AC00] =	vst v63  }
0x16e: {  	_ =	swait.ge [sflag:s19], $0x68  }
0x16f: {  	[sflag:s19] =	ssyncset.done $0x0  }
0x170: {  	[sflag:s19] =	ssyncadd.s32 $0xFFFFFF98  }
0x171: {  	_ =	swait.ge [sflag:s16], $0x3400  }
0x172: {  	[sflag:s16] =	ssyncset.done $0x0  }
0x173: {  	[sflag:s16] =	ssyncadd.s32 $0xFFFFCC00  }
0x174: {  	[spmem:s2] =	stream.indirect.scatter.add.f32 [tilespmem:s12], [sflag:$0xA], $0x80, s14, s3, $0xb8;
	[tilespmem:$0x1AC00] =	vst v63  }
0x175: {  	_ =	swait.ge [sflag:s17], $0x3400  }
0x176: {  	[sflag:s17] =	ssyncset.done $0x0  }
0x177: {  	s26 =	simm.s32 $0xB;
	[sflag:s17] =	ssyncadd.s32 $0xFFFFCC00  }
0x178: {  	_ =	swait.ge [sflag:s26], $0x10  }
0x179: {  	[sflag:s26] =	ssyncset.done $0x0  }
0x17a: {  	s25 =	simm.s32 $0x10;
	[sflag:s26] =	ssyncadd.s32 $0xFFFFFFF0;
	s26 =	simm.s32 $0xC  }
0x17b: {  	[tilespmem:s1], [sflag:$0x7] =	stream.indirect.gather [hbm4b:s7+s25], $0x80, s23, s25, $0xb8;
	[tilespmem:$0x1AC00] =	vst v63  }
0x17c: {  	_ =	swait.ge [sflag:s26], $0x10  }
0x17d: {  	[sflag:s26] =	ssyncset.done $0x0  }
0x17e: {  	[sflag:s26] =	ssyncadd.s32 $0xFFFFFFF0  }
0x17f: {  	_ =	swait.ge [sflag:s10], $0x800  }
0x180: {  	[sflag:s10] =	ssyncset.done $0x0  }
0x181: {  	[sflag:s10] =	ssyncadd.s32 $0xFFFFF800  }
0x182: {  	[spmem:s2] =	stream.indirect.scatter.add.f32 [tilespmem:s1], [sflag:$0x9], $0x80, s24, s25, $0xb8;
	[tilespmem:$0x1AC00] =	vst v63  }
0x183: {  	_ =	swait.ge [sflag:s20], $0x3400  }
0x184: {  	[sflag:s20] =	ssyncset.done $0x0  }
0x185: {  	[sflag:s20] =	ssyncadd.s32 $0xFFFFCC00  }
0x186: {  	_ =	swait.ge [sflag:s17], $0x800  }
0x187: {  	[sflag:s17] =	ssyncset.done $0x0  }
0x188: {  	[sflag:s17] =	ssyncadd.s32 $0xFFFFF800  }
0x189: {  	[bflag:$0x0] =	sbarrier.arrive $0xFFFF  }
0x18a: {  	s23 =	rddreg [dreg:$0xf]  }
0x18b: {  	s25 =	rddreg [dreg:$0x1e]  }
0x18c: {  	[hbm:s25], [sflag:s23] =	dma.local [spmem:s22], $0x2800  }
0x18d: {  	_ =	swait.ge [sflag:s28], $0x2800  }
0x18e: {  	s21 =	sadd.s32 $0x1, s21;
	s26 =	rddreg [dreg:$0x1f]  }
0x18f: {  	p0 =	sne.s32 s21, s26  }
.Ltmp1:
0x190: {  	_ = 	snop;
	(pc) =	sbr.rel @p0 .LBB2_1-.Ltmp1, $3  }
0x191: {  	_ =	sdelay $0x1  }
0x192: {  	[sflag:s28] =	ssyncset.done $0x0  }
0x193: {  	[sflag:s28] =	ssyncadd.s32 $0xFFFFD800  }
0x194: {  	_ =	sfence.sel $0x180000  }
0x195: {  	[bflag:$0x0] =	sbarrier.arrive $0xFFFF  }
0x196: {  	_ =	strace $0x9000004A  }
0x197: {  	s0 =	stileid.u32;
	[bflag:$0x2] =	sbarrier.arrive $0xFFFF  }
0x198: {  	p0 =	sne.s32 s0, $0x0;
	s0 =	rddreg [dreg:$0x3]  }
0x199: {  	s0 =	sadd.s32 @!p0 $0x100000, s0  }
0x19a: {  	[sflag:s0] =	ssyncadd.tile.s32 @!p0 $0x1;
	_ =	shalt  }
.Lfunc_end2:
_tile_overlayer_lowered:
.L_overlay_start_2:
0x19b: {  	(tag) =	ssettag $0x2  }
0x19c: {  	s0 =	rddreg [dreg:$0x0];
	s2 =	stileid.u32  }
0x19d: {  	s1 =	rddreg [dreg:$0x1];
	p0 =	sne.s32 s2, $0x0  }
0x19e: {  	s3 =	rddreg [dreg:$0x2];
	[bflag:$0x3] =	sbarrier.arrive $0xFFFF;
	s2 =	simm.s32 @!p0 $0x1C0D  }
0x19f: {  	[timem:s3], [sflag:s2] =	dma.local @!p0 [hbm:s0], s1  }
0x1a0: {  	s0 =	simm.s32 @!p0 $0xD  }
0x1a1: {  	_ =	swait.ge @!p0 [sflag:s0], s1  }
0x1a2: {  	s1 =	ssub.s32 @!p0 $0x0, s1;
	[sflag:s0] =	ssyncset.done @!p0 $0x0  }
0x1a3: {  	[sflag:s0] =	ssyncadd.s32 @!p0 s1  }
0x1a4: {  	[bflag:$0x3] =	sbarrier.arrive $0xFFFF  }
0x1a5: {  	_ =	shalt  }

// kernel: kernel.14.cloned.1.call-start
scs
__scs_entry_jumppad:
0x0: {  	(pc) =	sbr.rel $0x88, $3  }
0x1: {  	(tag) =	ssettag $0x0;
	lr =	simm.s32 $0x1  }
0x2: {  	[smem:$0x3F9B] =	sst lr;
	_ =	strace $0xD0000000  }
0x3: {  	_ = 	snop  }
0x4: {  	_ = 	snop  }
0x5: {  	_ = 	snop  }
0x6: {  	_ = 	snop  }
0x7: {  	_ = 	snop  }
__scs_overlays_trampoline_lowered:
0x8: {  	[smem:$0x3FAA] =	sst s0  }
0x9: {  	[smem:$0x3FAB] =	sst s1  }
0xa: {  	[smem:$0x3FAC] =	sst s2  }
0xb: {  	[smem:$0x3FAD] =	sst s3  }
0xc: {  	[smem:$0x3FAE] =	sst s4  }
0xd: {  	[smem:$0x3FAF] =	sst s5  }
0xe: {  	[smem:$0x3FB0] =	sst s6  }
0xf: {  	[smem:$0x3FB1] =	sst s7  }
0x10: {  	[smem:$0x3FB2] =	sst s8  }
0x11: {  	[smem:$0x3FB3] =	sst s9;
	s0 =	simm.s32 @!p0 $0x0  }
0x12: {  	s1 =	sld [smem:$0x3F99];
	s0 =	simm.s32 @p0 $0x1  }
0x13: {  	[smem:$0x3FB4] =	sst s0;
	s0 =	simm.s32 @!p1 $0x0  }
0x14: {  	s2 =	sld [smem:$0x3F98];
	s0 =	simm.s32 @p1 $0x1  }
0x15: {  	[smem:$0x3FB5] =	sst s0;
	s0 =	simm.s32 @!p2 $0x0  }
0x16: {  	s3 =	sld [smem:$0x3FDB];
	s0 =	simm.s32 @p2 $0x1  }
0x17: {  	s4 =	simm.s32 $0x1BF5;
	[smem:$0x3FB7] =	sst s0  }
0x18: {  	s0 =	sld [smem:$0x3F9A];
	_ =	swait.ge [sflag:s4], $0x0  }
0x19: {  	s7 =	sld [smem:$0x3F9B]  }
0x1a: {  	s8 =	sadd.s32 $0xFFFFE003, lr  }
0x1b: {  	s9 =	sadd.s32 $0xFFFFFEF7, lr;
	s5 =	simm.s32 $0xFFFFFFFF;
	p2 =	slt.u32 s8, $0xFFFFF086  }
0x1c: {  	p1 =	slt.u32 s9, $0xF7A;
	s5 =	simm.s32 @!p2 $0x0  }
0x1d: {  	s5 =	simm.s32 @p1 $0x1;
	p0 =	seq.s32 s7, s2  }
0x1e: {  	s7 =	smul.u32 @!p0 $0xF7A, s2;
	p2 =	seq.s32 @!p0 s5, $0x0  }
0x1f: {  	s9 =	smul.u32 $0xF7A, s1;
	s8 =	simm.s32 @!p0 $0x1BF5;
	p2 =	por !p2, p0  }
0x20: {  	[sflag:s8] =	ssyncset.s32 @!p0 $0xFFFFF086;
	s6 =	sadd.s32 @!p0 s3, s7;
	s7 =	simm.s32 @!p0 $0x108  }
0x21: {  	s3 =	sadd.s32 s3, s9;
	s6 =	sadd.s32 @!p0 $0x88, s6;
	s7 =	simm.s32 @p2 $0x1082  }
0x22: {  	[simem:s7], [sflag:s8] =	dma.local @!p0 [hbm:s6], $0xF7A  }
0x23: {  	s9 =	sor.u32 $0xD0000000, s2;
	s6 =	simm.s32 $0x108;
	_ =	swait.ge @!p0 [sflag:s8], $0x0  }
0x24: {  	s3 =	sadd.s32 $0x88, s3;
	s6 =	simm.s32 @!p1 $0x1082;
	[sflag:s4] =	ssyncset.s32 $0xFFFFF086  }
0x25: {  	[simem:s6], [sflag:s4] =	dma.local [hbm:s3], $0xF7A  }
0x26: {  	[smem:$0x3F9B] =	sst s1;
	(tag) =	ssettag s2;
	_ =	strace s9  }
0x27: {  	s1 =	sld [smem:$0x3FAB]  }
0x28: {  	s2 =	sld [smem:$0x3FAC]  }
0x29: {  	s4 =	sld [smem:$0x3FAE]  }
0x2a: {  	p0 =	seq.s32 s5, $0x0;
	s5 =	sld [smem:$0x3FAF]  }
0x2b: {  	s6 =	sld [smem:$0x3FB0]  }
0x2c: {  	s7 =	sld [smem:$0x3FB1]  }
0x2d: {  	s3 =	simm.s32 $0x108;
	s8 =	sld [smem:$0x3FB2]  }
0x2e: {  	s3 =	simm.s32 @!p0 $0x1082;
	s9 =	sld [smem:$0x3FB3]  }
0x2f: {  	lr =	sadd.s32 s0, s3;
	s0 =	sld [smem:$0x3FAA]  }
0x30: {  	s3 =	sld [smem:$0x3FAD]  }
0x31: {  	[smem:$0x3FB6] =	sst s10  }
0x32: {  	s10 =	sld [smem:$0x3FB4];
	_ =	sdelay $0x3  }
0x33: {  	p0 =	seq.s32 s10, $0x1;
	s10 =	sld [smem:$0x3FB6];
	_ =	sdelay $0x3  }
0x34: {  	[smem:$0x3FB6] =	sst s10  }
0x35: {  	s10 =	sld [smem:$0x3FB5];
	_ =	sdelay $0x3  }
0x36: {  	p1 =	seq.s32 s10, $0x1;
	s10 =	sld [smem:$0x3FB6];
	_ =	sdelay $0x3  }
0x37: {  	[smem:$0x3FB6] =	sst s10  }
0x38: {  	s10 =	sld [smem:$0x3FB7]  }
0x39: {  	_ = 	snop;
	(pc) =	sbr.ind lr, $3  }
0x3a: {  	_ = 	snop  }
0x3b: {  	_ = 	snop  }
0x3c: {  	p2 =	seq.s32 s10, $0x1;
	s10 =	sld [smem:$0x3FB6]  }
0x3d: {  	_ =	shalt  }
0x3e: {  	_ =	shalt  }
0x3f: {  	_ =	shalt  }
0x40: {  	_ =	shalt  }
0x41: {  	_ =	shalt  }
0x42: {  	_ =	shalt  }
0x43: {  	_ =	shalt  }
0x44: {  	_ =	shalt  }
0x45: {  	_ =	shalt  }
0x46: {  	_ =	shalt  }
0x47: {  	_ =	shalt  }
0x48: {  	_ =	shalt  }
0x49: {  	_ =	shalt  }
0x4a: {  	_ =	shalt  }
0x4b: {  	_ =	shalt  }
0x4c: {  	_ =	shalt  }
0x4d: {  	_ =	shalt  }
0x4e: {  	_ =	shalt  }
0x4f: {  	_ =	shalt  }
0x50: {  	_ =	shalt  }
0x51: {  	_ =	shalt  }
0x52: {  	_ =	shalt  }
0x53: {  	_ =	shalt  }
0x54: {  	_ =	shalt  }
0x55: {  	_ =	shalt  }
0x56: {  	_ =	shalt  }
0x57: {  	_ =	shalt  }
0x58: {  	_ =	shalt  }
0x59: {  	_ =	shalt  }
0x5a: {  	_ =	shalt  }
0x5b: {  	_ =	shalt  }
0x5c: {  	_ =	shalt  }
0x5d: {  	_ =	shalt  }
0x5e: {  	_ =	shalt  }
0x5f: {  	_ =	shalt  }
0x60: {  	_ =	shalt  }
0x61: {  	_ =	shalt  }
0x62: {  	_ =	shalt  }
0x63: {  	_ =	shalt  }
0x64: {  	_ =	shalt  }
0x65: {  	_ =	shalt  }
0x66: {  	_ =	shalt  }
0x67: {  	_ =	shalt  }
0x68: {  	_ =	shalt  }
0x69: {  	_ =	shalt  }
0x6a: {  	_ =	shalt  }
0x6b: {  	_ =	shalt  }
0x6c: {  	_ =	shalt  }
0x6d: {  	_ =	shalt  }
0x6e: {  	_ =	shalt  }
0x6f: {  	_ =	shalt  }
0x70: {  	_ =	shalt  }
0x71: {  	_ =	shalt  }
0x72: {  	_ =	shalt  }
0x73: {  	_ =	shalt  }
0x74: {  	_ =	shalt  }
0x75: {  	_ =	shalt  }
0x76: {  	_ =	shalt  }
0x77: {  	_ =	shalt  }
0x78: {  	_ =	shalt  }
0x79: {  	_ =	shalt  }
0x7a: {  	_ =	shalt  }
0x7b: {  	_ =	shalt  }
0x7c: {  	_ =	shalt  }
0x7d: {  	_ =	shalt  }
0x7e: {  	_ =	shalt  }
0x7f: {  	_ =	shalt  }
0x80: {  	_ =	shalt  }
0x81: {  	_ =	shalt  }
0x82: {  	_ =	shalt  }
0x83: {  	_ =	shalt  }
0x84: {  	_ =	shalt  }
0x85: {  	_ =	shalt  }
0x86: {  	_ =	shalt  }
0x87: {  	_ =	shalt  }
.Lfunc_end0:
.L_simem_size_0:
called_computation.2_lowered:
.L_overlay_start_0:
0x88: {  	s2 =	sld [smem:$0x3FD9]  }
0x89: {  	s3 =	sld [smem:$0x3FFE];
	_ =	sdelay $0x1  }
0x8a: {  	s1 =	srdreg.scid  }
0x8b: {  	s0 =	sand.u32 $0x1, s1  }
0x8c: {  	s17 =	sshll.u32 s0, $0xA;
	s2 =	sadd.s32 s3, s2  }
0x8d: {  	s2 =	sadd.s32 s2, s17  }
0x8e: {  	[smem:$0x3FC2] =	sst s2  }
0x8f: {  	_ = 	snop  }
0x90: {  	s2 =	sld [smem:$0x3FD0];
	(tm) =	ssettm $0x1  }
0x91: {  	s18 =	sld [smem:$0x3FFB];
	_ =	sdelay $0x3  }
0x92: {  	_ =	strace s18  }
0x93: {  	s3 =	sld [smem:$0x3FFC];
	_ =	sdelay $0x3  }
0x94: {  	_ =	strace s3  }
0x95: {  	s3 =	sld [smem:$0x3FFD];
	_ =	sdelay $0x3  }
0x96: {  	_ =	strace s3  }
0x97: {  	_ =	strace $0x8FFFFFFF  }
0x98: {  	s19 =	sld [smem:$0x3FDB];
	_ =	sdelay $0x1  }
0x99: {  	s4 =	simm.s32 $_scs_section_size  }
0x9a: {  	s5 =	simm.s32 $_size__tile_overlayer_lowered;
	s6 =	simm.s32 $_tile_overlayer_lowered  }
0x9b: {  	s22 =	simm.s32 $0x1BFF;
	s21 =	sshll.u32 s6, $0x1;
	s3 =	sadd.s32 s4, s19  }
0x9c: {  	s7 =	simm.s32 $0x0;
	s20 =	sshll.u32 s5, $0x1;
	s5 =	sadd.s32 s21, s3  }
0x9d: {  	[timem:s7], [sflag:s22] =	dma.local [hbm:s5], s20  }
0x9e: {  	_ =	swait.ge [sflag:s22], s20  }
0x9f: {  	s4 =	ssub.s32 $0x0, s20;
	[sflag:s22] =	ssyncset.done $0x0  }
0xa0: {  	[sflag:s22] =	ssyncadd.s32 s4;
	_ =	sdelay $0x1  }
0xa1: {  	s23 =	simm.s32 $0x1B8B  }
0xa2: {  	_ =	swait.ge [sflag:s23], $0x1  }
0xa3: {  	[sflag:s23] =	ssyncset.done $0x0  }
0xa4: {  	s25 =	simm.s32 $0x1B8E;
	s24 =	sld [smem:$0x3FFE];
	[sflag:s23] =	ssyncadd.s32 $0xFFFFFFFF  }
0xa5: {  	s26 =	simm.s32 $execute0_lowered;
	[smem:$0x3FD2] =	sst s25  }
0xa6: {  	s5 =	sshll.u32 s26, $0x1;
	_ =	strace $0x8000004C;
	[dreg:$0x1] =	wrdreg $0xFFFFFFFF  }
0xa7: {  	s28 =	simm.s32 $_size_execute0_lowered;
	s3 =	sadd.s32 s3, s5;
	[dreg:$0x0] =	wrdreg $0x0  }
0xa8: {  	s5 =	sshll.u32 s28, $0x1;
	[dreg:$0x2] =	wrdreg s3  }
0xa9: {  	[dreg:$0x3] =	wrdreg s5  }
0xaa: {  	[dreg:$0x4] =	wrdreg $0xC0  }
0xab: {  	_ =	task [dreg:s7], $0x5FFFF  }
0xac: {  	[dreg:$0x1] =	wrdreg $0xFFFFFFFF  }
0xad: {  	[dreg:$0x0] =	wrdreg $0x60  }
0xae: {  	[dreg:$0x2] =	wrdreg s24  }
0xaf: {  	[dreg:$0x3] =	wrdreg s2  }
0xb0: {  	[dreg:$0x4] =	wrdreg $0x6C000  }
0xb1: {  	[dreg:$0x5] =	wrdreg $0x9  }
0xb2: {  	_ =	task.clear_ibuf [dreg:s7], $0x6FFFF;
	_ =	strace $0x9000004C  }
0xb3: {  	s29 =	simm.s32 $0x9;
	_ =	strace $0x8000004E  }
0xb4: {  	_ =	swait.ge [sflag:s29], $0x1  }
0xb5: {  	[sflag:s29] =	ssyncadd.s32 $0xFFFFFFFF  }
0xb6: {  	_ =	strace $0x9000004E  }
0xb7: {  	_ =	sfence  }
0xb8: {  	s30 =	sld [smem:$0x0];
	_ =	sdelay $0x2  }
0xb9: {  	s31 =	sshll.u32 s1, $0xD;
	s1 =	sshrl.u32 s1, $0x2  }
0xba: {  	s3 =	sand.u32 $0x4000, s31;
	s1 =	sadd.s32 s1, s30  }
0xbb: {  	s0 =	sor.u32 s3, s0;
	s1 =	sshll.u32 s1, $0x11  }
0xbc: {  	s0 =	sor.u32 s1, s0  }
0xbd: {  	s0 =	sadd.s32 $0x8F2B, s0  }
0xbe: {  	[sflag:s0] =	ssyncadd.remote.s32 $0x1  }
0xbf: {  	_ =	sfence.sel $0xFFFF  }
0xc0: {  	[dreg:$0x0] =	wrdreg $0xFFFFFFFF;
	(pc) =	sbr.abs _section_cstart, $3  }
0xc1: {  	[dreg:$0x1] =	wrdreg $0xFFFFFFFF  }
0xc2: {  	_ =	task.clear_ibuf [dreg:s7], $0x2FFFF;
	_ =	strace $0x9FFFFFFF  }
0xc3: {  	(tm) =	ssettm $0x7FFFFFFF  }
tec
execute0_lowered:
.L_overlay_start_1:
0x0: {  	(tag) =	ssettag $0x1  }
0x1: {  	s0 =	rddreg [dreg:$0x0]  }
0x2: {  	s2 =	rddreg [dreg:$0x2];
	s1 =	srdreg.scid  }
0x3: {  	s4 =	simm.s32 $0x0;
	s12 =	stileid.u32;
	s28 =	simm.s32 $0xD  }
0x4: {  	s29 =	simm.s32 $0x180;
	s30 =	simm.s32 $0x80;
	s31 =	simm.s32 $0x200  }
0x5: {  	s3 =	sand.u32 $0x1, s1;
	[smem:$0x7FF] =	sst s4;
	s7 =	smul.u32 $0x14000, s12  }
0x6: {  	s5 =	sadd.s32 $0x2400, s0;
	s6 =	sadd.s32 $0xC200, s0;
	s11 =	smul.u32 $0x50000, s12  }
0x7: {  	s10 =	sshll.u32 s12, $0x1;
	s15 =	sshll.u32 s12, $0x6;
	s16 =	smul.u32 $0x4E20, s12  }
0x8: {  	s1 =	smul.u32 $0x140000, s3;
	_ =	strace $0x8000004D;
	s8 =	ssub.s32 $0x2, s3  }
0x9: {  	s13 =	sor.u32 s3, s10;
	s23 =	sor.u32 $0x1C0D, s15;
	s3 =	smul.u32 $0x2710, s3  }
0xa: {  	s9 =	sshrl.u32 s8, $0x1;
	s14 =	sshrl.u32 s11, $0x2;
	[dreg:$0xf] =	wrdreg s23  }
0xb: {  	s1 =	sadd.s32 s7, s1;
	s7 =	sadd.s32 $0x66000, s0;
	s3 =	sadd.s32 s3, s16  }
0xc: {  	s1 =	sshrl.u32 s1, $0x3;
	s10 =	sadd.s32 $0x340, s3;
	s15 =	sadd.s32 $0x208, s3  }
0xd: {  	s0 =	sadd.s32 s1, s0;
	s1 =	ssub.s32 s8, s9;
	s8 =	smul.u32 $0x2710, s13  }
0xe: {  	s9 =	sadd.s32 s14, s2;
	s10 =	sshrl.u32 s10, $0x3;
	s14 =	sadd.s32 $0x2D8, s3  }
0xf: {  	[dreg:$0xe] =	wrdreg s9;
	s26 =	sadd.s32 s10, s6;
	s10 =	sadd.s32 s10, s5  }
0x10: {  	s9 =	sshrl.u32 s14, $0x3;
	s0 =	sadd.s32 $0x8E000, s0;
	[dreg:$0x4] =	wrdreg s26  }
0x11: {  	s11 =	sshrl.u32 s8, $0x3;
	s17 =	sadd.s32 $0x68, s8;
	[dreg:$0x5] =	wrdreg s10  }
0x12: {  	s25 =	sadd.s32 $0x25C8, s8;
	s14 =	sadd.s32 s9, s6;
	[dreg:$0x1e] =	wrdreg s0  }
0x13: {  	s16 =	sadd.s32 s9, s5;
	s8 =	sadd.s32 $0x2698, s8;
	[dreg:$0x6] =	wrdreg s14  }
0x14: {  	s0 =	simm.s32 $0x1;
	s18 =	sadd.s32 s5, s11;
	[dreg:$0x7] =	wrdreg s16  }
0x15: {  	s19 =	sadd.s32 s6, s11;
	s12 =	sshrl.u32 s17, $0x3;
	[dreg:$0x10] =	wrdreg s18  }
0x16: {  	s10 =	simm.s32 $0x7;
	[dreg:$0x11] =	wrdreg s19;
	s20 =	sadd.s32 s5, s12  }
0x17: {  	s13 =	sadd.s32 $0x1A, s11;
	s21 =	sadd.s32 s6, s12;
	[dreg:$0x12] =	wrdreg s20  }
0x18: {  	s17 =	sshrl.u32 s15, $0x3;
	s22 =	sadd.s32 s5, s13;
	[dreg:$0x13] =	wrdreg s21  }
0x19: {  	s8 =	sshrl.u32 s8, $0x3;
	s24 =	sadd.s32 s6, s13;
	[dreg:$0x14] =	wrdreg s22  }
0x1a: {  	s12 =	sshrl.u32 s25, $0x3;
	s18 =	sadd.s32 s17, s6;
	[dreg:$0x15] =	wrdreg s24  }
0x1b: {  	s19 =	sadd.s32 $0x1A0, s3;
	s13 =	simm.s32 $0x100;
	[dreg:$0x8] =	wrdreg s18  }
0x1c: {  	s20 =	sadd.s32 s17, s5;
	s21 =	sshrl.u32 s19, $0x3;
	s24 =	sadd.s32 $0x138, s3  }
0x1d: {  	s14 =	sadd.s32 s5, s12;
	s16 =	sadd.s32 s6, s12;
	[dreg:$0x9] =	wrdreg s20  }
0x1e: {  	s17 =	sadd.s32 $0x4C6, s11;
	s12 =	simm.s32 $0x3800;
	[dreg:$0x16] =	wrdreg s14  }
0x1f: {  	s22 =	sadd.s32 s21, s6;
	s25 =	sadd.s32 s21, s5;
	[dreg:$0x17] =	wrdreg s16  }
0x20: {  	s26 =	sshrl.u32 s24, $0x3;
	s18 =	sadd.s32 s5, s17;
	[dreg:$0xa] =	wrdreg s22  }
0x21: {  	s20 =	sadd.s32 s6, s17;
	s21 =	sadd.s32 s5, s8;
	[dreg:$0xb] =	wrdreg s25  }
0x22: {  	s8 =	sadd.s32 s6, s8;
	s14 =	simm.s32 $0x280;
	[dreg:$0x18] =	wrdreg s18  }
0x23: {  	s16 =	simm.s32 $0x8;
	s17 =	simm.s32 $0x9;
	[dreg:$0x19] =	wrdreg s20  }
0x24: {  	s15 =	sadd.s32 s26, s6;
	s19 =	sadd.s32 s26, s5;
	[dreg:$0x1a] =	wrdreg s21  }
0x25: {  	[dreg:$0x1b] =	wrdreg s8;
	s22 =	sadd.s32 $0x4E0, s11;
	s25 =	smax.u32 s1, $0x1  }
0x26: {  	s26 =	sadd.s32 $0x270, s3;
	s3 =	simm.s32 $0x68;
	[dreg:$0xc] =	wrdreg s15  }
0x27: {  	s1 =	simm.s32 $0x400;
	s11 =	simm.s32 $0x2;
	[dreg:$0xd] =	wrdreg s19  }
0x28: {  	s18 =	simm.s32 $0x3;
	s20 =	simm.s32 $0xA;
	[dreg:$0x1f] =	wrdreg s25  }
0x29: {  	s21 =	simm.s32 $0x0;
	s24 =	sadd.s32 s5, s22;
	[smem:$0x7FD] =	sst s26  }
0x2a: {  	s8 =	sadd.s32 s6, s22;
	s15 =	simm.s32 $0x5;
	[dreg:$0x1c] =	wrdreg s24  }
0x2b: {  	s19 =	simm.s32 $0x6;
	[dreg:$0x1d] =	wrdreg s8;
	s8 =	simm.s32 $0x4  }
.LBB2_1:
0x2c: {  	s9 =	rddreg [dreg:$0xe]  }
0x2d: {  	s24 =	rddreg [dreg:$0x1];
	s22 =	sshrl.u32 s9, $0x3  }
0x2e: {  	[spmem:s22], [sflag:s23] =	dma.local [hbm:s24], $0x2800  }
0x2f: {  	_ =	swait.ge [sflag:s28], $0x2800  }
0x30: {  	[sflag:s28] =	ssyncset.done $0x0  }
0x31: {  	[sflag:s28] =	ssyncadd.s32 $0xFFFFD800  }
0x32: {  	[bflag:$0x0] =	sbarrier.arrive $0xFFFF  }
0x33: {  	s25 =	rddreg [dreg:$0x10]  }
0x34: {  	[tilespmem:s4], [sflag:$0x1] =	stream.linear.gather [hbm4b:s25+s4], $0x68, $0x38;
	[tilespmem:$0x1AC00] =	vst v63  }
0x35: {  	s26 =	rddreg [dreg:$0x11]  }
0x36: {  	[tilespmem:s29], [sflag:$0x4] =	stream.linear.gather [hbm4b:s26+s4], $0x68, $0x38;
	[tilespmem:$0x1AC00] =	vst v63  }
0x37: {  	s23 =	rddreg [dreg:$0x12]  }
0x38: {  	[tilespmem:s30], [sflag:$0x2] =	stream.linear.gather [hbm4b:s23+s4], $0x68, $0x38;
	[tilespmem:$0x1AC00] =	vst v63  }
0x39: {  	s24 =	rddreg [dreg:$0x13]  }
0x3a: {  	[tilespmem:s31], [sflag:$0x5] =	stream.linear.gather [hbm4b:s24+s4], $0x68, $0x38;
	[tilespmem:$0x1AC00] =	vst v63  }
0x3b: {  	_ =	swait.ge [sflag:s0], $0x68  }
0x3c: {  	[sflag:s0] =	ssyncset.done $0x0  }
0x3d: {  	[sflag:s0] =	ssyncadd.s32 $0xFFFFFF98  }
0x3e: {  	[tilespmem:s1], [sflag:$0x7] =	stream.indirect.gather [hbm4b:s7+s3], $0x80, s4, s3, $0xb8;
	[tilespmem:$0x1AC00] =	vst v63  }
0x3f: {  	_ =	swait.ge [sflag:s8], $0x68  }
0x40: {  	[sflag:s8] =	ssyncset.done $0x0  }
0x41: {  	[sflag:s8] =	ssyncadd.s32 $0xFFFFFF98  }
0x42: {  	_ =	swait.ge [sflag:s10], $0x3400  }
0x43: {  	[sflag:s10] =	ssyncset.done $0x0  }
0x44: {  	[sflag:s10] =	ssyncadd.s32 $0xFFFFCC00  }
0x45: {  	[spmem:s2] =	stream.indirect.scatter.add.f32 [tilespmem:s1], [sflag:$0x9], $0x80, s29, s3, $0xb8;
	[tilespmem:$0x1AC00] =	vst v63  }
0x46: {  	_ =	swait.ge [sflag:s11], $0x68  }
0x47: {  	[sflag:s11] =	ssyncset.done $0x0  }
0x48: {  	[sflag:s11] =	ssyncadd.s32 $0xFFFFFF98  }
0x49: {  	[tilespmem:s12], [sflag:$0x8] =	stream.indirect.gather [hbm4b:s7+s3], $0x80, s30, s3, $0xb8;
	[tilespmem:$0x1AC00] =	vst v63  }
0x4a: {  	s25 =	rddreg [dreg:$0x14]  }
0x4b: {  	[tilespmem:s13], [sflag:$0x3] =	stream.linear.gather [hbm4b:s25+s4], $0x68, $0x38;
	[tilespmem:$0x1AC00] =	vst v63  }
0x4c: {  	s26 =	rddreg [dreg:$0x15]  }
0x4d: {  	[tilespmem:s14], [sflag:$0x6] =	stream.linear.gather [hbm4b:s26+s4], $0x68, $0x38;
	[tilespmem:$0x1AC00] =	vst v63  }
0x4e: {  	_ =	swait.ge [sflag:s15], $0x68  }
0x4f: {  	[sflag:s15] =	ssyncset.done $0x0  }
0x50: {  	[sflag:s15] =	ssyncadd.s32 $0xFFFFFF98  }
0x51: {  	_ =	swait.ge [sflag:s16], $0x3400  }
0x52: {  	[sflag:s16] =	ssyncset.done $0x0  }
0x53: {  	[sflag:s16] =	ssyncadd.s32 $0xFFFFCC00  }
0x54: {  	[spmem:s2] =	stream.indirect.scatter.add.f32 [tilespmem:s12], [sflag:$0xA], $0x80, s31, s3, $0xb8;
	[tilespmem:$0x1AC00] =	vst v63  }
0x55: {  	_ =	swait.ge [sflag:s17], $0x3400  }
0x56: {  	[sflag:s17] =	ssyncset.done $0x0  }
0x57: {  	[sflag:s17] =	ssyncadd.s32 $0xFFFFCC00  }
0x58: {  	_ =	swait.ge [sflag:s18], $0x68  }
0x59: {  	[sflag:s18] =	ssyncset.done $0x0  }
0x5a: {  	s9 =	rddreg [dreg:$0xd];
	[sflag:s18] =	ssyncadd.s32 $0xFFFFFF98  }
0x5b: {  	[tilespmem:s1], [sflag:$0x7] =	stream.indirect.gather [hbm4b:s7+s3], $0x80, s13, s3, $0xb8;
	[tilespmem:$0x1AC00] =	vst v63  }
0x5c: {  	s24 =	rddreg [dreg:$0xc];
	s23 =	sadd.s32 $0x0, s9  }
0x5d: {  	[tilespmem:s4], [sflag:$0x1] =	stream.linear.gather [hbm4b:s23+s4], $0x68, $0x38;
	[tilespmem:$0x1AC00] =	vst v63  }
0x5e: {  	s25 =	sadd.s32 $0x0, s24  }
0x5f: {  	[tilespmem:s29], [sflag:$0x4] =	stream.linear.gather [hbm4b:s25+s4], $0x68, $0x38;
	[tilespmem:$0x1AC00] =	vst v63  }
0x60: {  	_ =	swait.ge [sflag:s19], $0x68  }
0x61: {  	[sflag:s19] =	ssyncset.done $0x0  }
0x62: {  	[sflag:s19] =	ssyncadd.s32 $0xFFFFFF98  }
0x63: {  	_ =	swait.ge [sflag:s10], $0x3400  }
0x64: {  	[sflag:s10] =	ssyncset.done $0x0  }
0x65: {  	[sflag:s10] =	ssyncadd.s32 $0xFFFFCC00  }
0x66: {  	[spmem:s2] =	stream.indirect.scatter.add.f32 [tilespmem:s1], [sflag:$0x9], $0x80, s14, s3, $0xb8;
	[tilespmem:$0x1AC00] =	vst v63  }
0x67: {  	_ =	swait.ge [sflag:s20], $0x3400  }
0x68: {  	[sflag:s20] =	ssyncset.done $0x0  }
0x69: {  	[sflag:s20] =	ssyncadd.s32 $0xFFFFCC00  }
0x6a: {  	_ =	swait.ge [sflag:s0], $0x68  }
0x6b: {  	[sflag:s0] =	ssyncset.done $0x0  }
0x6c: {  	s26 =	rddreg [dreg:$0xb];
	[sflag:s0] =	ssyncadd.s32 $0xFFFFFF98  }
0x6d: {  	[tilespmem:s12], [sflag:$0x8] =	stream.indirect.gather [hbm4b:s7+s3], $0x80, s4, s3, $0xb8;
	[tilespmem:$0x1AC00] =	vst v63  }
0x6e: {  	s9 =	rddreg [dreg:$0xa];
	s23 =	sadd.s32 $0x0, s26  }
0x6f: {  	[tilespmem:s30], [sflag:$0x2] =	stream.linear.gather [hbm4b:s23+s4], $0x68, $0x38;
	[tilespmem:$0x1AC00] =	vst v63  }
0x70: {  	s25 =	sadd.s32 $0x0, s9  }
0x71: {  	[tilespmem:s31], [sflag:$0x5] =	stream.linear.gather [hbm4b:s25+s4], $0x68, $0x38;
	[tilespmem:$0x1AC00] =	vst v63  }
0x72: {  	_ =	swait.ge [sflag:s8], $0x68  }
0x73: {  	[sflag:s8] =	ssyncset.done $0x0  }
0x74: {  	[sflag:s8] =	ssyncadd.s32 $0xFFFFFF98  }
0x75: {  	_ =	swait.ge [sflag:s16], $0x3400  }
0x76: {  	[sflag:s16] =	ssyncset.done $0x0  }
0x77: {  	[sflag:s16] =	ssyncadd.s32 $0xFFFFCC00  }
0x78: {  	[spmem:s2] =	stream.indirect.scatter.add.f32 [tilespmem:s12], [sflag:$0xA], $0x80, s29, s3, $0xb8;
	[tilespmem:$0x1AC00] =	vst v63  }
0x79: {  	_ =	swait.ge [sflag:s17], $0x3400  }
0x7a: {  	[sflag:s17] =	ssyncset.done $0x0  }
0x7b: {  	[sflag:s17] =	ssyncadd.s32 $0xFFFFCC00  }
0x7c: {  	_ =	swait.ge [sflag:s11], $0x68  }
0x7d: {  	[sflag:s11] =	ssyncset.done $0x0  }
0x7e: {  	s26 =	rddreg [dreg:$0x9];
	[sflag:s11] =	ssyncadd.s32 $0xFFFFFF98  }
0x7f: {  	[tilespmem:s1], [sflag:$0x7] =	stream.indirect.gather [hbm4b:s7+s3], $0x80, s30, s3, $0xb8;
	[tilespmem:$0x1AC00] =	vst v63  }
0x80: {  	s9 =	rddreg [dreg:$0x8];
	s23 =	sadd.s32 $0x0, s26  }
0x81: {  	[tilespmem:s13], [sflag:$0x3] =	stream.linear.gather [hbm4b:s23+s4], $0x68, $0x38;
	[tilespmem:$0x1AC00] =	vst v63  }
0x82: {  	s24 =	sadd.s32 $0x0, s9  }
0x83: {  	[tilespmem:s14], [sflag:$0x6] =	stream.linear.gather [hbm4b:s24+s4], $0x68, $0x38;
	[tilespmem:$0x1AC00] =	vst v63  }
0x84: {  	_ =	swait.ge [sflag:s15], $0x68  }
0x85: {  	[sflag:s15] =	ssyncset.done $0x0  }
0x86: {  	[sflag:s15] =	ssyncadd.s32 $0xFFFFFF98  }
0x87: {  	_ =	swait.ge [sflag:s10], $0x3400  }
0x88: {  	[sflag:s10] =	ssyncset.done $0x0  }
0x89: {  	[sflag:s10] =	ssyncadd.s32 $0xFFFFCC00  }
0x8a: {  	[spmem:s2] =	stream.indirect.scatter.add.f32 [tilespmem:s1], [sflag:$0x9], $0x80, s31, s3, $0xb8;
	[tilespmem:$0x1AC00] =	vst v63  }
0x8b: {  	_ =	swait.ge [sflag:s20], $0x3400  }
0x8c: {  	[sflag:s20] =	ssyncset.done $0x0  }
0x8d: {  	[sflag:s20] =	ssyncadd.s32 $0xFFFFCC00  }
0x8e: {  	_ =	swait.ge [sflag:s18], $0x68  }
0x8f: {  	[sflag:s18] =	ssyncset.done $0x0;
	s9 =	sld [smem:$0x7FD]  }
0x90: {  	[sflag:s18] =	ssyncadd.s32 $0xFFFFFF98  }
0x91: {  	[tilespmem:s12], [sflag:$0x8] =	stream.indirect.gather [hbm4b:s7+s3], $0x80, s13, s3, $0xb8;
	[tilespmem:$0x1AC00] =	vst v63  }
0x92: {  	s25 =	sshrl.u32 s9, $0x3  }
0x93: {  	s26 =	sadd.s32 s5, s25  }
0x94: {  	[tilespmem:s4], [sflag:$0x1] =	stream.linear.gather [hbm4b:s26+s4], $0x68, $0x38;
	[tilespmem:$0x1AC00] =	vst v63  }
0x95: {  	s23 =	sadd.s32 s6, s25  }
0x96: {  	[tilespmem:s29], [sflag:$0x4] =	stream.linear.gather [hbm4b:s23+s4], $0x68, $0x38;
	[tilespmem:$0x1AC00] =	vst v63  }
0x97: {  	_ =	swait.ge [sflag:s19], $0x68  }
0x98: {  	[sflag:s19] =	ssyncset.done $0x0  }
0x99: {  	[sflag:s19] =	ssyncadd.s32 $0xFFFFFF98  }
0x9a: {  	_ =	swait.ge [sflag:s16], $0x3400  }
0x9b: {  	[sflag:s16] =	ssyncset.done $0x0  }
0x9c: {  	[sflag:s16] =	ssyncadd.s32 $0xFFFFCC00  }
0x9d: {  	[spmem:s2] =	stream.indirect.scatter.add.f32 [tilespmem:s12], [sflag:$0xA], $0x80, s14, s3, $0xb8;
	[tilespmem:$0x1AC00] =	vst v63  }
0x9e: {  	_ =	swait.ge [sflag:s17], $0x3400  }
0x9f: {  	[sflag:s17] =	ssyncset.done $0x0  }
0xa0: {  	[sflag:s17] =	ssyncadd.s32 $0xFFFFCC00  }
0xa1: {  	_ =	swait.ge [sflag:s0], $0x68  }
0xa2: {  	[sflag:s0] =	ssyncset.done $0x0  }
0xa3: {  	s25 =	rddreg [dreg:$0x7];
	[sflag:s0] =	ssyncadd.s32 $0xFFFFFF98  }
0xa4: {  	[tilespmem:s1], [sflag:$0x7] =	stream.indirect.gather [hbm4b:s7+s3], $0x80, s4, s3, $0xb8;
	[tilespmem:$0x1AC00] =	vst v63  }
0xa5: {  	s26 =	rddreg [dreg:$0x6];
	s23 =	sadd.s32 $0x0, s25  }
0xa6: {  	[tilespmem:s30], [sflag:$0x2] =	stream.linear.gather [hbm4b:s23+s4], $0x68, $0x38;
	[tilespmem:$0x1AC00] =	vst v63  }
0xa7: {  	s25 =	sadd.s32 $0x0, s26  }
0xa8: {  	[tilespmem:s31], [sflag:$0x5] =	stream.linear.gather [hbm4b:s25+s4], $0x68, $0x38;
	[tilespmem:$0x1AC00] =	vst v63  }
0xa9: {  	_ =	swait.ge [sflag:s8], $0x68  }
0xaa: {  	[sflag:s8] =	ssyncset.done $0x0  }
0xab: {  	[sflag:s8] =	ssyncadd.s32 $0xFFFFFF98  }
0xac: {  	_ =	swait.ge [sflag:s10], $0x3400  }
0xad: {  	[sflag:s10] =	ssyncset.done $0x0  }
0xae: {  	[sflag:s10] =	ssyncadd.s32 $0xFFFFCC00  }
0xaf: {  	[spmem:s2] =	stream.indirect.scatter.add.f32 [tilespmem:s1], [sflag:$0x9], $0x80, s29, s3, $0xb8;
	[tilespmem:$0x1AC00] =	vst v63  }
0xb0: {  	_ =	swait.ge [sflag:s20], $0x3400  }
0xb1: {  	[sflag:s20] =	ssyncset.done $0x0  }
0xb2: {  	[sflag:s20] =	ssyncadd.s32 $0xFFFFCC00  }
0xb3: {  	_ =	swait.ge [sflag:s11], $0x68  }
0xb4: {  	[sflag:s11] =	ssyncset.done $0x0  }
0xb5: {  	s26 =	rddreg [dreg:$0x5];
	[sflag:s11] =	ssyncadd.s32 $0xFFFFFF98  }
0xb6: {  	[tilespmem:s12], [sflag:$0x8] =	stream.indirect.gather [hbm4b:s7+s3], $0x80, s30, s3, $0xb8;
	[tilespmem:$0x1AC00] =	vst v63  }
0xb7: {  	s25 =	rddreg [dreg:$0x4];
	s23 =	sadd.s32 $0x0, s26  }
0xb8: {  	[tilespmem:s13], [sflag:$0x3] =	stream.linear.gather [hbm4b:s23+s4], $0x68, $0x38;
	[tilespmem:$0x1AC00] =	vst v63  }
0xb9: {  	s24 =	simm.s32 $0x4E;
	s25 =	sadd.s32 $0x0, s25;
	s23 =	sadd.s32 $0x270, s9  }
.LBB2_2:
0xba: {  	[tilespmem:s14], [sflag:$0x6] =	stream.linear.gather [hbm4b:s25+s4], $0x68, $0x38;
	[tilespmem:$0x1AC00] =	vst v63  }
0xbb: {  	_ =	swait.ge [sflag:s15], $0x68  }
0xbc: {  	[sflag:s15] =	ssyncset.done $0x0  }
0xbd: {  	[sflag:s15] =	ssyncadd.s32 $0xFFFFFF98  }
0xbe: {  	_ =	swait.ge [sflag:s16], $0x3400  }
0xbf: {  	[sflag:s16] =	ssyncset.done $0x0  }
0xc0: {  	[sflag:s16] =	ssyncadd.s32 $0xFFFFCC00  }
0xc1: {  	[spmem:s2] =	stream.indirect.scatter.add.f32 [tilespmem:s12], [sflag:$0xA], $0x80, s31, s3, $0xb8;
	[tilespmem:$0x1AC00] =	vst v63  }
0xc2: {  	_ =	swait.ge [sflag:s17], $0x3400  }
0xc3: {  	[sflag:s17] =	ssyncset.done $0x0  }
0xc4: {  	[sflag:s17] =	ssyncadd.s32 $0xFFFFCC00  }
0xc5: {  	_ =	swait.ge [sflag:s18], $0x68  }
0xc6: {  	[sflag:s18] =	ssyncset.done $0x0  }
0xc7: {  	s25 =	smov.u32 s24;
	s9 =	rddreg [dreg:$0xd];
	[sflag:s18] =	ssyncadd.s32 $0xFFFFFF98  }
0xc8: {  	[tilespmem:s1], [sflag:$0x7] =	stream.indirect.gather [hbm4b:s7+s3], $0x80, s13, s3, $0xb8;
	[tilespmem:$0x1AC00] =	vst v63  }
0xc9: {  	s26 =	rddreg [dreg:$0xc];
	s9 =	sadd.s32 s25, s9  }
0xca: {  	[tilespmem:s4], [sflag:$0x1] =	stream.linear.gather [hbm4b:s9+s4], $0x68, $0x38;
	[tilespmem:$0x1AC00] =	vst v63  }
0xcb: {  	s26 =	sadd.s32 s25, s26  }
0xcc: {  	[tilespmem:s29], [sflag:$0x4] =	stream.linear.gather [hbm4b:s26+s4], $0x68, $0x38;
	[tilespmem:$0x1AC00] =	vst v63  }
0xcd: {  	_ =	swait.ge [sflag:s19], $0x68  }
0xce: {  	[sflag:s19] =	ssyncset.done $0x0  }
0xcf: {  	[sflag:s19] =	ssyncadd.s32 $0xFFFFFF98  }
0xd0: {  	_ =	swait.ge [sflag:s10], $0x3400  }
0xd1: {  	[sflag:s10] =	ssyncset.done $0x0  }
0xd2: {  	[sflag:s10] =	ssyncadd.s32 $0xFFFFCC00  }
0xd3: {  	[spmem:s2] =	stream.indirect.scatter.add.f32 [tilespmem:s1], [sflag:$0x9], $0x80, s14, s3, $0xb8;
	[tilespmem:$0x1AC00] =	vst v63  }
0xd4: {  	_ =	swait.ge [sflag:s20], $0x3400  }
0xd5: {  	[sflag:s20] =	ssyncset.done $0x0  }
0xd6: {  	[sflag:s20] =	ssyncadd.s32 $0xFFFFCC00  }
0xd7: {  	_ =	swait.ge [sflag:s0], $0x68  }
0xd8: {  	[sflag:s0] =	ssyncset.done $0x0  }
0xd9: {  	s9 =	rddreg [dreg:$0xb];
	[sflag:s0] =	ssyncadd.s32 $0xFFFFFF98  }
0xda: {  	[tilespmem:s12], [sflag:$0x8] =	stream.indirect.gather [hbm4b:s7+s3], $0x80, s4, s3, $0xb8;
	[tilespmem:$0x1AC00] =	vst v63  }
0xdb: {  	s26 =	rddreg [dreg:$0xa];
	s9 =	sadd.s32 s25, s9  }
0xdc: {  	[tilespmem:s30], [sflag:$0x2] =	stream.linear.gather [hbm4b:s9+s4], $0x68, $0x38;
	[tilespmem:$0x1AC00] =	vst v63  }
0xdd: {  	s26 =	sadd.s32 s25, s26  }
0xde: {  	[tilespmem:s31], [sflag:$0x5] =	stream.linear.gather [hbm4b:s26+s4], $0x68, $0x38;
	[tilespmem:$0x1AC00] =	vst v63  }
0xdf: {  	_ =	swait.ge [sflag:s8], $0x68  }
0xe0: {  	[sflag:s8] =	ssyncset.done $0x0  }
0xe1: {  	[sflag:s8] =	ssyncadd.s32 $0xFFFFFF98  }
0xe2: {  	_ =	swait.ge [sflag:s16], $0x3400  }
0xe3: {  	[sflag:s16] =	ssyncset.done $0x0  }
0xe4: {  	[sflag:s16] =	ssyncadd.s32 $0xFFFFCC00  }
0xe5: {  	[spmem:s2] =	stream.indirect.scatter.add.f32 [tilespmem:s12], [sflag:$0xA], $0x80, s29, s3, $0xb8;
	[tilespmem:$0x1AC00] =	vst v63  }
0xe6: {  	_ =	swait.ge [sflag:s17], $0x3400  }
0xe7: {  	[sflag:s17] =	ssyncset.done $0x0  }
0xe8: {  	[sflag:s17] =	ssyncadd.s32 $0xFFFFCC00  }
0xe9: {  	_ =	swait.ge [sflag:s11], $0x68  }
0xea: {  	[sflag:s11] =	ssyncset.done $0x0  }
0xeb: {  	s9 =	rddreg [dreg:$0x9];
	[sflag:s11] =	ssyncadd.s32 $0xFFFFFF98  }
0xec: {  	[tilespmem:s1], [sflag:$0x7] =	stream.indirect.gather [hbm4b:s7+s3], $0x80, s30, s3, $0xb8;
	[tilespmem:$0x1AC00] =	vst v63  }
0xed: {  	s26 =	rddreg [dreg:$0x8];
	s9 =	sadd.s32 s25, s9  }
0xee: {  	[tilespmem:s13], [sflag:$0x3] =	stream.linear.gather [hbm4b:s9+s4], $0x68, $0x38;
	[tilespmem:$0x1AC00] =	vst v63  }
0xef: {  	s26 =	sadd.s32 s25, s26  }
0xf0: {  	[tilespmem:s14], [sflag:$0x6] =	stream.linear.gather [hbm4b:s26+s4], $0x68, $0x38;
	[tilespmem:$0x1AC00] =	vst v63  }
0xf1: {  	_ =	swait.ge [sflag:s15], $0x68  }
0xf2: {  	[sflag:s15] =	ssyncset.done $0x0  }
0xf3: {  	[sflag:s15] =	ssyncadd.s32 $0xFFFFFF98  }
0xf4: {  	_ =	swait.ge [sflag:s10], $0x3400  }
0xf5: {  	[sflag:s10] =	ssyncset.done $0x0  }
0xf6: {  	[sflag:s10] =	ssyncadd.s32 $0xFFFFCC00  }
0xf7: {  	[spmem:s2] =	stream.indirect.scatter.add.f32 [tilespmem:s1], [sflag:$0x9], $0x80, s31, s3, $0xb8;
	[tilespmem:$0x1AC00] =	vst v63  }
0xf8: {  	_ =	swait.ge [sflag:s20], $0x3400  }
0xf9: {  	[sflag:s20] =	ssyncset.done $0x0  }
0xfa: {  	[sflag:s20] =	ssyncadd.s32 $0xFFFFCC00  }
0xfb: {  	_ =	swait.ge [sflag:s18], $0x68  }
0xfc: {  	[sflag:s18] =	ssyncset.done $0x0  }
0xfd: {  	s9 =	sshrl.u32 s23, $0x3;
	[sflag:s18] =	ssyncadd.s32 $0xFFFFFF98  }
0xfe: {  	[tilespmem:s12], [sflag:$0x8] =	stream.indirect.gather [hbm4b:s7+s3], $0x80, s13, s3, $0xb8;
	[tilespmem:$0x1AC00] =	vst v63  }
0xff: {  	s26 =	sadd.s32 s5, s9  }
0x100: {  	[tilespmem:s4], [sflag:$0x1] =	stream.linear.gather [hbm4b:s26+s4], $0x68, $0x38;
	[tilespmem:$0x1AC00] =	vst v63  }
0x101: {  	s9 =	sadd.s32 s6, s9  }
0x102: {  	[tilespmem:s29], [sflag:$0x4] =	stream.linear.gather [hbm4b:s9+s4], $0x68, $0x38;
	[tilespmem:$0x1AC00] =	vst v63  }
0x103: {  	_ =	swait.ge [sflag:s19], $0x68  }
0x104: {  	[sflag:s19] =	ssyncset.done $0x0  }
0x105: {  	[sflag:s19] =	ssyncadd.s32 $0xFFFFFF98  }
0x106: {  	_ =	swait.ge [sflag:s16], $0x3400  }
0x107: {  	[sflag:s16] =	ssyncset.done $0x0  }
0x108: {  	[sflag:s16] =	ssyncadd.s32 $0xFFFFCC00  }
0x109: {  	[spmem:s2] =	stream.indirect.scatter.add.f32 [tilespmem:s12], [sflag:$0xA], $0x80, s14, s3, $0xb8;
	[tilespmem:$0x1AC00] =	vst v63  }
0x10a: {  	_ =	swait.ge [sflag:s17], $0x3400  }
0x10b: {  	[sflag:s17] =	ssyncset.done $0x0  }
0x10c: {  	[sflag:s17] =	ssyncadd.s32 $0xFFFFCC00  }
0x10d: {  	_ =	swait.ge [sflag:s0], $0x68  }
0x10e: {  	[sflag:s0] =	ssyncset.done $0x0  }
0x10f: {  	s9 =	rddreg [dreg:$0x7];
	[sflag:s0] =	ssyncadd.s32 $0xFFFFFF98  }
0x110: {  	[tilespmem:s1], [sflag:$0x7] =	stream.indirect.gather [hbm4b:s7+s3], $0x80, s4, s3, $0xb8;
	[tilespmem:$0x1AC00] =	vst v63  }
0x111: {  	s26 =	rddreg [dreg:$0x6];
	s9 =	sadd.s32 s25, s9  }
0x112: {  	[tilespmem:s30], [sflag:$0x2] =	stream.linear.gather [hbm4b:s9+s4], $0x68, $0x38;
	[tilespmem:$0x1AC00] =	vst v63  }
0x113: {  	s26 =	sadd.s32 s25, s26  }
0x114: {  	[tilespmem:s31], [sflag:$0x5] =	stream.linear.gather [hbm4b:s26+s4], $0x68, $0x38;
	[tilespmem:$0x1AC00] =	vst v63  }
0x115: {  	_ =	swait.ge [sflag:s8], $0x68  }
0x116: {  	[sflag:s8] =	ssyncset.done $0x0  }
0x117: {  	[sflag:s8] =	ssyncadd.s32 $0xFFFFFF98  }
0x118: {  	_ =	swait.ge [sflag:s10], $0x3400  }
0x119: {  	[sflag:s10] =	ssyncset.done $0x0  }
0x11a: {  	[sflag:s10] =	ssyncadd.s32 $0xFFFFCC00  }
0x11b: {  	[spmem:s2] =	stream.indirect.scatter.add.f32 [tilespmem:s1], [sflag:$0x9], $0x80, s29, s3, $0xb8;
	[tilespmem:$0x1AC00] =	vst v63  }
0x11c: {  	_ =	swait.ge [sflag:s20], $0x3400  }
0x11d: {  	[sflag:s20] =	ssyncset.done $0x0  }
0x11e: {  	[sflag:s20] =	ssyncadd.s32 $0xFFFFCC00  }
0x11f: {  	p0 =	sne.s32 s24, $0x444;
	_ =	swait.ge [sflag:s11], $0x68  }
.Ltmp0:
0x120: {  	[sflag:s11] =	ssyncset.done $0x0;
	s9 =	rddreg [dreg:$0x5];
	(pc) =	sbr.rel @p0 .LBB2_2-.Ltmp0, $4  }
0x121: {  	s24 =	sadd.s32 $0x4E, s24;
	s26 =	rddreg [dreg:$0x4];
	[sflag:s11] =	ssyncadd.s32 $0xFFFFFF98  }
0x122: {  	[tilespmem:s12], [sflag:$0x8] =	stream.indirect.gather [hbm4b:s7+s3], $0x80, s30, s3, $0xb8;
	[tilespmem:$0x1AC00] =	vst v63  }
0x123: {  	s23 =	sadd.s32 $0x270, s23;
	s9 =	sadd.s32 s25, s9;
	s25 =	sadd.s32 s25, s26  }
0x124: {  	[tilespmem:s13], [sflag:$0x3] =	stream.linear.gather [hbm4b:s9+s4], $0x68, $0x38;
	[tilespmem:$0x1AC00] =	vst v63  }
0x125: {  	[tilespmem:s14], [sflag:$0x6] =	stream.linear.gather [hbm4b:s25+s4], $0x68, $0x38;
	[tilespmem:$0x1AC00] =	vst v63  }
0x126: {  	_ =	swait.ge [sflag:s15], $0x68  }
0x127: {  	[sflag:s15] =	ssyncset.done $0x0  }
0x128: {  	[sflag:s15] =	ssyncadd.s32 $0xFFFFFF98  }
0x129: {  	_ =	swait.ge [sflag:s16], $0x3400  }
0x12a: {  	[sflag:s16] =	ssyncset.done $0x0  }
0x12b: {  	[sflag:s16] =	ssyncadd.s32 $0xFFFFCC00  }
0x12c: {  	[spmem:s2] =	stream.indirect.scatter.add.f32 [tilespmem:s12], [sflag:$0xA], $0x80, s31, s3, $0xb8;
	[tilespmem:$0x1AC00] =	vst v63  }
0x12d: {  	_ =	swait.ge [sflag:s17], $0x3400  }
0x12e: {  	[sflag:s17] =	ssyncset.done $0x0  }
0x12f: {  	[sflag:s17] =	ssyncadd.s32 $0xFFFFCC00  }
0x130: {  	_ =	swait.ge [sflag:s18], $0x68  }
0x131: {  	[sflag:s18] =	ssyncset.done $0x0  }
0x132: {  	[sflag:s18] =	ssyncadd.s32 $0xFFFFFF98  }
0x133: {  	[tilespmem:s1], [sflag:$0x7] =	stream.indirect.gather [hbm4b:s7+s3], $0x80, s13, s3, $0xb8;
	[tilespmem:$0x1AC00] =	vst v63  }
0x134: {  	s9 =	rddreg [dreg:$0x16]  }
0x135: {  	[tilespmem:s4], [sflag:$0x1] =	stream.linear.gather [hbm4b:s9+s4], $0x68, $0x38;
	[tilespmem:$0x1AC00] =	vst v63  }
0x136: {  	s23 =	rddreg [dreg:$0x17]  }
0x137: {  	[tilespmem:s29], [sflag:$0x4] =	stream.linear.gather [hbm4b:s23+s4], $0x68, $0x38;
	[tilespmem:$0x1AC00] =	vst v63  }
0x138: {  	_ =	swait.ge [sflag:s19], $0x68  }
0x139: {  	[sflag:s19] =	ssyncset.done $0x0  }
0x13a: {  	[sflag:s19] =	ssyncadd.s32 $0xFFFFFF98  }
0x13b: {  	_ =	swait.ge [sflag:s10], $0x3400  }
0x13c: {  	[sflag:s10] =	ssyncset.done $0x0  }
0x13d: {  	[sflag:s10] =	ssyncadd.s32 $0xFFFFCC00  }
0x13e: {  	[spmem:s2] =	stream.indirect.scatter.add.f32 [tilespmem:s1], [sflag:$0x9], $0x80, s14, s3, $0xb8;
	[tilespmem:$0x1AC00] =	vst v63  }
0x13f: {  	_ =	swait.ge [sflag:s20], $0x3400  }
0x140: {  	[sflag:s20] =	ssyncset.done $0x0  }
0x141: {  	[sflag:s20] =	ssyncadd.s32 $0xFFFFCC00  }
0x142: {  	_ =	swait.ge [sflag:s0], $0x68  }
0x143: {  	[sflag:s0] =	ssyncset.done $0x0  }
0x144: {  	[sflag:s0] =	ssyncadd.s32 $0xFFFFFF98  }
0x145: {  	[tilespmem:s12], [sflag:$0x8] =	stream.indirect.gather [hbm4b:s7+s3], $0x80, s4, s3, $0xb8;
	[tilespmem:$0x1AC00] =	vst v63  }
0x146: {  	s24 =	rddreg [dreg:$0x18]  }
0x147: {  	[tilespmem:s30], [sflag:$0x2] =	stream.linear.gather [hbm4b:s24+s4], $0x68, $0x38;
	[tilespmem:$0x1AC00] =	vst v63  }
0x148: {  	s25 =	rddreg [dreg:$0x19]  }
0x149: {  	[tilespmem:s31], [sflag:$0x5] =	stream.linear.gather [hbm4b:s25+s4], $0x68, $0x38;
	[tilespmem:$0x1AC00] =	vst v63  }
0x14a: {  	_ =	swait.ge [sflag:s8], $0x68  }
0x14b: {  	[sflag:s8] =	ssyncset.done $0x0  }
0x14c: {  	[sflag:s8] =	ssyncadd.s32 $0xFFFFFF98  }
0x14d: {  	_ =	swait.ge [sflag:s16], $0x3400  }
0x14e: {  	[sflag:s16] =	ssyncset.done $0x0  }
0x14f: {  	[sflag:s16] =	ssyncadd.s32 $0xFFFFCC00  }
0x150: {  	[spmem:s2] =	stream.indirect.scatter.add.f32 [tilespmem:s12], [sflag:$0xA], $0x80, s29, s3, $0xb8;
	[tilespmem:$0x1AC00] =	vst v63  }
0x151: {  	_ =	swait.ge [sflag:s17], $0x3400  }
0x152: {  	[sflag:s17] =	ssyncset.done $0x0  }
0x153: {  	[sflag:s17] =	ssyncadd.s32 $0xFFFFCC00  }
0x154: {  	_ =	swait.ge [sflag:s11], $0x68  }
0x155: {  	[sflag:s11] =	ssyncset.done $0x0  }
0x156: {  	[sflag:s11] =	ssyncadd.s32 $0xFFFFFF98  }
0x157: {  	[tilespmem:s1], [sflag:$0x7] =	stream.indirect.gather [hbm4b:s7+s3], $0x80, s30, s3, $0xb8;
	[tilespmem:$0x1AC00] =	vst v63  }
0x158: {  	s26 =	rddreg [dreg:$0x1a]  }
0x159: {  	[tilespmem:s13], [sflag:$0x3] =	stream.linear.gather [hbm4b:s26+s4], $0x68, $0x38;
	[tilespmem:$0x1AC00] =	vst v63  }
0x15a: {  	s23 =	rddreg [dreg:$0x1b]  }
0x15b: {  	[tilespmem:s14], [sflag:$0x6] =	stream.linear.gather [hbm4b:s23+s4], $0x68, $0x38;
	[tilespmem:$0x1AC00] =	vst v63  }
0x15c: {  	_ =	swait.ge [sflag:s15], $0x68  }
0x15d: {  	[sflag:s15] =	ssyncset.done $0x0  }
0x15e: {  	[sflag:s15] =	ssyncadd.s32 $0xFFFFFF98  }
0x15f: {  	_ =	swait.ge [sflag:s10], $0x3400  }
0x160: {  	[sflag:s10] =	ssyncset.done $0x0  }
0x161: {  	[sflag:s10] =	ssyncadd.s32 $0xFFFFCC00  }
0x162: {  	[spmem:s2] =	stream.indirect.scatter.add.f32 [tilespmem:s1], [sflag:$0x9], $0x80, s31, s3, $0xb8;
	[tilespmem:$0x1AC00] =	vst v63  }
0x163: {  	_ =	swait.ge [sflag:s20], $0x3400  }
0x164: {  	[sflag:s20] =	ssyncset.done $0x0  }
0x165: {  	[sflag:s20] =	ssyncadd.s32 $0xFFFFCC00  }
0x166: {  	_ =	swait.ge [sflag:s18], $0x68  }
0x167: {  	[sflag:s18] =	ssyncset.done $0x0  }
0x168: {  	[sflag:s18] =	ssyncadd.s32 $0xFFFFFF98  }
0x169: {  	[tilespmem:s12], [sflag:$0x8] =	stream.indirect.gather [hbm4b:s7+s3], $0x80, s13, s3, $0xb8;
	[tilespmem:$0x1AC00] =	vst v63  }
0x16a: {  	s23 =	simm.s32 $0x300;
	s24 =	rddreg [dreg:$0x1c]  }
0x16b: {  	[tilespmem:s23], [sflag:$0xB] =	stream.linear.gather [hbm4b:s24+s4], $0x10, $0x38;
	[tilespmem:$0x1AC00] =	vst v63  }
0x16c: {  	s25 =	rddreg [dreg:$0x1d];
	s24 =	simm.s32 $0x380  }
0x16d: {  	[tilespmem:s24], [sflag:$0xC] =	stream.linear.gather [hbm4b:s25+s4], $0x10, $0x38;
	[tilespmem:$0x1AC00] =	vst v63  }
0x16e: {  	_ =	swait.ge [sflag:s19], $0x68  }
0x16f: {  	[sflag:s19] =	ssyncset.done $0x0  }
0x170: {  	[sflag:s19] =	ssyncadd.s32 $0xFFFFFF98  }
0x171: {  	_ =	swait.ge [sflag:s16], $0x3400  }
0x172: {  	[sflag:s16] =	ssyncset.done $0x0  }
0x173: {  	[sflag:s16] =	ssyncadd.s32 $0xFFFFCC00  }
0x174: {  	[spmem:s2] =	stream.indirect.scatter.add.f32 [tilespmem:s12], [sflag:$0xA], $0x80, s14, s3, $0xb8;
	[tilespmem:$0x1AC00] =	vst v63  }
0x175: {  	_ =	swait.ge [sflag:s17], $0x3400  }
0x176: {  	[sflag:s17] =	ssyncset.done $0x0  }
0x177: {  	s26 =	simm.s32 $0xB;
	[sflag:s17] =	ssyncadd.s32 $0xFFFFCC00  }
0x178: {  	_ =	swait.ge [sflag:s26], $0x10  }
0x179: {  	[sflag:s26] =	ssyncset.done $0x0  }
0x17a: {  	s25 =	simm.s32 $0x10;
	[sflag:s26] =	ssyncadd.s32 $0xFFFFFFF0;
	s26 =	simm.s32 $0xC  }
0x17b: {  	[tilespmem:s1], [sflag:$0x7] =	stream.indirect.gather [hbm4b:s7+s25], $0x80, s23, s25, $0xb8;
	[tilespmem:$0x1AC00] =	vst v63  }
0x17c: {  	_ =	swait.ge [sflag:s26], $0x10  }
0x17d: {  	[sflag:s26] =	ssyncset.done $0x0  }
0x17e: {  	[sflag:s26] =	ssyncadd.s32 $0xFFFFFFF0  }
0x17f: {  	_ =	swait.ge [sflag:s10], $0x800  }
0x180: {  	[sflag:s10] =	ssyncset.done $0x0  }
0x181: {  	[sflag:s10] =	ssyncadd.s32 $0xFFFFF800  }
0x182: {  	[spmem:s2] =	stream.indirect.scatter.add.f32 [tilespmem:s1], [sflag:$0x9], $0x80, s24, s25, $0xb8;
	[tilespmem:$0x1AC00] =	vst v63  }
0x183: {  	_ =	swait.ge [sflag:s20], $0x3400  }
0x184: {  	[sflag:s20] =	ssyncset.done $0x0  }
0x185: {  	[sflag:s20] =	ssyncadd.s32 $0xFFFFCC00  }
0x186: {  	_ =	swait.ge [sflag:s17], $0x800  }
0x187: {  	[sflag:s17] =	ssyncset.done $0x0  }
0x188: {  	[sflag:s17] =	ssyncadd.s32 $0xFFFFF800  }
0x189: {  	[bflag:$0x0] =	sbarrier.arrive $0xFFFF  }
0x18a: {  	s23 =	rddreg [dreg:$0xf]  }
0x18b: {  	s25 =	rddreg [dreg:$0x1e]  }
0x18c: {  	[hbm:s25], [sflag:s23] =	dma.local [spmem:s22], $0x2800  }
0x18d: {  	_ =	swait.ge [sflag:s28], $0x2800  }
0x18e: {  	s21 =	sadd.s32 $0x1, s21;
	s26 =	rddreg [dreg:$0x1f]  }
0x18f: {  	p0 =	sne.s32 s21, s26  }
.Ltmp1:
0x190: {  	_ = 	snop;
	(pc) =	sbr.rel @p0 .LBB2_1-.Ltmp1, $3  }
0x191: {  	_ =	sdelay $0x1  }
0x192: {  	[sflag:s28] =	ssyncset.done $0x0  }
0x193: {  	[sflag:s28] =	ssyncadd.s32 $0xFFFFD800  }
0x194: {  	_ =	sfence.sel $0x180000  }
0x195: {  	[bflag:$0x0] =	sbarrier.arrive $0xFFFF  }
0x196: {  	_ =	strace $0x9000004D  }
0x197: {  	s0 =	stileid.u32;
	[bflag:$0x2] =	sbarrier.arrive $0xFFFF  }
0x198: {  	p0 =	sne.s32 s0, $0x0;
	s0 =	rddreg [dreg:$0x3]  }
0x199: {  	s0 =	sadd.s32 @!p0 $0x100000, s0  }
0x19a: {  	[sflag:s0] =	ssyncadd.tile.s32 @!p0 $0x1;
	_ =	shalt  }
.Lfunc_end2:
_tile_overlayer_lowered:
.L_overlay_start_2:
0x19b: {  	(tag) =	ssettag $0x2  }
0x19c: {  	s0 =	rddreg [dreg:$0x0];
	s2 =	stileid.u32  }
0x19d: {  	s1 =	rddreg [dreg:$0x1];
	p0 =	sne.s32 s2, $0x0  }
0x19e: {  	s3 =	rddreg [dreg:$0x2];
	[bflag:$0x3] =	sbarrier.arrive $0xFFFF;
	s2 =	simm.s32 @!p0 $0x1C0D  }
0x19f: {  	[timem:s3], [sflag:s2] =	dma.local @!p0 [hbm:s0], s1  }
0x1a0: {  	s0 =	simm.s32 @!p0 $0xD  }
0x1a1: {  	_ =	swait.ge @!p0 [sflag:s0], s1  }
0x1a2: {  	s1 =	ssub.s32 @!p0 $0x0, s1;
	[sflag:s0] =	ssyncset.done @!p0 $0x0  }
0x1a3: {  	[sflag:s0] =	ssyncadd.s32 @!p0 s1  }
0x1a4: {  	[bflag:$0x3] =	sbarrier.arrive $0xFFFF  }
0x1a5: {  	_ =	shalt  }

// kernel: kernel.8.cloned.1.call-start
scs
__scs_entry_jumppad:
0x0: {  	(pc) =	sbr.rel $0x88, $3  }
0x1: {  	(tag) =	ssettag $0x0;
	lr =	simm.s32 $0x1  }
0x2: {  	[smem:$0x3F9B] =	sst lr;
	_ =	strace $0xD0000000  }
0x3: {  	_ = 	snop  }
0x4: {  	_ = 	snop  }
0x5: {  	_ = 	snop  }
0x6: {  	_ = 	snop  }
0x7: {  	_ = 	snop  }
__scs_overlays_trampoline_lowered:
0x8: {  	[smem:$0x3FAA] =	sst s0  }
0x9: {  	[smem:$0x3FAB] =	sst s1  }
0xa: {  	[smem:$0x3FAC] =	sst s2  }
0xb: {  	[smem:$0x3FAD] =	sst s3  }
0xc: {  	[smem:$0x3FAE] =	sst s4  }
0xd: {  	[smem:$0x3FAF] =	sst s5  }
0xe: {  	[smem:$0x3FB0] =	sst s6  }
0xf: {  	[smem:$0x3FB1] =	sst s7  }
0x10: {  	[smem:$0x3FB2] =	sst s8  }
0x11: {  	[smem:$0x3FB3] =	sst s9;
	s0 =	simm.s32 @!p0 $0x0  }
0x12: {  	s1 =	sld [smem:$0x3F99];
	s0 =	simm.s32 @p0 $0x1  }
0x13: {  	[smem:$0x3FB4] =	sst s0;
	s0 =	simm.s32 @!p1 $0x0  }
0x14: {  	s2 =	sld [smem:$0x3F98];
	s0 =	simm.s32 @p1 $0x1  }
0x15: {  	[smem:$0x3FB5] =	sst s0;
	s0 =	simm.s32 @!p2 $0x0  }
0x16: {  	s3 =	sld [smem:$0x3FDB];
	s0 =	simm.s32 @p2 $0x1  }
0x17: {  	s4 =	simm.s32 $0x1BF5;
	[smem:$0x3FB7] =	sst s0  }
0x18: {  	s0 =	sld [smem:$0x3F9A];
	_ =	swait.ge [sflag:s4], $0x0  }
0x19: {  	s7 =	sld [smem:$0x3F9B]  }
0x1a: {  	s8 =	sadd.s32 $0xFFFFE003, lr  }
0x1b: {  	s9 =	sadd.s32 $0xFFFFFEF7, lr;
	s5 =	simm.s32 $0xFFFFFFFF;
	p2 =	slt.u32 s8, $0xFFFFF086  }
0x1c: {  	p1 =	slt.u32 s9, $0xF7A;
	s5 =	simm.s32 @!p2 $0x0  }
0x1d: {  	s5 =	simm.s32 @p1 $0x1;
	p0 =	seq.s32 s7, s2  }
0x1e: {  	s7 =	smul.u32 @!p0 $0xF7A, s2;
	p2 =	seq.s32 @!p0 s5, $0x0  }
0x1f: {  	s9 =	smul.u32 $0xF7A, s1;
	s8 =	simm.s32 @!p0 $0x1BF5;
	p2 =	por !p2, p0  }
0x20: {  	[sflag:s8] =	ssyncset.s32 @!p0 $0xFFFFF086;
	s6 =	sadd.s32 @!p0 s3, s7;
	s7 =	simm.s32 @!p0 $0x108  }
0x21: {  	s3 =	sadd.s32 s3, s9;
	s6 =	sadd.s32 @!p0 $0x88, s6;
	s7 =	simm.s32 @p2 $0x1082  }
0x22: {  	[simem:s7], [sflag:s8] =	dma.local @!p0 [hbm:s6], $0xF7A  }
0x23: {  	s9 =	sor.u32 $0xD0000000, s2;
	s6 =	simm.s32 $0x108;
	_ =	swait.ge @!p0 [sflag:s8], $0x0  }
0x24: {  	s3 =	sadd.s32 $0x88, s3;
	s6 =	simm.s32 @!p1 $0x1082;
	[sflag:s4] =	ssyncset.s32 $0xFFFFF086  }
0x25: {  	[simem:s6], [sflag:s4] =	dma.local [hbm:s3], $0xF7A  }
0x26: {  	[smem:$0x3F9B] =	sst s1;
	(tag) =	ssettag s2;
	_ =	strace s9  }
0x27: {  	s1 =	sld [smem:$0x3FAB]  }
0x28: {  	s2 =	sld [smem:$0x3FAC]  }
0x29: {  	s4 =	sld [smem:$0x3FAE]  }
0x2a: {  	p0 =	seq.s32 s5, $0x0;
	s5 =	sld [smem:$0x3FAF]  }
0x2b: {  	s6 =	sld [smem:$0x3FB0]  }
0x2c: {  	s7 =	sld [smem:$0x3FB1]  }
0x2d: {  	s3 =	simm.s32 $0x108;
	s8 =	sld [smem:$0x3FB2]  }
0x2e: {  	s3 =	simm.s32 @!p0 $0x1082;
	s9 =	sld [smem:$0x3FB3]  }
0x2f: {  	lr =	sadd.s32 s0, s3;
	s0 =	sld [smem:$0x3FAA]  }
0x30: {  	s3 =	sld [smem:$0x3FAD]  }
0x31: {  	[smem:$0x3FB6] =	sst s10  }
0x32: {  	s10 =	sld [smem:$0x3FB4];
	_ =	sdelay $0x3  }
0x33: {  	p0 =	seq.s32 s10, $0x1;
	s10 =	sld [smem:$0x3FB6];
	_ =	sdelay $0x3  }
0x34: {  	[smem:$0x3FB6] =	sst s10  }
0x35: {  	s10 =	sld [smem:$0x3FB5];
	_ =	sdelay $0x3  }
0x36: {  	p1 =	seq.s32 s10, $0x1;
	s10 =	sld [smem:$0x3FB6];
	_ =	sdelay $0x3  }
0x37: {  	[smem:$0x3FB6] =	sst s10  }
0x38: {  	s10 =	sld [smem:$0x3FB7]  }
0x39: {  	_ = 	snop;
	(pc) =	sbr.ind lr, $3  }
0x3a: {  	_ = 	snop  }
0x3b: {  	_ = 	snop  }
0x3c: {  	p2 =	seq.s32 s10, $0x1;
	s10 =	sld [smem:$0x3FB6]  }
0x3d: {  	_ =	shalt  }
0x3e: {  	_ =	shalt  }
0x3f: {  	_ =	shalt  }
0x40: {  	_ =	shalt  }
0x41: {  	_ =	shalt  }
0x42: {  	_ =	shalt  }
0x43: {  	_ =	shalt  }
0x44: {  	_ =	shalt  }
0x45: {  	_ =	shalt  }
0x46: {  	_ =	shalt  }
0x47: {  	_ =	shalt  }
0x48: {  	_ =	shalt  }
0x49: {  	_ =	shalt  }
0x4a: {  	_ =	shalt  }
0x4b: {  	_ =	shalt  }
0x4c: {  	_ =	shalt  }
0x4d: {  	_ =	shalt  }
0x4e: {  	_ =	shalt  }
0x4f: {  	_ =	shalt  }
0x50: {  	_ =	shalt  }
0x51: {  	_ =	shalt  }
0x52: {  	_ =	shalt  }
0x53: {  	_ =	shalt  }
0x54: {  	_ =	shalt  }
0x55: {  	_ =	shalt  }
0x56: {  	_ =	shalt  }
0x57: {  	_ =	shalt  }
0x58: {  	_ =	shalt  }
0x59: {  	_ =	shalt  }
0x5a: {  	_ =	shalt  }
0x5b: {  	_ =	shalt  }
0x5c: {  	_ =	shalt  }
0x5d: {  	_ =	shalt  }
0x5e: {  	_ =	shalt  }
0x5f: {  	_ =	shalt  }
0x60: {  	_ =	shalt  }
0x61: {  	_ =	shalt  }
0x62: {  	_ =	shalt  }
0x63: {  	_ =	shalt  }
0x64: {  	_ =	shalt  }
0x65: {  	_ =	shalt  }
0x66: {  	_ =	shalt  }
0x67: {  	_ =	shalt  }
0x68: {  	_ =	shalt  }
0x69: {  	_ =	shalt  }
0x6a: {  	_ =	shalt  }
0x6b: {  	_ =	shalt  }
0x6c: {  	_ =	shalt  }
0x6d: {  	_ =	shalt  }
0x6e: {  	_ =	shalt  }
0x6f: {  	_ =	shalt  }
0x70: {  	_ =	shalt  }
0x71: {  	_ =	shalt  }
0x72: {  	_ =	shalt  }
0x73: {  	_ =	shalt  }
0x74: {  	_ =	shalt  }
0x75: {  	_ =	shalt  }
0x76: {  	_ =	shalt  }
0x77: {  	_ =	shalt  }
0x78: {  	_ =	shalt  }
0x79: {  	_ =	shalt  }
0x7a: {  	_ =	shalt  }
0x7b: {  	_ =	shalt  }
0x7c: {  	_ =	shalt  }
0x7d: {  	_ =	shalt  }
0x7e: {  	_ =	shalt  }
0x7f: {  	_ =	shalt  }
0x80: {  	_ =	shalt  }
0x81: {  	_ =	shalt  }
0x82: {  	_ =	shalt  }
0x83: {  	_ =	shalt  }
0x84: {  	_ =	shalt  }
0x85: {  	_ =	shalt  }
0x86: {  	_ =	shalt  }
0x87: {  	_ =	shalt  }
.Lfunc_end0:
.L_simem_size_0:
called_computation_lowered:
.L_overlay_start_0:
0x88: {  	s2 =	sld [smem:$0x3FD9]  }
0x89: {  	s3 =	sld [smem:$0x3FFE];
	_ =	sdelay $0x1  }
0x8a: {  	s1 =	srdreg.scid  }
0x8b: {  	s0 =	sand.u32 $0x1, s1  }
0x8c: {  	s17 =	sshll.u32 s0, $0xA;
	s2 =	sadd.s32 s3, s2  }
0x8d: {  	s2 =	sadd.s32 s2, s17  }
0x8e: {  	[smem:$0x3FC2] =	sst s2  }
0x8f: {  	_ = 	snop  }
0x90: {  	s2 =	sld [smem:$0x3FD0];
	(tm) =	ssettm $0x1  }
0x91: {  	s18 =	sld [smem:$0x3FFB];
	_ =	sdelay $0x3  }
0x92: {  	_ =	strace s18  }
0x93: {  	s3 =	sld [smem:$0x3FFC];
	_ =	sdelay $0x3  }
0x94: {  	_ =	strace s3  }
0x95: {  	s3 =	sld [smem:$0x3FFD];
	_ =	sdelay $0x3  }
0x96: {  	_ =	strace s3  }
0x97: {  	_ =	strace $0x8FFFFFFF  }
0x98: {  	s19 =	sld [smem:$0x3FDB];
	_ =	sdelay $0x1  }
0x99: {  	s4 =	simm.s32 $_scs_section_size  }
0x9a: {  	s5 =	simm.s32 $_size__tile_overlayer_lowered;
	s6 =	simm.s32 $_tile_overlayer_lowered  }
0x9b: {  	s22 =	simm.s32 $0x1BFF;
	s21 =	sshll.u32 s6, $0x1;
	s3 =	sadd.s32 s4, s19  }
0x9c: {  	s7 =	simm.s32 $0x0;
	s20 =	sshll.u32 s5, $0x1;
	s5 =	sadd.s32 s21, s3  }
0x9d: {  	[timem:s7], [sflag:s22] =	dma.local [hbm:s5], s20  }
0x9e: {  	_ =	swait.ge [sflag:s22], s20  }
0x9f: {  	s4 =	ssub.s32 $0x0, s20;
	[sflag:s22] =	ssyncset.done $0x0  }
0xa0: {  	[sflag:s22] =	ssyncadd.s32 s4;
	_ =	sdelay $0x1  }
0xa1: {  	s23 =	simm.s32 $0x1B8B  }
0xa2: {  	_ =	swait.ge [sflag:s23], $0x1  }
0xa3: {  	[sflag:s23] =	ssyncset.done $0x0  }
0xa4: {  	s25 =	simm.s32 $0x1B8E;
	s24 =	sld [smem:$0x3FFE];
	[sflag:s23] =	ssyncadd.s32 $0xFFFFFFFF  }
0xa5: {  	s26 =	simm.s32 $execute0_lowered;
	[smem:$0x3FD2] =	sst s25  }
0xa6: {  	s5 =	sshll.u32 s26, $0x1;
	_ =	strace $0x80000046;
	[dreg:$0x1] =	wrdreg $0xFFFFFFFF  }
0xa7: {  	s28 =	simm.s32 $_size_execute0_lowered;
	s3 =	sadd.s32 s3, s5;
	[dreg:$0x0] =	wrdreg $0x0  }
0xa8: {  	s5 =	sshll.u32 s28, $0x1;
	[dreg:$0x2] =	wrdreg s3  }
0xa9: {  	[dreg:$0x3] =	wrdreg s5  }
0xaa: {  	[dreg:$0x4] =	wrdreg $0xC0  }
0xab: {  	_ =	task [dreg:s7], $0x5FFFF  }
0xac: {  	[dreg:$0x1] =	wrdreg $0xFFFFFFFF  }
0xad: {  	[dreg:$0x0] =	wrdreg $0x60  }
0xae: {  	[dreg:$0x2] =	wrdreg s2  }
0xaf: {  	[dreg:$0x3] =	wrdreg s24  }
0xb0: {  	[dreg:$0x4] =	wrdreg $0x40800  }
0xb1: {  	[dreg:$0x5] =	wrdreg $0x9  }
0xb2: {  	_ =	task.clear_ibuf [dreg:s7], $0x6FFFF;
	_ =	strace $0x90000046  }
0xb3: {  	s29 =	simm.s32 $0x9;
	_ =	strace $0x80000048  }
0xb4: {  	_ =	swait.ge [sflag:s29], $0x1  }
0xb5: {  	[sflag:s29] =	ssyncadd.s32 $0xFFFFFFFF  }
0xb6: {  	_ =	strace $0x90000048  }
0xb7: {  	_ =	sfence  }
0xb8: {  	s30 =	sld [smem:$0x0];
	_ =	sdelay $0x2  }
0xb9: {  	s31 =	sshll.u32 s1, $0xD;
	s1 =	sshrl.u32 s1, $0x2  }
0xba: {  	s3 =	sand.u32 $0x4000, s31;
	s1 =	sadd.s32 s1, s30  }
0xbb: {  	s0 =	sor.u32 s3, s0;
	s1 =	sshll.u32 s1, $0x11  }
0xbc: {  	s0 =	sor.u32 s1, s0  }
0xbd: {  	s0 =	sadd.s32 $0x8F2B, s0  }
0xbe: {  	[sflag:s0] =	ssyncadd.remote.s32 $0x1  }
0xbf: {  	_ =	sfence.sel $0xFFFF  }
0xc0: {  	[dreg:$0x0] =	wrdreg $0xFFFFFFFF;
	(pc) =	sbr.abs _section_cstart, $3  }
0xc1: {  	[dreg:$0x1] =	wrdreg $0xFFFFFFFF  }
0xc2: {  	_ =	task.clear_ibuf [dreg:s7], $0x2FFFF;
	_ =	strace $0x9FFFFFFF  }
0xc3: {  	(tm) =	ssettm $0x7FFFFFFF  }
tec
execute0_lowered:
.L_overlay_start_1:
0x0: {  	(tag) =	ssettag $0x1  }
0x1: {  	s6 =	rddreg [dreg:$0x0]  }
0x2: {  	s1 =	srdreg.scid;
	s8 =	rddreg [dreg:$0x1]  }
0x3: {  	s0 =	stileid.u32;
	s2 =	rddreg [dreg:$0x2];
	s3 =	simm.s32 $0x0  }
0x4: {  	s13 =	simm.s32 $0x50;
	s14 =	simm.s32 $0x80;
	s15 =	simm.s32 $0x10  }
0x5: {  	s16 =	simm.s32 $0x0;
	s7 =	sand.u32 $0x1, s1;
	s24 =	sshrl.u32 s0, $0x3  }
0x6: {  	s1 =	rddreg [dreg:$0x3];
	s9 =	sshll.u32 s0, $0x7;
	s10 =	smul.u32 $0xA00, s0  }
0x7: {  	[smem:$0x7FF] =	sst s3;
	s12 =	sshll.u32 s0, $0xC;
	s4 =	smul.u32 $0x2800, s7  }
0x8: {  	s31 =	sshll.u32 s0, $0x6;
	s5 =	smul.u32 $0x1400, s24;
	s25 =	sand.u32 $0x380, s9  }
0x9: {  	_ =	strace $0x80000047;
	s28 =	ssub.s32 $0x2, s7;
	s7 =	sshll.u32 s7, $0xB  }
0xa: {  	s11 =	sshrl.u32 s28, $0x1;
	s6 =	sadd.s32 s6, s7;
	s29 =	sshrl.u32 s10, $0x2  }
0xb: {  	s10 =	simm.s32 $0x4000;
	s4 =	sadd.s32 s4, s5;
	s5 =	sadd.s32 $0x16200, s8  }
0xc: {  	s9 =	ssub.s32 s28, s11;
	s6 =	sadd.s32 s12, s6;
	s4 =	sor.u32 s25, s4  }
0xd: {  	s30 =	sadd.s32 s29, s2;
	s11 =	sor.u32 $0x1C01, s31;
	s26 =	sshrl.u32 s4, $0x3  }
0xe: {  	s12 =	sshrl.u32 s30, $0x3;
	s4 =	sadd.s32 $0x16000, s8;
	s8 =	sadd.s32 s26, s8  }
0xf: {  	s7 =	sadd.s32 $0x16400, s8;
	s8 =	smax.u32 s9, $0x1;
	s9 =	simm.s32 $0x1  }
.LBB2_1:
0x10: {  	[tilespmem:s3], [sflag:$0x1] =	stream.linear.gather [hbm4b:s6+s3], $0x3E80, $0x38;
	[tilespmem:$0x4300] =	vst v63  }
0x11: {  	_ =	swait.ge [sflag:s9], $0x3E80  }
0x12: {  	[sflag:s9] =	ssyncset.done $0x0  }
0x13: {  	[sflag:s9] =	ssyncadd.s32 $0xFFFFC180  }
0x14: {  	[tilespmem:s10], [sflag:$0x1] =	stream.linear.gather [hbm4b:s4+s3], $0x80, $0x38;
	[tilespmem:$0x4300] =	vst v63  }
0x15: {  	_ =	swait.ge [sflag:s9], $0x80  }
0x16: {  	[sflag:s9] =	ssyncset.done $0x0  }
0x17: {  	[sflag:s9] =	ssyncadd.s32 $0xFFFFFF80  }
0x18: {  	[spmem:s12], [sflag:s11] =	dma.local [hbm:s5], $0x50  }
0x19: {  	_ =	swait.ge [sflag:s9], $0x50  }
0x1a: {  	[sflag:s9] =	ssyncset.done $0x0  }
0x1b: {  	[sflag:s9] =	ssyncadd.s32 $0xFFFFFFB0  }
0x1c: {  	s17 =	simm.s32 $0x0;
	[bflag:$0x0] =	sbarrier.arrive $0xFFFF  }
0x1d: {  	[spmem:s2] =	stream.indirect.scatter.add.f32 [tilespmem:s10], [sflag:$0x1], $0x1, s17, s13, $0xb8;
	[tilespmem:$0x4300] =	vst v63  }
0x1e: {  	_ =	swait.ge [sflag:s9], $0x50  }
0x1f: {  	s17 =	simm.s32 $0x200;
	[sflag:s9] =	ssyncset.done $0x0  }
.LBB2_2:
0x20: {  	s18 =	sshra.s32 s17, $0x2;
	[sflag:s9] =	ssyncadd.s32 $0xFFFFFFB0;
	p0 =	sne.s32 s17, $0xF800  }
0x21: {  	[spmem:s2] =	stream.indirect.scatter.add.f32 [tilespmem:s10], [sflag:$0x1], $0x1, s18, s13, $0xb8;
	[tilespmem:$0x4300] =	vst v63  }
.Ltmp0:
0x22: {  	_ = 	snop;
	(pc) =	sbr.rel @p0 .LBB2_2-.Ltmp0, $4  }
0x23: {  	_ = 	snop  }
0x24: {  	s17 =	sadd.s32 $0x200, s17  }
0x25: {  	_ =	swait.ge [sflag:s9], $0x50  }
0x26: {  	[sflag:s9] =	ssyncset.done $0x0  }
0x27: {  	s16 =	sadd.s32 $0x1, s16  }
0x28: {  	[sflag:s9] =	ssyncadd.s32 $0xFFFFFFB0;
	p0 =	sne.s32 s16, s8  }
.Ltmp1:
0x29: {  	[bflag:$0x0] =	sbarrier.arrive $0xFFFF;
	(pc) =	sbr.rel @p0 .LBB2_1-.Ltmp1, $4  }
0x2a: {  	[hbm:s7@s14], [sflag:s11] =	dma.strided [spmem:s12@s15], $0x50, s9, $0x10   }
0x2b: {  	_ =	swait.ge [sflag:s9], $0x50  }
0x2c: {  	[sflag:s9] =	ssyncset.done $0x0  }
0x2d: {  	[sflag:s9] =	ssyncadd.s32 $0xFFFFFFB0  }
0x2e: {  	_ =	sfence.sel $0x180000  }
0x2f: {  	[bflag:$0x0] =	sbarrier.arrive $0xFFFF  }
0x30: {  	p0 =	sne.s32 s0, $0x0;
	_ =	strace $0x90000047  }
0x31: {  	s0 =	sadd.s32 @!p0 $0x100000, s1;
	[bflag:$0x2] =	sbarrier.arrive $0xFFFF  }
0x32: {  	[sflag:s0] =	ssyncadd.tile.s32 @!p0 $0x1;
	_ =	shalt  }
.Lfunc_end2:
_tile_overlayer_lowered:
.L_overlay_start_2:
0x33: {  	(tag) =	ssettag $0x2  }
0x34: {  	s0 =	rddreg [dreg:$0x0];
	s2 =	stileid.u32  }
0x35: {  	s1 =	rddreg [dreg:$0x1];
	p0 =	sne.s32 s2, $0x0  }
0x36: {  	s3 =	rddreg [dreg:$0x2];
	[bflag:$0x3] =	sbarrier.arrive $0xFFFF;
	s2 =	simm.s32 @!p0 $0x1C01  }
0x37: {  	[timem:s3], [sflag:s2] =	dma.local @!p0 [hbm:s0], s1  }
0x38: {  	s0 =	simm.s32 @!p0 $0x1  }
0x39: {  	_ =	swait.ge @!p0 [sflag:s0], s1  }
0x3a: {  	s1 =	ssub.s32 @!p0 $0x0, s1;
	[sflag:s0] =	ssyncset.done @!p0 $0x0  }
0x3b: {  	[sflag:s0] =	ssyncadd.s32 @!p0 s1  }
0x3c: {  	[bflag:$0x3] =	sbarrier.arrive $0xFFFF  }
0x3d: {  	_ =	shalt  }

</sc_bundles>
